<compile_context>
chip_gen: v7x
topology: tpu7x:2x2x1
jax: 0.10.2.dev20260603
libtpu: 0.0.44.dev20260713+nightly
codegen_flags: <defaults>
</compile_context>

<pallas_src>
import functools

import jax
import jax.numpy as jnp
from jax import lax
from jax.experimental import pallas as pl
from jax.experimental.pallas import tpu as pltpu
from jax.experimental.pallas import tpu_sc as plsc

NW = 32
NS = 16
CHUNK = 125

_SC_PARAMS = pltpu.CompilerParams(use_tc_tiling_on_sc=False)


def _sc_gather(table, idx3, cin):
    nchunk = idx3.shape[1]
    ew = nchunk * CHUNK
    e_total = NW * ew
    mesh = plsc.VectorSubcoreMesh(core_axis_name="c", subcore_axis_name="s")

    group = 8
    grows = group * CHUNK
    ngroup = nchunk // group

    @functools.partial(
        pl.kernel,
        out_type=jax.ShapeDtypeStruct((e_total, cin), jnp.float32),
        mesh=mesh,
        scratch_types=[
            pltpu.VMEM((nchunk, CHUNK), jnp.int32),
            pltpu.VMEM((grows, cin), jnp.float32),
            pltpu.SemaphoreType.DMA,
        ],
        compiler_params=_SC_PARAMS,
    )
    def gk(table_hbm, idx_hbm, out_hbm, idx_v, rows_v, sem):
        c = lax.axis_index("c")
        s = lax.axis_index("s")
        wid = s * 2 + c
        pltpu.sync_copy(idx_hbm.at[wid], idx_v)

        def body(g, carry):
            def inner(j, carry2):
                pltpu.async_copy(table_hbm.at[idx_v.at[g * group + j]],
                                 rows_v.at[pl.ds(j * CHUNK, CHUNK)], sem).wait()
                return carry2

            lax.fori_loop(0, group, inner, 0)
            pltpu.sync_copy(rows_v,
                            out_hbm.at[pl.ds(wid * ew + g * grows, grows)])
            return carry

        lax.fori_loop(0, ngroup, body, 0)

    return gk(table, idx3)


def _sc_scatter(msg, dst3, n_nodes, cout):
    nchunk = dst3.shape[1]
    ew = nchunk * CHUNK
    rpt = n_nodes // NS
    mesh = plsc.VectorSubcoreMesh(core_axis_name="c", subcore_axis_name="s")

    @functools.partial(
        pl.kernel,
        out_type=jax.ShapeDtypeStruct((2, NS, rpt, cout), jnp.float32),
        mesh=mesh,
        scratch_types=[
            pltpu.VMEM((nchunk, CHUNK), jnp.int32),
            pltpu.VMEM((ew, cout), jnp.float32),
            pltpu.VMEM_SHARED((n_nodes, cout), jnp.float32),
        ],
        compiler_params=_SC_PARAMS,
    )
    def sk(msg_hbm, dst_hbm, out_hbm, dst_v, msg_v, acc):
        c = lax.axis_index("c")
        s = lax.axis_index("s")
        wid = s * 2 + c

        def zbody(i, carry):
            msg_v[i, :] = jnp.zeros((16,), jnp.float32)
            return carry

        lax.fori_loop(0, rpt, zbody, 0)
        pltpu.sync_copy(msg_v.at[pl.ds(0, rpt)], acc.at[pl.ds(s * rpt, rpt)])
        plsc.subcore_barrier()

        pltpu.sync_copy(dst_hbm.at[wid], dst_v)
        pltpu.sync_copy(msg_hbm.at[pl.ds(wid * ew, ew)], msg_v)

        def body(j, carry):
            pltpu.sync_copy(msg_v.at[pl.ds(j * CHUNK, CHUNK)],
                            acc.at[dst_v.at[j]], add=True)
            return carry

        lax.fori_loop(0, nchunk, body, 0)
        plsc.subcore_barrier()

        pltpu.sync_copy(acc.at[pl.ds(s * rpt, rpt)], msg_v.at[pl.ds(0, rpt)])
        pltpu.sync_copy(msg_v.at[pl.ds(0, rpt)], out_hbm.at[c, s])

    return sk(msg, dst3).reshape(2, n_nodes, cout)


def _tc_msg(ea, xj, wp, bp, cin, cout, te):
    e_total = ea.shape[0]
    fe = ea.shape[1]
    k = cin * cout

    def mk(ea_ref, xj_ref, w_ref, b_ref, out_ref):
        q = jnp.dot(ea_ref[...], w_ref[...], preferred_element_type=jnp.float32)
        q = jnp.maximum(q + b_ref[...], 0.0)
        xr = jnp.tile(xj_ref[...], (1, cout))
        sel = (lax.broadcasted_iota(jnp.int32, (k, cout), 0) // cin ==
               lax.broadcasted_iota(jnp.int32, (k, cout), 1)).astype(jnp.float32)
        out_ref[...] = jnp.dot(xr * q, sel, preferred_element_type=jnp.float32)

    return pl.pallas_call(
        mk,
        grid=(e_total // te,),
        in_specs=[
            pl.BlockSpec((te, fe), lambda i: (i, 0)),
            pl.BlockSpec((te, cin), lambda i: (i, 0)),
            pl.BlockSpec((fe, k), lambda i: (0, 0)),
            pl.BlockSpec((1, k), lambda i: (0, 0)),
        ],
        out_specs=pl.BlockSpec((te, cout), lambda i: (i, 0)),
        out_shape=jax.ShapeDtypeStruct((e_total, cout), jnp.float32),
    )(ea, xj, wp, bp)


def _tc_update(p, h, root, bias2, g2, b2):
    n = h.shape[0]
    cout = root.shape[1]

    def uk(p_ref, h_ref, r_ref, bias_ref, g_ref, b_ref, out_ref):
        z = (p_ref[0] + p_ref[1] + bias_ref[...] +
             jnp.dot(h_ref[...], r_ref[...], preferred_element_type=jnp.float32))
        m = jnp.mean(z, axis=0, keepdims=True)
        v = jnp.mean((z - m) ** 2, axis=0, keepdims=True)
        zn = (z - m) * lax.rsqrt(v + 1e-5) * g_ref[...] + b_ref[...]
        out_ref[...] = jnp.maximum(zn, 0.0)

    return pl.pallas_call(
        uk, out_shape=jax.ShapeDtypeStruct((n, cout), jnp.float32),
    )(p, h, root, bias2, g2, b2)


def _tc_update_head(p, h, root, bias2, g2, b2, batch2, n_graphs,
                    fc1_w, fc1_b2, fc2_w, fc2_b2):
    n = h.shape[0]

    def uk(p_ref, h_ref, r_ref, bias_ref, g_ref, b_ref, batch_ref,
           w1_ref, b1_ref, w2_ref, b2_ref, out_ref):
        z = (p_ref[0] + p_ref[1] + bias_ref[...] +
             jnp.dot(h_ref[...], r_ref[...], preferred_element_type=jnp.float32))
        m = jnp.mean(z, axis=0, keepdims=True)
        v = jnp.mean((z - m) ** 2, axis=0, keepdims=True)
        hh = jnp.maximum((z - m) * lax.rsqrt(v + 1e-5) * g_ref[...] + b_ref[...], 0.0)
        onehot = (batch_ref[...] ==
                  lax.broadcasted_iota(jnp.int32, (n_graphs, n), 0)
                  ).astype(jnp.float32)
        ssum = jnp.dot(onehot, hh, preferred_element_type=jnp.float32)
        cnt = jnp.sum(onehot, axis=1, keepdims=True)
        pooled = ssum / jnp.maximum(cnt, 1.0)
        o = jnp.maximum(
            jnp.dot(pooled, w1_ref[...], preferred_element_type=jnp.float32)
            + b1_ref[...], 0.0)
        out_ref[...] = (jnp.dot(o, w2_ref[...], preferred_element_type=jnp.float32)
                        + b2_ref[...])

    return pl.pallas_call(
        uk, out_shape=jax.ShapeDtypeStruct((n_graphs, 1), jnp.float32),
    )(p, h, root, bias2, g2, b2, batch2, fc1_w, fc1_b2, fc2_w, fc2_b2)


def _perm(w, b, cin, cout):
    fe = w.shape[0]
    wp = w.reshape(fe, cin, cout).transpose(0, 2, 1).reshape(fe, cin * cout)
    bp = b.reshape(cin, cout).T.reshape(1, cin * cout)
    return wp, bp


def kernel(x, edge_index, edge_attr, batch,
           en1_W, en1_b, en2_W, en2_b, en3_W, en3_b,
           conv1_root, conv1_bias, conv2_root, conv2_bias,
           conv3_root, conv3_bias,
           bn1_g, bn1_b, bn2_g, bn2_b, bn3_g, bn3_b,
           fc1_W, fc1_b, fc2_W, fc2_b):
    n, f_in = x.shape
    e_total = edge_index.shape[1]
    h_dim = conv1_root.shape[1]
    n_graphs = 64
    ew = e_total // NW
    nchunk = ew // CHUNK

    src3 = edge_index[0].reshape(NW, nchunk, CHUNK)
    dst3 = edge_index[1].reshape(NW, nchunk, CHUNK)
    batch2 = batch.reshape(1, n)

    wp1, bp1 = _perm(en1_W, en1_b, f_in, h_dim)
    wp2, bp2 = _perm(en2_W, en2_b, h_dim, h_dim)
    wp3, bp3 = _perm(en3_W, en3_b, h_dim, h_dim)

    def l2(v):
        return v.reshape(1, -1)

    h = x
    cin = f_in
    for (wp, bp, root, bias, g, b, te) in (
            (wp1, bp1, conv1_root, conv1_bias, bn1_g, bn1_b, 640),
            (wp2, bp2, conv2_root, conv2_bias, bn2_g, bn2_b, 1280),
            (wp3, bp3, conv3_root, conv3_bias, bn3_g, bn3_b, 1280),
    ):
        xj = _sc_gather(h, src3, cin)
        msg = _tc_msg(edge_attr, xj, wp, bp, cin, h_dim, te)
        p = _sc_scatter(msg, dst3, n, h_dim)
        if root is conv3_root:
            out = _tc_update_head(p, h, root, l2(bias), l2(g), l2(b),
                                  batch2, n_graphs,
                                  fc1_W, l2(fc1_b), fc2_W, l2(fc2_b))
        else:
            h = _tc_update(p, h, root, l2(bias), l2(g), l2(b))
            cin = h_dim
    return out

# --- scband reference (transcript-rebuilt; emitter-appended) ---
"""Pipeline reference for scband-reaction-mpnn-62732292326000 (READ-ONLY COPY).

The authoritative reference and input builder live on the scoring server;
editing this copy changes nothing except your own understanding.
"""

import jax, jax.numpy as jnp
import numpy as np

N = 10000
E = 160000
F_IN = 32
F_E = 4
H = 16
G = 64


def setup_inputs(seed: int = 0) -> dict:
    key = jax.random.key(seed)
    ks = jax.random.split(key, 24)

    def p(k, shape, s=0.1):
        return (s * jax.random.normal(k, shape, dtype=jnp.float32))

    inp = {}
    inp['x'] = jax.random.normal(ks[0], (N, F_IN), dtype=jnp.float32)
    inp['edge_index'] = jax.random.randint(ks[1], (2, E), 0, N, dtype=jnp.int32)
    inp['edge_attr'] = jax.random.uniform(ks[2], (E, F_E), dtype=jnp.float32)
    inp['batch'] = jnp.sort(jax.random.randint(ks[3], (N,), 0, G, dtype=jnp.int32))
    # edge networks (Linear + ReLU) producing per-edge weight matrices
    inp['en1_W'] = p(ks[4], (F_E, F_IN * H))
    inp['en1_b'] = jnp.zeros((F_IN * H,), jnp.float32)
    inp['en2_W'] = p(ks[5], (F_E, H * H))
    inp['en2_b'] = jnp.zeros((H * H,), jnp.float32)
    inp['en3_W'] = p(ks[6], (F_E, H * H))
    inp['en3_b'] = jnp.zeros((H * H,), jnp.float32)
    # NNConv root weights + biases
    inp['conv1_root'] = p(ks[7], (F_IN, H))
    inp['conv1_bias'] = jnp.zeros((H,), jnp.float32)
    inp['conv2_root'] = p(ks[8], (H, H))
    inp['conv2_bias'] = jnp.zeros((H,), jnp.float32)
    inp['conv3_root'] = p(ks[9], (H, H))
    inp['conv3_bias'] = jnp.zeros((H,), jnp.float32)
    # batchnorm affine params
    inp['bn1_g'] = jnp.ones((H,), jnp.float32)
    inp['bn1_b'] = jnp.zeros((H,), jnp.float32)
    inp['bn2_g'] = jnp.ones((H,), jnp.float32)
    inp['bn2_b'] = jnp.zeros((H,), jnp.float32)
    inp['bn3_g'] = jnp.ones((H,), jnp.float32)
    inp['bn3_b'] = jnp.zeros((H,), jnp.float32)
    # head
    inp['fc1_W'] = p(ks[10], (H, 64))
    inp['fc1_b'] = jnp.zeros((64,), jnp.float32)
    inp['fc2_W'] = p(ks[11], (64, 1))
    inp['fc2_b'] = jnp.zeros((1,), jnp.float32)
    return inp


def reference(x, edge_index, edge_attr, batch,
              en1_W, en1_b, en2_W, en2_b, en3_W, en3_b,
              conv1_root, conv1_bias, conv2_root, conv2_bias, conv3_root, conv3_bias,
              bn1_g, bn1_b, bn2_g, bn2_b, bn3_g, bn3_b,
              fc1_W, fc1_b, fc2_W, fc2_b):
    src = edge_index[0]
    dst = edge_index[1]

    def nnconv(h, W, b, root, bias, cin, cout):
        # edge network: Linear + ReLU -> per-edge [cin, cout] weight
        w = jax.nn.relu(edge_attr @ W + b).reshape(E, cin, cout)
        xj = h[src]  # gather source node features
        msg = jnp.einsum('ei,eio->eo', xj, w)
        agg = jax.ops.segment_sum(msg, dst, num_segments=N)  # aggr='add'
        return agg + h @ root + bias

    def bn(h, g, b):
        m = h.mean(axis=0)
        v = h.var(axis=0)
        return (h - m) / jnp.sqrt(v + 1e-5) * g + b

    h = jax.nn.relu(bn(nnconv(x, en1_W, en1_b, conv1_root, conv1_bias, F_IN, H), bn1_g, bn1_b))
    # dropout is identity in eval mode
    h = jax.nn.relu(bn(nnconv(h, en2_W, en2_b, conv2_root, conv2_bias, H, H), bn2_g, bn2_b))
    h = jax.nn.relu(bn(nnconv(h, en3_W, en3_b, conv3_root, conv3_bias, H, H), bn3_g, bn3_b))
    # global mean pool over graphs
    s = jax.ops.segment_sum(h, batch, num_segments=G)
    cnt = jax.ops.segment_sum(jnp.ones((N, 1), jnp.float32), batch, num_segments=G)
    pooled = s / jnp.maximum(cnt, 1.0)
    out = jax.nn.relu(pooled @ fc1_W + fc1_b)
    out = out @ fc2_W + fc2_b
    return out

if __name__ == "__main__":
    import jax
    _d = setup_inputs()
    print(jax.jit(kernel)(*tuple(_d.values())))

</pallas_src>

<mosaic_0001>
#map = affine_map<(d0, d1) -> (0, 0)>
#map1 = affine_map<(d0, d1) -> (0, 0, 0)>
#map2 = affine_map<(d0, d1) -> (0, 0, 0, 0)>
module attributes {stable_mosaic.version = 14 : i64} {
  func.func @sk(%arg0: i32, %arg1: i32, %arg2: memref<160000x16xf32, #tpu.memory_space<hbm>>, %arg3: memref<32x40x125xi32, #tpu.memory_space<hbm>>, %arg4: memref<2x16x625x16xf32, #tpu.memory_space<hbm>>, %arg5: memref<40x125xi32, #tpu.memory_space<vmem>>, %arg6: memref<5000x16xf32, #tpu.memory_space<vmem>>, %arg7: memref<10000x16xf32, #tpu.memory_space<vmem_shared>>) attributes {dimension_semantics = [#tpu.dimension_semantics<core_parallel>, #tpu.dimension_semantics<subcore_parallel>], iteration_bounds = array<i64: 2, 16>, scalar_prefetch = 0 : i64, scratch_operands = 3 : i64, tpu.core_type = #tpu.core_type<sc_vector_subcore>, window_params = [{transform_indices = #map}, {transform_indices = #map1}, {transform_indices = #map2}]} {
    %mul3A = arith.constant 2 : i32
    %mul3A_0 = arith.muli %arg1, %mul3A : i32
    %add3A = arith.addi %mul3A_0, %arg0 : i32
    %scan3A = arith.constant 0 : i32
    %scan3A_1 = arith.constant 0 : i32
    %scan3A_2 = arith.constant 625 : i32
    %scan3A_3 = arith.addi %scan3A_1, %scan3A_2 : i32
    %scan3A_4 = arith.constant 1 : i32
    scf.for %scan3A_19 = %scan3A_1 to %scan3A_3 step %scan3A_4  : i32 {
      %broadcast_in_dim3A = arith.constant 0.000000e+00 : f32
      %broadcast_in_dim3A_20 = vector.broadcast %broadcast_in_dim3A : f32 to vector<16xf32>
      %swap3A = arith.index_cast %scan3A_19 : i32 to index
      %swap3A_21 = arith.constant 0 : index
      %swap3A_22 = tpu.vector_load %arg6[%swap3A, %swap3A_21] {strides = array<i32>} : memref<5000x16xf32, #tpu.memory_space<vmem>>, vector<1x16xf32>,
      %swap3A_23 = vector.shape_cast %swap3A_22 : vector<1x16xf32> to vector<16xf32>
      %swap3A_24 = vector.shape_cast %broadcast_in_dim3A_20 : vector<16xf32> to vector<1x16xf32>
      tpu.vector_store %arg6[%swap3A, %swap3A_21], %swap3A_24 {strides = array<i32>} : memref<5000x16xf32, #tpu.memory_space<vmem>>, vector<1x16xf32>,
    }
    %scan3A_5 = arith.constant 625 : i32
    %mul3A_6 = arith.constant 625 : i32
    %mul3A_7 = arith.muli %arg1, %mul3A_6 : i32
    "tpu.region"() ({
      %run_scoped3A = tpu.sem_alloc : memref<!tpu.dma_semaphore, #tpu.memory_space<semaphore_mem>>
      %dma_start3A = arith.constant 0 : i32
      %dma_start3A_19 = arith.constant 0 : i32
      %dma_start3A_20 = tpu.memref_slice %arg6[%dma_start3A, %dma_start3A_19] : memref<5000x16xf32, #tpu.memory_space<vmem>> -> memref<625x16xf32, #tpu.memory_space<vmem>>
      %dma_start3A_21 = arith.constant 0 : i32
      %dma_start3A_22 = tpu.memref_slice %arg7[%mul3A_7, %dma_start3A_21] : memref<10000x16xf32, #tpu.memory_space<vmem_shared>> -> memref<625x16xf32, #tpu.memory_space<vmem_shared>>
      %dma_start3A_23 = arith.constant 0 : i32
      %dma_start3A_24 = tpu.memref_slice %arg7[%mul3A_7, %dma_start3A_23] : memref<10000x16xf32, #tpu.memory_space<vmem_shared>> -> memref<625x16xf32, #tpu.memory_space<vmem_shared>>
      %dma_start3A_25 = arith.constant 0 : i32
      %dma_start3A_26 = arith.constant 0 : i32
      %dma_start3A_27 = tpu.memref_slice %arg6[%dma_start3A_25, %dma_start3A_26] : memref<5000x16xf32, #tpu.memory_space<vmem>> -> memref<625x16xf32, #tpu.memory_space<vmem>>
      tpu.enqueue_dma source(%dma_start3A_27 : memref<625x16xf32, #tpu.memory_space<vmem>>) target(%dma_start3A_24 : memref<625x16xf32, #tpu.memory_space<vmem_shared>>) target_semaphore(%run_scoped3A : memref<!tpu.dma_semaphore, #tpu.memory_space<semaphore_mem>>)
      %dma_wait3A = arith.constant 0 : i32
      %dma_wait3A_28 = arith.constant 0 : i32
      %dma_wait3A_29 = tpu.memref_slice %arg6[%dma_wait3A, %dma_wait3A_28] : memref<5000x16xf32, #tpu.memory_space<vmem>> -> memref<625x16xf32, #tpu.memory_space<vmem>>
      %dma_wait3A_30 = arith.constant 0 : i32
      %dma_wait3A_31 = tpu.memref_slice %arg7[%mul3A_7, %dma_wait3A_30] : memref<10000x16xf32, #tpu.memory_space<vmem_shared>> -> memref<625x16xf32, #tpu.memory_space<vmem_shared>>
      %dma_wait3A_32 = arith.constant 0 : i32
      %dma_wait3A_33 = tpu.memref_slice %arg7[%mul3A_7, %dma_wait3A_32] : memref<10000x16xf32, #tpu.memory_space<vmem_shared>> -> memref<625x16xf32, #tpu.memory_space<vmem_shared>>
      %dma_wait3A_34 = arith.constant 0 : i32
      %dma_wait3A_35 = arith.constant 0 : i32
      %dma_wait3A_36 = tpu.memref_slice %arg6[%dma_wait3A_34, %dma_wait3A_35] : memref<5000x16xf32, #tpu.memory_space<vmem>> -> memref<625x16xf32, #tpu.memory_space<vmem>>
      tpu.wait_dma2 semaphore(%run_scoped3A : memref<!tpu.dma_semaphore, #tpu.memory_space<semaphore_mem>>) src(%dma_wait3A_36 : memref<625x16xf32, #tpu.memory_space<vmem>>) dst(%dma_wait3A_33 : memref<625x16xf32, #tpu.memory_space<vmem_shared>>)
      tpu.yield
    }) : () -> ()
    %barrier3A = arith.constant 0 : index
    tpu.barrier barrier_id(%barrier3A)
    "tpu.region"() ({
      %run_scoped3A = tpu.sem_alloc : memref<!tpu.dma_semaphore, #tpu.memory_space<semaphore_mem>>
      %dma_start3A = arith.constant 0 : i32
      %dma_start3A_19 = arith.constant 0 : i32
      %dma_start3A_20 = tpu.memref_slice %arg3[%add3A, %dma_start3A, %dma_start3A_19] : memref<32x40x125xi32, #tpu.memory_space<hbm>> -> memref<1x40x125xi32, #tpu.memory_space<hbm>>
      %dma_start3A_21 = tpu.memref_squeeze %dma_start3A_20 : memref<1x40x125xi32, #tpu.memory_space<hbm>> -> memref<40x125xi32, #tpu.memory_space<hbm>>
      %dma_start3A_22 = arith.constant 0 : i32
      %dma_start3A_23 = arith.constant 0 : i32
      %dma_start3A_24 = tpu.memref_slice %arg3[%add3A, %dma_start3A_22, %dma_start3A_23] : memref<32x40x125xi32, #tpu.memory_space<hbm>> -> memref<1x40x125xi32, #tpu.memory_space<hbm>>
      %dma_start3A_25 = tpu.memref_squeeze %dma_start3A_24 : memref<1x40x125xi32, #tpu.memory_space<hbm>> -> memref<40x125xi32, #tpu.memory_space<hbm>>
      tpu.enqueue_dma source(%dma_start3A_25 : memref<40x125xi32, #tpu.memory_space<hbm>>) target(%arg5 : memref<40x125xi32, #tpu.memory_space<vmem>>) target_semaphore(%run_scoped3A : memref<!tpu.dma_semaphore, #tpu.memory_space<semaphore_mem>>)
      %dma_wait3A = arith.constant 0 : i32
      %dma_wait3A_26 = arith.constant 0 : i32
      %dma_wait3A_27 = tpu.memref_slice %arg3[%add3A, %dma_wait3A, %dma_wait3A_26] : memref<32x40x125xi32, #tpu.memory_space<hbm>> -> memref<1x40x125xi32, #tpu.memory_space<hbm>>
      %dma_wait3A_28 = tpu.memref_squeeze %dma_wait3A_27 : memref<1x40x125xi32, #tpu.memory_space<hbm>> -> memref<40x125xi32, #tpu.memory_space<hbm>>
      %dma_wait3A_29 = arith.constant 0 : i32
      %dma_wait3A_30 = arith.constant 0 : i32
      %dma_wait3A_31 = tpu.memref_slice %arg3[%add3A, %dma_wait3A_29, %dma_wait3A_30] : memref<32x40x125xi32, #tpu.memory_space<hbm>> -> memref<1x40x125xi32, #tpu.memory_space<hbm>>
      %dma_wait3A_32 = tpu.memref_squeeze %dma_wait3A_31 : memref<1x40x125xi32, #tpu.memory_space<hbm>> -> memref<40x125xi32, #tpu.memory_space<hbm>>
      tpu.wait_dma2 semaphore(%run_scoped3A : memref<!tpu.dma_semaphore, #tpu.memory_space<semaphore_mem>>) src(%dma_wait3A_32 : memref<40x125xi32, #tpu.memory_space<hbm>>) dst(%arg5 : memref<40x125xi32, #tpu.memory_space<vmem>>)
      tpu.yield
    }) : () -> ()
    %mul3A_8 = arith.constant 5000 : i32
    %mul3A_9 = arith.muli %add3A, %mul3A_8 : i32
    "tpu.region"() ({
      %run_scoped3A = tpu.sem_alloc : memref<!tpu.dma_semaphore, #tpu.memory_space<semaphore_mem>>
      %dma_start3A = arith.constant 0 : i32
      %dma_start3A_19 = tpu.memref_slice %arg2[%mul3A_9, %dma_start3A] : memref<160000x16xf32, #tpu.memory_space<hbm>> -> memref<5000x16xf32, #tpu.memory_space<hbm>>
      %dma_start3A_20 = arith.constant 0 : i32
      %dma_start3A_21 = tpu.memref_slice %arg2[%mul3A_9, %dma_start3A_20] : memref<160000x16xf32, #tpu.memory_space<hbm>> -> memref<5000x16xf32, #tpu.memory_space<hbm>>
      tpu.enqueue_dma source(%dma_start3A_21 : memref<5000x16xf32, #tpu.memory_space<hbm>>) target(%arg6 : memref<5000x16xf32, #tpu.memory_space<vmem>>) target_semaphore(%run_scoped3A : memref<!tpu.dma_semaphore, #tpu.memory_space<semaphore_mem>>)
      %dma_wait3A = arith.constant 0 : i32
      %dma_wait3A_22 = tpu.memref_slice %arg2[%mul3A_9, %dma_wait3A] : memref<160000x16xf32, #tpu.memory_space<hbm>> -> memref<5000x16xf32, #tpu.memory_space<hbm>>
      %dma_wait3A_23 = arith.constant 0 : i32
      %dma_wait3A_24 = tpu.memref_slice %arg2[%mul3A_9, %dma_wait3A_23] : memref<160000x16xf32, #tpu.memory_space<hbm>> -> memref<5000x16xf32, #tpu.memory_space<hbm>>
      tpu.wait_dma2 semaphore(%run_scoped3A : memref<!tpu.dma_semaphore, #tpu.memory_space<semaphore_mem>>) src(%dma_wait3A_24 : memref<5000x16xf32, #tpu.memory_space<hbm>>) dst(%arg6 : memref<5000x16xf32, #tpu.memory_space<vmem>>)
      tpu.yield
    }) : () -> ()
    %scan3A_10 = arith.constant 0 : i32
    %scan3A_11 = arith.constant 0 : i32
    %scan3A_12 = arith.constant 40 : i32
    %scan3A_13 = arith.addi %scan3A_11, %scan3A_12 : i32
    %scan3A_14 = arith.constant 1 : i32
    scf.for %scan3A_19 = %scan3A_11 to %scan3A_13 step %scan3A_14  : i32 {
      %mul3A_20 = arith.constant 125 : i32
      %mul3A_21 = arith.muli %scan3A_19, %mul3A_20 : i32
      "tpu.region"() ({
        %run_scoped3A = tpu.sem_alloc : memref<!tpu.dma_semaphore, #tpu.memory_space<semaphore_mem>>
        %dma_start3A = arith.constant 0 : i32
        %dma_start3A_22 = tpu.memref_slice %arg6[%mul3A_21, %dma_start3A] : memref<5000x16xf32, #tpu.memory_space<vmem>> -> memref<125x16xf32, #tpu.memory_space<vmem>>
        %dma_start3A_23 = arith.constant 0 : i32
        %dma_start3A_24 = tpu.memref_slice %arg5[%scan3A_19, %dma_start3A_23] : memref<40x125xi32, #tpu.memory_space<vmem>> -> memref<1x125xi32, #tpu.memory_space<vmem>>
        %dma_start3A_25 = tpu.memref_squeeze %dma_start3A_24 : memref<1x125xi32, #tpu.memory_space<vmem>> -> memref<125xi32, #tpu.memory_space<vmem>>
        %dma_start3A_26 = arith.constant 0 : i32
        %dma_start3A_27 = arith.constant 0 : i32
        %dma_start3A_28 = tpu.memref_slice %arg7[%dma_start3A_26, %dma_start3A_27] : memref<10000x16xf32, #tpu.memory_space<vmem_shared>> -> memref<10000x16xf32, #tpu.memory_space<vmem_shared>>
        tpu.enqueue_indirect_dma source(%dma_start3A_22 : memref<125x16xf32, #tpu.memory_space<vmem>>) target(%dma_start3A_28 : memref<10000x16xf32, #tpu.memory_space<vmem_shared>>) offsets(%dma_start3A_25 : memref<125xi32, #tpu.memory_space<vmem>>) semaphore(%run_scoped3A : memref<!tpu.dma_semaphore, #tpu.memory_space<semaphore_mem>>) {add = true}
        %dma_wait3A = arith.constant 0 : i32
        %dma_wait3A_29 = tpu.memref_slice %arg6[%mul3A_21, %dma_wait3A] : memref<5000x16xf32, #tpu.memory_space<vmem>> -> memref<125x16xf32, #tpu.memory_space<vmem>>
        %dma_wait3A_30 = arith.constant 0 : i32
        %dma_wait3A_31 = tpu.memref_slice %arg5[%scan3A_19, %dma_wait3A_30] : memref<40x125xi32, #tpu.memory_space<vmem>> -> memref<1x125xi32, #tpu.memory_space<vmem>>
        %dma_wait3A_32 = tpu.memref_squeeze %dma_wait3A_31 : memref<1x125xi32, #tpu.memory_space<vmem>> -> memref<125xi32, #tpu.memory_space<vmem>>
        %dma_wait3A_33 = arith.constant 0 : i32
        %dma_wait3A_34 = arith.constant 0 : i32
        %dma_wait3A_35 = tpu.memref_slice %arg7[%dma_wait3A_33, %dma_wait3A_34] : memref<10000x16xf32, #tpu.memory_space<vmem_shared>> -> memref<10000x16xf32, #tpu.memory_space<vmem_shared>>
        tpu.wait_indirect_dma semaphore(%run_scoped3A : memref<!tpu.dma_semaphore, #tpu.memory_space<semaphore_mem>>) src(%dma_wait3A_29 : memref<125x16xf32, #tpu.memory_space<vmem>>) dst(%dma_wait3A_35 : memref<10000x16xf32, #tpu.memory_space<vmem_shared>>)
        tpu.yield
      }) : () -> ()
    }
    %scan3A_15 = arith.constant 40 : i32
    %barrier3A_16 = arith.constant 0 : index
    tpu.barrier barrier_id(%barrier3A_16)
    %mul3A_17 = arith.constant 625 : i32
    %mul3A_18 = arith.muli %arg1, %mul3A_17 : i32
    "tpu.region"() ({
      %run_scoped3A = tpu.sem_alloc : memref<!tpu.dma_semaphore, #tpu.memory_space<semaphore_mem>>
      %dma_start3A = arith.constant 0 : i32
      %dma_start3A_19 = arith.constant 0 : i32
      %dma_start3A_20 = tpu.memref_slice %arg6[%dma_start3A, %dma_start3A_19] : memref<5000x16xf32, #tpu.memory_space<vmem>> -> memref<625x16xf32, #tpu.memory_space<vmem>>
      %dma_start3A_21 = arith.constant 0 : i32
      %dma_start3A_22 = tpu.memref_slice %arg7[%mul3A_18, %dma_start3A_21] : memref<10000x16xf32, #tpu.memory_space<vmem_shared>> -> memref<625x16xf32, #tpu.memory_space<vmem_shared>>
      %dma_start3A_23 = arith.constant 0 : i32
      %dma_start3A_24 = arith.constant 0 : i32
      %dma_start3A_25 = tpu.memref_slice %arg6[%dma_start3A_23, %dma_start3A_24] : memref<5000x16xf32, #tpu.memory_space<vmem>> -> memref<625x16xf32, #tpu.memory_space<vmem>>
      %dma_start3A_26 = arith.constant 0 : i32
      %dma_start3A_27 = tpu.memref_slice %arg7[%mul3A_18, %dma_start3A_26] : memref<10000x16xf32, #tpu.memory_space<vmem_shared>> -> memref<625x16xf32, #tpu.memory_space<vmem_shared>>
      tpu.enqueue_dma source(%dma_start3A_27 : memref<625x16xf32, #tpu.memory_space<vmem_shared>>) target(%dma_start3A_25 : memref<625x16xf32, #tpu.memory_space<vmem>>) target_semaphore(%run_scoped3A : memref<!tpu.dma_semaphore, #tpu.memory_space<semaphore_mem>>)
      %dma_wait3A = arith.constant 0 : i32
      %dma_wait3A_28 = arith.constant 0 : i32
      %dma_wait3A_29 = tpu.memref_slice %arg6[%dma_wait3A, %dma_wait3A_28] : memref<5000x16xf32, #tpu.memory_space<vmem>> -> memref<625x16xf32, #tpu.memory_space<vmem>>
      %dma_wait3A_30 = arith.constant 0 : i32
      %dma_wait3A_31 = tpu.memref_slice %arg7[%mul3A_18, %dma_wait3A_30] : memref<10000x16xf32, #tpu.memory_space<vmem_shared>> -> memref<625x16xf32, #tpu.memory_space<vmem_shared>>
      %dma_wait3A_32 = arith.constant 0 : i32
      %dma_wait3A_33 = arith.constant 0 : i32
      %dma_wait3A_34 = tpu.memref_slice %arg6[%dma_wait3A_32, %dma_wait3A_33] : memref<5000x16xf32, #tpu.memory_space<vmem>> -> memref<625x16xf32, #tpu.memory_space<vmem>>
      %dma_wait3A_35 = arith.constant 0 : i32
      %dma_wait3A_36 = tpu.memref_slice %arg7[%mul3A_18, %dma_wait3A_35] : memref<10000x16xf32, #tpu.memory_space<vmem_shared>> -> memref<625x16xf32, #tpu.memory_space<vmem_shared>>
      tpu.wait_dma2 semaphore(%run_scoped3A : memref<!tpu.dma_semaphore, #tpu.memory_space<semaphore_mem>>) src(%dma_wait3A_36 : memref<625x16xf32, #tpu.memory_space<vmem_shared>>) dst(%dma_wait3A_34 : memref<625x16xf32, #tpu.memory_space<vmem>>)
      tpu.yield
    }) : () -> ()
    "tpu.region"() ({
      %run_scoped3A = tpu.sem_alloc : memref<!tpu.dma_semaphore, #tpu.memory_space<semaphore_mem>>
      %dma_start3A = arith.constant 0 : i32
      %dma_start3A_19 = arith.constant 0 : i32
      %dma_start3A_20 = tpu.memref_slice %arg6[%dma_start3A, %dma_start3A_19] : memref<5000x16xf32, #tpu.memory_space<vmem>> -> memref<625x16xf32, #tpu.memory_space<vmem>>
      %dma_start3A_21 = arith.constant 0 : i32
      %dma_start3A_22 = arith.constant 0 : i32
      %dma_start3A_23 = tpu.memref_slice %arg4[%arg0, %arg1, %dma_start3A_21, %dma_start3A_22] : memref<2x16x625x16xf32, #tpu.memory_space<hbm>> -> memref<1x1x625x16xf32, #tpu.memory_space<hbm>>
      %dma_start3A_24 = tpu.memref_squeeze %dma_start3A_23 : memref<1x1x625x16xf32, #tpu.memory_space<hbm>> -> memref<625x16xf32, #tpu.memory_space<hbm>>
      %dma_start3A_25 = arith.constant 0 : i32
      %dma_start3A_26 = arith.constant 0 : i32
      %dma_start3A_27 = tpu.memref_slice %arg4[%arg0, %arg1, %dma_start3A_25, %dma_start3A_26] : memref<2x16x625x16xf32, #tpu.memory_space<hbm>> -> memref<1x1x625x16xf32, #tpu.memory_space<hbm>>
      %dma_start3A_28 = tpu.memref_squeeze %dma_start3A_27 : memref<1x1x625x16xf32, #tpu.memory_space<hbm>> -> memref<625x16xf32, #tpu.memory_space<hbm>>
      %dma_start3A_29 = arith.constant 0 : i32
      %dma_start3A_30 = arith.constant 0 : i32
      %dma_start3A_31 = tpu.memref_slice %arg6[%dma_start3A_29, %dma_start3A_30] : memref<5000x16xf32, #tpu.memory_space<vmem>> -> memref<625x16xf32, #tpu.memory_space<vmem>>
      tpu.enqueue_dma source(%dma_start3A_31 : memref<625x16xf32, #tpu.memory_space<vmem>>) target(%dma_start3A_28 : memref<625x16xf32, #tpu.memory_space<hbm>>) target_semaphore(%run_scoped3A : memref<!tpu.dma_semaphore, #tpu.memory_space<semaphore_mem>>)
      %dma_wait3A = arith.constant 0 : i32
      %dma_wait3A_32 = arith.constant 0 : i32
      %dma_wait3A_33 = tpu.memref_slice %arg6[%dma_wait3A, %dma_wait3A_32] : memref<5000x16xf32, #tpu.memory_space<vmem>> -> memref<625x16xf32, #tpu.memory_space<vmem>>
      %dma_wait3A_34 = arith.constant 0 : i32
      %dma_wait3A_35 = arith.constant 0 : i32
      %dma_wait3A_36 = tpu.memref_slice %arg4[%arg0, %arg1, %dma_wait3A_34, %dma_wait3A_35] : memref<2x16x625x16xf32, #tpu.memory_space<hbm>> -> memref<1x1x625x16xf32, #tpu.memory_space<hbm>>
      %dma_wait3A_37 = tpu.memref_squeeze %dma_wait3A_36 : memref<1x1x625x16xf32, #tpu.memory_space<hbm>> -> memref<625x16xf32, #tpu.memory_space<hbm>>
      %dma_wait3A_38 = arith.constant 0 : i32
      %dma_wait3A_39 = arith.constant 0 : i32
      %dma_wait3A_40 = tpu.memref_slice %arg4[%arg0, %arg1, %dma_wait3A_38, %dma_wait3A_39] : memref<2x16x625x16xf32, #tpu.memory_space<hbm>> -> memref<1x1x625x16xf32, #tpu.memory_space<hbm>>
      %dma_wait3A_41 = tpu.memref_squeeze %dma_wait3A_40 : memref<1x1x625x16xf32, #tpu.memory_space<hbm>> -> memref<625x16xf32, #tpu.memory_space<hbm>>
      %dma_wait3A_42 = arith.constant 0 : i32
      %dma_wait3A_43 = arith.constant 0 : i32
      %dma_wait3A_44 = tpu.memref_slice %arg6[%dma_wait3A_42, %dma_wait3A_43] : memref<5000x16xf32, #tpu.memory_space<vmem>> -> memref<625x16xf32, #tpu.memory_space<vmem>>
      tpu.wait_dma2 semaphore(%run_scoped3A : memref<!tpu.dma_semaphore, #tpu.memory_space<semaphore_mem>>) src(%dma_wait3A_44 : memref<625x16xf32, #tpu.memory_space<vmem>>) dst(%dma_wait3A_41 : memref<625x16xf32, #tpu.memory_space<hbm>>)
      tpu.yield
    }) : () -> ()
    return
  }
}

#map = affine_map<(d0, d1) -> (0, 0)>
#map1 = affine_map<(d0, d1) -> (0, 0, 0)>
module attributes {stable_mosaic.version = 14 : i64} {
  func.func @gk(%arg0: i32, %arg1: i32, %arg2: memref<10000x32xf32, #tpu.memory_space<hbm>>, %arg3: memref<32x40x125xi32, #tpu.memory_space<hbm>>, %arg4: memref<160000x32xf32, #tpu.memory_space<hbm>>, %arg5: memref<40x125xi32, #tpu.memory_space<vmem>>, %arg6: memref<1000x32xf32, #tpu.memory_space<vmem>>, %arg7: memref<!tpu.dma_semaphore, #tpu.memory_space<semaphore_mem>>) attributes {dimension_semantics = [#tpu.dimension_semantics<core_parallel>, #tpu.dimension_semantics<subcore_parallel>], iteration_bounds = array<i64: 2, 16>, scalar_prefetch = 0 : i64, scratch_operands = 3 : i64, tpu.core_type = #tpu.core_type<sc_vector_subcore>, window_params = [{transform_indices = #map}, {transform_indices = #map1}, {transform_indices = #map}]} {
    %mul3A = arith.constant 2 : i32
    %mul3A_0 = arith.muli %arg1, %mul3A : i32
    %add3A = arith.addi %mul3A_0, %arg0 : i32
    "tpu.region"() ({
      %run_scoped3A = tpu.sem_alloc : memref<!tpu.dma_semaphore, #tpu.memory_space<semaphore_mem>>
      %dma_start3A = arith.constant 0 : i32
      %dma_start3A_6 = arith.constant 0 : i32
      %dma_start3A_7 = tpu.memref_slice %arg3[%add3A, %dma_start3A, %dma_start3A_6] : memref<32x40x125xi32, #tpu.memory_space<hbm>> -> memref<1x40x125xi32, #tpu.memory_space<hbm>>
      %dma_start3A_8 = tpu.memref_squeeze %dma_start3A_7 : memref<1x40x125xi32, #tpu.memory_space<hbm>> -> memref<40x125xi32, #tpu.memory_space<hbm>>
      %dma_start3A_9 = arith.constant 0 : i32
      %dma_start3A_10 = arith.constant 0 : i32
      %dma_start3A_11 = tpu.memref_slice %arg3[%add3A, %dma_start3A_9, %dma_start3A_10] : memref<32x40x125xi32, #tpu.memory_space<hbm>> -> memref<1x40x125xi32, #tpu.memory_space<hbm>>
      %dma_start3A_12 = tpu.memref_squeeze %dma_start3A_11 : memref<1x40x125xi32, #tpu.memory_space<hbm>> -> memref<40x125xi32, #tpu.memory_space<hbm>>
      tpu.enqueue_dma source(%dma_start3A_12 : memref<40x125xi32, #tpu.memory_space<hbm>>) target(%arg5 : memref<40x125xi32, #tpu.memory_space<vmem>>) target_semaphore(%run_scoped3A : memref<!tpu.dma_semaphore, #tpu.memory_space<semaphore_mem>>)
      %dma_wait3A = arith.constant 0 : i32
      %dma_wait3A_13 = arith.constant 0 : i32
      %dma_wait3A_14 = tpu.memref_slice %arg3[%add3A, %dma_wait3A, %dma_wait3A_13] : memref<32x40x125xi32, #tpu.memory_space<hbm>> -> memref<1x40x125xi32, #tpu.memory_space<hbm>>
      %dma_wait3A_15 = tpu.memref_squeeze %dma_wait3A_14 : memref<1x40x125xi32, #tpu.memory_space<hbm>> -> memref<40x125xi32, #tpu.memory_space<hbm>>
      %dma_wait3A_16 = arith.constant 0 : i32
      %dma_wait3A_17 = arith.constant 0 : i32
      %dma_wait3A_18 = tpu.memref_slice %arg3[%add3A, %dma_wait3A_16, %dma_wait3A_17] : memref<32x40x125xi32, #tpu.memory_space<hbm>> -> memref<1x40x125xi32, #tpu.memory_space<hbm>>
      %dma_wait3A_19 = tpu.memref_squeeze %dma_wait3A_18 : memref<1x40x125xi32, #tpu.memory_space<hbm>> -> memref<40x125xi32, #tpu.memory_space<hbm>>
      tpu.wait_dma2 semaphore(%run_scoped3A : memref<!tpu.dma_semaphore, #tpu.memory_space<semaphore_mem>>) src(%dma_wait3A_19 : memref<40x125xi32, #tpu.memory_space<hbm>>) dst(%arg5 : memref<40x125xi32, #tpu.memory_space<vmem>>)
      tpu.yield
    }) : () -> ()
    %scan3A = arith.constant 0 : i32
    %scan3A_1 = arith.constant 0 : i32
    %scan3A_2 = arith.constant 5 : i32
    %scan3A_3 = arith.addi %scan3A_1, %scan3A_2 : i32
    %scan3A_4 = arith.constant 1 : i32
    scf.for %scan3A_6 = %scan3A_1 to %scan3A_3 step %scan3A_4  : i32 {
      %scan3A_7 = arith.constant 0 : i32
      %scan3A_8 = arith.constant 0 : i32
      %scan3A_9 = arith.constant 8 : i32
      %scan3A_10 = arith.addi %scan3A_8, %scan3A_9 : i32
      %scan3A_11 = arith.constant 1 : i32
      scf.for %scan3A_18 = %scan3A_8 to %scan3A_10 step %scan3A_11  : i32 {
        %mul3A_19 = arith.constant 8 : i32
        %mul3A_20 = arith.muli %scan3A_6, %mul3A_19 : i32
        %add3A_21 = arith.addi %mul3A_20, %scan3A_18 : i32
        %mul3A_22 = arith.constant 125 : i32
        %mul3A_23 = arith.muli %scan3A_18, %mul3A_22 : i32
        %dma_start3A = arith.constant 0 : i32
        %dma_start3A_24 = tpu.memref_slice %arg6[%mul3A_23, %dma_start3A] : memref<1000x32xf32, #tpu.memory_space<vmem>> -> memref<125x32xf32, #tpu.memory_space<vmem>>
        %dma_start3A_25 = arith.constant 0 : i32
        %dma_start3A_26 = tpu.memref_slice %arg5[%add3A_21, %dma_start3A_25] : memref<40x125xi32, #tpu.memory_space<vmem>> -> memref<1x125xi32, #tpu.memory_space<vmem>>
        %dma_start3A_27 = tpu.memref_squeeze %dma_start3A_26 : memref<1x125xi32, #tpu.memory_space<vmem>> -> memref<125xi32, #tpu.memory_space<vmem>>
        %dma_start3A_28 = arith.constant 0 : i32
        %dma_start3A_29 = arith.constant 0 : i32
        %dma_start3A_30 = tpu.memref_slice %arg2[%dma_start3A_28, %dma_start3A_29] : memref<10000x32xf32, #tpu.memory_space<hbm>> -> memref<10000x32xf32, #tpu.memory_space<hbm>>
        tpu.enqueue_indirect_dma source(%dma_start3A_30 : memref<10000x32xf32, #tpu.memory_space<hbm>>) target(%dma_start3A_24 : memref<125x32xf32, #tpu.memory_space<vmem>>) offsets(%dma_start3A_27 : memref<125xi32, #tpu.memory_space<vmem>>) semaphore(%arg7 : memref<!tpu.dma_semaphore, #tpu.memory_space<semaphore_mem>>)
        %dma_wait3A = arith.constant 0 : i32
        %dma_wait3A_31 = tpu.memref_slice %arg6[%mul3A_23, %dma_wait3A] : memref<1000x32xf32, #tpu.memory_space<vmem>> -> memref<125x32xf32, #tpu.memory_space<vmem>>
        %dma_wait3A_32 = arith.constant 0 : i32
        %dma_wait3A_33 = tpu.memref_slice %arg5[%add3A_21, %dma_wait3A_32] : memref<40x125xi32, #tpu.memory_space<vmem>> -> memref<1x125xi32, #tpu.memory_space<vmem>>
        %dma_wait3A_34 = tpu.memref_squeeze %dma_wait3A_33 : memref<1x125xi32, #tpu.memory_space<vmem>> -> memref<125xi32, #tpu.memory_space<vmem>>
        %dma_wait3A_35 = arith.constant 0 : i32
        %dma_wait3A_36 = arith.constant 0 : i32
        %dma_wait3A_37 = tpu.memref_slice %arg2[%dma_wait3A_35, %dma_wait3A_36] : memref<10000x32xf32, #tpu.memory_space<hbm>> -> memref<10000x32xf32, #tpu.memory_space<hbm>>
        tpu.wait_indirect_dma semaphore(%arg7 : memref<!tpu.dma_semaphore, #tpu.memory_space<semaphore_mem>>) src(%dma_wait3A_37 : memref<10000x32xf32, #tpu.memory_space<hbm>>) dst(%dma_wait3A_31 : memref<125x32xf32, #tpu.memory_space<vmem>>)
      }
      %scan3A_12 = arith.constant 8 : i32
      %mul3A_13 = arith.constant 5000 : i32
      %mul3A_14 = arith.muli %add3A, %mul3A_13 : i32
      %mul3A_15 = arith.constant 1000 : i32
      %mul3A_16 = arith.muli %scan3A_6, %mul3A_15 : i32
      %add3A_17 = arith.addi %mul3A_14, %mul3A_16 : i32
      "tpu.region"() ({
        %run_scoped3A = tpu.sem_alloc : memref<!tpu.dma_semaphore, #tpu.memory_space<semaphore_mem>>
        %dma_start3A = arith.constant 0 : i32
        %dma_start3A_18 = tpu.memref_slice %arg4[%add3A_17, %dma_start3A] : memref<160000x32xf32, #tpu.memory_space<hbm>> -> memref<1000x32xf32, #tpu.memory_space<hbm>>
        %dma_start3A_19 = arith.constant 0 : i32
        %dma_start3A_20 = tpu.memref_slice %arg4[%add3A_17, %dma_start3A_19] : memref<160000x32xf32, #tpu.memory_space<hbm>> -> memref<1000x32xf32, #tpu.memory_space<hbm>>
        tpu.enqueue_dma source(%arg6 : memref<1000x32xf32, #tpu.memory_space<vmem>>) target(%dma_start3A_20 : memref<1000x32xf32, #tpu.memory_space<hbm>>) target_semaphore(%run_scoped3A : memref<!tpu.dma_semaphore, #tpu.memory_space<semaphore_mem>>)
        %dma_wait3A = arith.constant 0 : i32
        %dma_wait3A_21 = tpu.memref_slice %arg4[%add3A_17, %dma_wait3A] : memref<160000x32xf32, #tpu.memory_space<hbm>> -> memref<1000x32xf32, #tpu.memory_space<hbm>>
        %dma_wait3A_22 = arith.constant 0 : i32
        %dma_wait3A_23 = tpu.memref_slice %arg4[%add3A_17, %dma_wait3A_22] : memref<160000x32xf32, #tpu.memory_space<hbm>> -> memref<1000x32xf32, #tpu.memory_space<hbm>>
        tpu.wait_dma2 semaphore(%run_scoped3A : memref<!tpu.dma_semaphore, #tpu.memory_space<semaphore_mem>>) src(%arg6 : memref<1000x32xf32, #tpu.memory_space<vmem>>) dst(%dma_wait3A_23 : memref<1000x32xf32, #tpu.memory_space<hbm>>)
        tpu.yield
      }) : () -> ()
    }
    %scan3A_5 = arith.constant 5 : i32
    return
  }
}

#map = affine_map<(d0, d1) -> (0, 0)>
#map1 = affine_map<(d0, d1) -> (0, 0, 0)>
module attributes {stable_mosaic.version = 14 : i64} {
  func.func @gk(%arg0: i32, %arg1: i32, %arg2: memref<10000x16xf32, #tpu.memory_space<hbm>>, %arg3: memref<32x40x125xi32, #tpu.memory_space<hbm>>, %arg4: memref<160000x16xf32, #tpu.memory_space<hbm>>, %arg5: memref<40x125xi32, #tpu.memory_space<vmem>>, %arg6: memref<1000x16xf32, #tpu.memory_space<vmem>>, %arg7: memref<!tpu.dma_semaphore, #tpu.memory_space<semaphore_mem>>) attributes {dimension_semantics = [#tpu.dimension_semantics<core_parallel>, #tpu.dimension_semantics<subcore_parallel>], iteration_bounds = array<i64: 2, 16>, scalar_prefetch = 0 : i64, scratch_operands = 3 : i64, tpu.core_type = #tpu.core_type<sc_vector_subcore>, window_params = [{transform_indices = #map}, {transform_indices = #map1}, {transform_indices = #map}]} {
    %mul3A = arith.constant 2 : i32
    %mul3A_0 = arith.muli %arg1, %mul3A : i32
    %add3A = arith.addi %mul3A_0, %arg0 : i32
    "tpu.region"() ({
      %run_scoped3A = tpu.sem_alloc : memref<!tpu.dma_semaphore, #tpu.memory_space<semaphore_mem>>
      %dma_start3A = arith.constant 0 : i32
      %dma_start3A_6 = arith.constant 0 : i32
      %dma_start3A_7 = tpu.memref_slice %arg3[%add3A, %dma_start3A, %dma_start3A_6] : memref<32x40x125xi32, #tpu.memory_space<hbm>> -> memref<1x40x125xi32, #tpu.memory_space<hbm>>
      %dma_start3A_8 = tpu.memref_squeeze %dma_start3A_7 : memref<1x40x125xi32, #tpu.memory_space<hbm>> -> memref<40x125xi32, #tpu.memory_space<hbm>>
      %dma_start3A_9 = arith.constant 0 : i32
      %dma_start3A_10 = arith.constant 0 : i32
      %dma_start3A_11 = tpu.memref_slice %arg3[%add3A, %dma_start3A_9, %dma_start3A_10] : memref<32x40x125xi32, #tpu.memory_space<hbm>> -> memref<1x40x125xi32, #tpu.memory_space<hbm>>
      %dma_start3A_12 = tpu.memref_squeeze %dma_start3A_11 : memref<1x40x125xi32, #tpu.memory_space<hbm>> -> memref<40x125xi32, #tpu.memory_space<hbm>>
      tpu.enqueue_dma source(%dma_start3A_12 : memref<40x125xi32, #tpu.memory_space<hbm>>) target(%arg5 : memref<40x125xi32, #tpu.memory_space<vmem>>) target_semaphore(%run_scoped3A : memref<!tpu.dma_semaphore, #tpu.memory_space<semaphore_mem>>)
      %dma_wait3A = arith.constant 0 : i32
      %dma_wait3A_13 = arith.constant 0 : i32
      %dma_wait3A_14 = tpu.memref_slice %arg3[%add3A, %dma_wait3A, %dma_wait3A_13] : memref<32x40x125xi32, #tpu.memory_space<hbm>> -> memref<1x40x125xi32, #tpu.memory_space<hbm>>
      %dma_wait3A_15 = tpu.memref_squeeze %dma_wait3A_14 : memref<1x40x125xi32, #tpu.memory_space<hbm>> -> memref<40x125xi32, #tpu.memory_space<hbm>>
      %dma_wait3A_16 = arith.constant 0 : i32
      %dma_wait3A_17 = arith.constant 0 : i32
      %dma_wait3A_18 = tpu.memref_slice %arg3[%add3A, %dma_wait3A_16, %dma_wait3A_17] : memref<32x40x125xi32, #tpu.memory_space<hbm>> -> memref<1x40x125xi32, #tpu.memory_space<hbm>>
      %dma_wait3A_19 = tpu.memref_squeeze %dma_wait3A_18 : memref<1x40x125xi32, #tpu.memory_space<hbm>> -> memref<40x125xi32, #tpu.memory_space<hbm>>
      tpu.wait_dma2 semaphore(%run_scoped3A : memref<!tpu.dma_semaphore, #tpu.memory_space<semaphore_mem>>) src(%dma_wait3A_19 : memref<40x125xi32, #tpu.memory_space<hbm>>) dst(%arg5 : memref<40x125xi32, #tpu.memory_space<vmem>>)
      tpu.yield
    }) : () -> ()
    %scan3A = arith.constant 0 : i32
    %scan3A_1 = arith.constant 0 : i32
    %scan3A_2 = arith.constant 5 : i32
    %scan3A_3 = arith.addi %scan3A_1, %scan3A_2 : i32
    %scan3A_4 = arith.constant 1 : i32
    scf.for %scan3A_6 = %scan3A_1 to %scan3A_3 step %scan3A_4  : i32 {
      %scan3A_7 = arith.constant 0 : i32
      %scan3A_8 = arith.constant 0 : i32
      %scan3A_9 = arith.constant 8 : i32
      %scan3A_10 = arith.addi %scan3A_8, %scan3A_9 : i32
      %scan3A_11 = arith.constant 1 : i32
      scf.for %scan3A_18 = %scan3A_8 to %scan3A_10 step %scan3A_11  : i32 {
        %mul3A_19 = arith.constant 8 : i32
        %mul3A_20 = arith.muli %scan3A_6, %mul3A_19 : i32
        %add3A_21 = arith.addi %mul3A_20, %scan3A_18 : i32
        %mul3A_22 = arith.constant 125 : i32
        %mul3A_23 = arith.muli %scan3A_18, %mul3A_22 : i32
        %dma_start3A = arith.constant 0 : i32
        %dma_start3A_24 = tpu.memref_slice %arg6[%mul3A_23, %dma_start3A] : memref<1000x16xf32, #tpu.memory_space<vmem>> -> memref<125x16xf32, #tpu.memory_space<vmem>>
        %dma_start3A_25 = arith.constant 0 : i32
        %dma_start3A_26 = tpu.memref_slice %arg5[%add3A_21, %dma_start3A_25] : memref<40x125xi32, #tpu.memory_space<vmem>> -> memref<1x125xi32, #tpu.memory_space<vmem>>
        %dma_start3A_27 = tpu.memref_squeeze %dma_start3A_26 : memref<1x125xi32, #tpu.memory_space<vmem>> -> memref<125xi32, #tpu.memory_space<vmem>>
        %dma_start3A_28 = arith.constant 0 : i32
        %dma_start3A_29 = arith.constant 0 : i32
        %dma_start3A_30 = tpu.memref_slice %arg2[%dma_start3A_28, %dma_start3A_29] : memref<10000x16xf32, #tpu.memory_space<hbm>> -> memref<10000x16xf32, #tpu.memory_space<hbm>>
        tpu.enqueue_indirect_dma source(%dma_start3A_30 : memref<10000x16xf32, #tpu.memory_space<hbm>>) target(%dma_start3A_24 : memref<125x16xf32, #tpu.memory_space<vmem>>) offsets(%dma_start3A_27 : memref<125xi32, #tpu.memory_space<vmem>>) semaphore(%arg7 : memref<!tpu.dma_semaphore, #tpu.memory_space<semaphore_mem>>)
        %dma_wait3A = arith.constant 0 : i32
        %dma_wait3A_31 = tpu.memref_slice %arg6[%mul3A_23, %dma_wait3A] : memref<1000x16xf32, #tpu.memory_space<vmem>> -> memref<125x16xf32, #tpu.memory_space<vmem>>
        %dma_wait3A_32 = arith.constant 0 : i32
        %dma_wait3A_33 = tpu.memref_slice %arg5[%add3A_21, %dma_wait3A_32] : memref<40x125xi32, #tpu.memory_space<vmem>> -> memref<1x125xi32, #tpu.memory_space<vmem>>
        %dma_wait3A_34 = tpu.memref_squeeze %dma_wait3A_33 : memref<1x125xi32, #tpu.memory_space<vmem>> -> memref<125xi32, #tpu.memory_space<vmem>>
        %dma_wait3A_35 = arith.constant 0 : i32
        %dma_wait3A_36 = arith.constant 0 : i32
        %dma_wait3A_37 = tpu.memref_slice %arg2[%dma_wait3A_35, %dma_wait3A_36] : memref<10000x16xf32, #tpu.memory_space<hbm>> -> memref<10000x16xf32, #tpu.memory_space<hbm>>
        tpu.wait_indirect_dma semaphore(%arg7 : memref<!tpu.dma_semaphore, #tpu.memory_space<semaphore_mem>>) src(%dma_wait3A_37 : memref<10000x16xf32, #tpu.memory_space<hbm>>) dst(%dma_wait3A_31 : memref<125x16xf32, #tpu.memory_space<vmem>>)
      }
      %scan3A_12 = arith.constant 8 : i32
      %mul3A_13 = arith.constant 5000 : i32
      %mul3A_14 = arith.muli %add3A, %mul3A_13 : i32
      %mul3A_15 = arith.constant 1000 : i32
      %mul3A_16 = arith.muli %scan3A_6, %mul3A_15 : i32
      %add3A_17 = arith.addi %mul3A_14, %mul3A_16 : i32
      "tpu.region"() ({
        %run_scoped3A = tpu.sem_alloc : memref<!tpu.dma_semaphore, #tpu.memory_space<semaphore_mem>>
        %dma_start3A = arith.constant 0 : i32
        %dma_start3A_18 = tpu.memref_slice %arg4[%add3A_17, %dma_start3A] : memref<160000x16xf32, #tpu.memory_space<hbm>> -> memref<1000x16xf32, #tpu.memory_space<hbm>>
        %dma_start3A_19 = arith.constant 0 : i32
        %dma_start3A_20 = tpu.memref_slice %arg4[%add3A_17, %dma_start3A_19] : memref<160000x16xf32, #tpu.memory_space<hbm>> -> memref<1000x16xf32, #tpu.memory_space<hbm>>
        tpu.enqueue_dma source(%arg6 : memref<1000x16xf32, #tpu.memory_space<vmem>>) target(%dma_start3A_20 : memref<1000x16xf32, #tpu.memory_space<hbm>>) target_semaphore(%run_scoped3A : memref<!tpu.dma_semaphore, #tpu.memory_space<semaphore_mem>>)
        %dma_wait3A = arith.constant 0 : i32
        %dma_wait3A_21 = tpu.memref_slice %arg4[%add3A_17, %dma_wait3A] : memref<160000x16xf32, #tpu.memory_space<hbm>> -> memref<1000x16xf32, #tpu.memory_space<hbm>>
        %dma_wait3A_22 = arith.constant 0 : i32
        %dma_wait3A_23 = tpu.memref_slice %arg4[%add3A_17, %dma_wait3A_22] : memref<160000x16xf32, #tpu.memory_space<hbm>> -> memref<1000x16xf32, #tpu.memory_space<hbm>>
        tpu.wait_dma2 semaphore(%run_scoped3A : memref<!tpu.dma_semaphore, #tpu.memory_space<semaphore_mem>>) src(%arg6 : memref<1000x16xf32, #tpu.memory_space<vmem>>) dst(%dma_wait3A_23 : memref<1000x16xf32, #tpu.memory_space<hbm>>)
        tpu.yield
      }) : () -> ()
    }
    %scan3A_5 = arith.constant 5 : i32
    return
  }
}

#map = affine_map<(d0, d1) -> (0, 0)>
#map1 = affine_map<(d0, d1) -> (0, 0, 0)>
#map2 = affine_map<(d0, d1) -> (0, 0, 0, 0)>
module attributes {stable_mosaic.version = 14 : i64} {
  func.func @sk(%arg0: i32, %arg1: i32, %arg2: memref<160000x16xf32, #tpu.memory_space<hbm>>, %arg3: memref<32x40x125xi32, #tpu.memory_space<hbm>>, %arg4: memref<2x16x625x16xf32, #tpu.memory_space<hbm>>, %arg5: memref<40x125xi32, #tpu.memory_space<vmem>>, %arg6: memref<5000x16xf32, #tpu.memory_space<vmem>>, %arg7: memref<10000x16xf32, #tpu.memory_space<vmem_shared>>) attributes {dimension_semantics = [#tpu.dimension_semantics<core_parallel>, #tpu.dimension_semantics<subcore_parallel>], iteration_bounds = array<i64: 2, 16>, scalar_prefetch = 0 : i64, scratch_operands = 3 : i64, tpu.core_type = #tpu.core_type<sc_vector_subcore>, window_params = [{transform_indices = #map}, {transform_indices = #map1}, {transform_indices = #map2}]} {
    %mul3A = arith.constant 2 : i32
    %mul3A_0 = arith.muli %arg1, %mul3A : i32
    %add3A = arith.addi %mul3A_0, %arg0 : i32
    %scan3A = arith.constant 0 : i32
    %scan3A_1 = arith.constant 0 : i32
    %scan3A_2 = arith.constant 625 : i32
    %scan3A_3 = arith.addi %scan3A_1, %scan3A_2 : i32
    %scan3A_4 = arith.constant 1 : i32
    scf.for %scan3A_19 = %scan3A_1 to %scan3A_3 step %scan3A_4  : i32 {
      %broadcast_in_dim3A = arith.constant 0.000000e+00 : f32
      %broadcast_in_dim3A_20 = vector.broadcast %broadcast_in_dim3A : f32 to vector<16xf32>
      %swap3A = arith.index_cast %scan3A_19 : i32 to index
      %swap3A_21 = arith.constant 0 : index
      %swap3A_22 = tpu.vector_load %arg6[%swap3A, %swap3A_21] {strides = array<i32>} : memref<5000x16xf32, #tpu.memory_space<vmem>>, vector<1x16xf32>,
      %swap3A_23 = vector.shape_cast %swap3A_22 : vector<1x16xf32> to vector<16xf32>
      %swap3A_24 = vector.shape_cast %broadcast_in_dim3A_20 : vector<16xf32> to vector<1x16xf32>
      tpu.vector_store %arg6[%swap3A, %swap3A_21], %swap3A_24 {strides = array<i32>} : memref<5000x16xf32, #tpu.memory_space<vmem>>, vector<1x16xf32>,
    }
    %scan3A_5 = arith.constant 625 : i32
    %mul3A_6 = arith.constant 625 : i32
    %mul3A_7 = arith.muli %arg1, %mul3A_6 : i32
    "tpu.region"() ({
      %run_scoped3A = tpu.sem_alloc : memref<!tpu.dma_semaphore, #tpu.memory_space<semaphore_mem>>
      %dma_start3A = arith.constant 0 : i32
      %dma_start3A_19 = arith.constant 0 : i32
      %dma_start3A_20 = tpu.memref_slice %arg6[%dma_start3A, %dma_start3A_19] : memref<5000x16xf32, #tpu.memory_space<vmem>> -> memref<625x16xf32, #tpu.memory_space<vmem>>
      %dma_start3A_21 = arith.constant 0 : i32
      %dma_start3A_22 = tpu.memref_slice %arg7[%mul3A_7, %dma_start3A_21] : memref<10000x16xf32, #tpu.memory_space<vmem_shared>> -> memref<625x16xf32, #tpu.memory_space<vmem_shared>>
      %dma_start3A_23 = arith.constant 0 : i32
      %dma_start3A_24 = tpu.memref_slice %arg7[%mul3A_7, %dma_start3A_23] : memref<10000x16xf32, #tpu.memory_space<vmem_shared>> -> memref<625x16xf32, #tpu.memory_space<vmem_shared>>
      %dma_start3A_25 = arith.constant 0 : i32
      %dma_start3A_26 = arith.constant 0 : i32
      %dma_start3A_27 = tpu.memref_slice %arg6[%dma_start3A_25, %dma_start3A_26] : memref<5000x16xf32, #tpu.memory_space<vmem>> -> memref<625x16xf32, #tpu.memory_space<vmem>>
      tpu.enqueue_dma source(%dma_start3A_27 : memref<625x16xf32, #tpu.memory_space<vmem>>) target(%dma_start3A_24 : memref<625x16xf32, #tpu.memory_space<vmem_shared>>) target_semaphore(%run_scoped3A : memref<!tpu.dma_semaphore, #tpu.memory_space<semaphore_mem>>)
      %dma_wait3A = arith.constant 0 : i32
      %dma_wait3A_28 = arith.constant 0 : i32
      %dma_wait3A_29 = tpu.memref_slice %arg6[%dma_wait3A, %dma_wait3A_28] : memref<5000x16xf32, #tpu.memory_space<vmem>> -> memref<625x16xf32, #tpu.memory_space<vmem>>
      %dma_wait3A_30 = arith.constant 0 : i32
      %dma_wait3A_31 = tpu.memref_slice %arg7[%mul3A_7, %dma_wait3A_30] : memref<10000x16xf32, #tpu.memory_space<vmem_shared>> -> memref<625x16xf32, #tpu.memory_space<vmem_shared>>
      %dma_wait3A_32 = arith.constant 0 : i32
      %dma_wait3A_33 = tpu.memref_slice %arg7[%mul3A_7, %dma_wait3A_32] : memref<10000x16xf32, #tpu.memory_space<vmem_shared>> -> memref<625x16xf32, #tpu.memory_space<vmem_shared>>
      %dma_wait3A_34 = arith.constant 0 : i32
      %dma_wait3A_35 = arith.constant 0 : i32
      %dma_wait3A_36 = tpu.memref_slice %arg6[%dma_wait3A_34, %dma_wait3A_35] : memref<5000x16xf32, #tpu.memory_space<vmem>> -> memref<625x16xf32, #tpu.memory_space<vmem>>
      tpu.wait_dma2 semaphore(%run_scoped3A : memref<!tpu.dma_semaphore, #tpu.memory_space<semaphore_mem>>) src(%dma_wait3A_36 : memref<625x16xf32, #tpu.memory_space<vmem>>) dst(%dma_wait3A_33 : memref<625x16xf32, #tpu.memory_space<vmem_shared>>)
      tpu.yield
    }) : () -> ()
    %barrier3A = arith.constant 0 : index
    tpu.barrier barrier_id(%barrier3A)
    "tpu.region"() ({
      %run_scoped3A = tpu.sem_alloc : memref<!tpu.dma_semaphore, #tpu.memory_space<semaphore_mem>>
      %dma_start3A = arith.constant 0 : i32
      %dma_start3A_19 = arith.constant 0 : i32
      %dma_start3A_20 = tpu.memref_slice %arg3[%add3A, %dma_start3A, %dma_start3A_19] : memref<32x40x125xi32, #tpu.memory_space<hbm>> -> memref<1x40x125xi32, #tpu.memory_space<hbm>>
      %dma_start3A_21 = tpu.memref_squeeze %dma_start3A_20 : memref<1x40x125xi32, #tpu.memory_space<hbm>> -> memref<40x125xi32, #tpu.memory_space<hbm>>
      %dma_start3A_22 = arith.constant 0 : i32
      %dma_start3A_23 = arith.constant 0 : i32
      %dma_start3A_24 = tpu.memref_slice %arg3[%add3A, %dma_start3A_22, %dma_start3A_23] : memref<32x40x125xi32, #tpu.memory_space<hbm>> -> memref<1x40x125xi32, #tpu.memory_space<hbm>>
      %dma_start3A_25 = tpu.memref_squeeze %dma_start3A_24 : memref<1x40x125xi32, #tpu.memory_space<hbm>> -> memref<40x125xi32, #tpu.memory_space<hbm>>
      tpu.enqueue_dma source(%dma_start3A_25 : memref<40x125xi32, #tpu.memory_space<hbm>>) target(%arg5 : memref<40x125xi32, #tpu.memory_space<vmem>>) target_semaphore(%run_scoped3A : memref<!tpu.dma_semaphore, #tpu.memory_space<semaphore_mem>>)
      %dma_wait3A = arith.constant 0 : i32
      %dma_wait3A_26 = arith.constant 0 : i32
      %dma_wait3A_27 = tpu.memref_slice %arg3[%add3A, %dma_wait3A, %dma_wait3A_26] : memref<32x40x125xi32, #tpu.memory_space<hbm>> -> memref<1x40x125xi32, #tpu.memory_space<hbm>>
      %dma_wait3A_28 = tpu.memref_squeeze %dma_wait3A_27 : memref<1x40x125xi32, #tpu.memory_space<hbm>> -> memref<40x125xi32, #tpu.memory_space<hbm>>
      %dma_wait3A_29 = arith.constant 0 : i32
      %dma_wait3A_30 = arith.constant 0 : i32
      %dma_wait3A_31 = tpu.memref_slice %arg3[%add3A, %dma_wait3A_29, %dma_wait3A_30] : memref<32x40x125xi32, #tpu.memory_space<hbm>> -> memref<1x40x125xi32, #tpu.memory_space<hbm>>
      %dma_wait3A_32 = tpu.memref_squeeze %dma_wait3A_31 : memref<1x40x125xi32, #tpu.memory_space<hbm>> -> memref<40x125xi32, #tpu.memory_space<hbm>>
      tpu.wait_dma2 semaphore(%run_scoped3A : memref<!tpu.dma_semaphore, #tpu.memory_space<semaphore_mem>>) src(%dma_wait3A_32 : memref<40x125xi32, #tpu.memory_space<hbm>>) dst(%arg5 : memref<40x125xi32, #tpu.memory_space<vmem>>)
      tpu.yield
    }) : () -> ()
    %mul3A_8 = arith.constant 5000 : i32
    %mul3A_9 = arith.muli %add3A, %mul3A_8 : i32
    "tpu.region"() ({
      %run_scoped3A = tpu.sem_alloc : memref<!tpu.dma_semaphore, #tpu.memory_space<semaphore_mem>>
      %dma_start3A = arith.constant 0 : i32
      %dma_start3A_19 = tpu.memref_slice %arg2[%mul3A_9, %dma_start3A] : memref<160000x16xf32, #tpu.memory_space<hbm>> -> memref<5000x16xf32, #tpu.memory_space<hbm>>
      %dma_start3A_20 = arith.constant 0 : i32
      %dma_start3A_21 = tpu.memref_slice %arg2[%mul3A_9, %dma_start3A_20] : memref<160000x16xf32, #tpu.memory_space<hbm>> -> memref<5000x16xf32, #tpu.memory_space<hbm>>
      tpu.enqueue_dma source(%dma_start3A_21 : memref<5000x16xf32, #tpu.memory_space<hbm>>) target(%arg6 : memref<5000x16xf32, #tpu.memory_space<vmem>>) target_semaphore(%run_scoped3A : memref<!tpu.dma_semaphore, #tpu.memory_space<semaphore_mem>>)
      %dma_wait3A = arith.constant 0 : i32
      %dma_wait3A_22 = tpu.memref_slice %arg2[%mul3A_9, %dma_wait3A] : memref<160000x16xf32, #tpu.memory_space<hbm>> -> memref<5000x16xf32, #tpu.memory_space<hbm>>
      %dma_wait3A_23 = arith.constant 0 : i32
      %dma_wait3A_24 = tpu.memref_slice %arg2[%mul3A_9, %dma_wait3A_23] : memref<160000x16xf32, #tpu.memory_space<hbm>> -> memref<5000x16xf32, #tpu.memory_space<hbm>>
      tpu.wait_dma2 semaphore(%run_scoped3A : memref<!tpu.dma_semaphore, #tpu.memory_space<semaphore_mem>>) src(%dma_wait3A_24 : memref<5000x16xf32, #tpu.memory_space<hbm>>) dst(%arg6 : memref<5000x16xf32, #tpu.memory_space<vmem>>)
      tpu.yield
    }) : () -> ()
    %scan3A_10 = arith.constant 0 : i32
    %scan3A_11 = arith.constant 0 : i32
    %scan3A_12 = arith.constant 40 : i32
    %scan3A_13 = arith.addi %scan3A_11, %scan3A_12 : i32
    %scan3A_14 = arith.constant 1 : i32
    scf.for %scan3A_19 = %scan3A_11 to %scan3A_13 step %scan3A_14  : i32 {
      %mul3A_20 = arith.constant 125 : i32
      %mul3A_21 = arith.muli %scan3A_19, %mul3A_20 : i32
      "tpu.region"() ({
        %run_scoped3A = tpu.sem_alloc : memref<!tpu.dma_semaphore, #tpu.memory_space<semaphore_mem>>
        %dma_start3A = arith.constant 0 : i32
        %dma_start3A_22 = tpu.memref_slice %arg6[%mul3A_21, %dma_start3A] : memref<5000x16xf32, #tpu.memory_space<vmem>> -> memref<125x16xf32, #tpu.memory_space<vmem>>
        %dma_start3A_23 = arith.constant 0 : i32
        %dma_start3A_24 = tpu.memref_slice %arg5[%scan3A_19, %dma_start3A_23] : memref<40x125xi32, #tpu.memory_space<vmem>> -> memref<1x125xi32, #tpu.memory_space<vmem>>
        %dma_start3A_25 = tpu.memref_squeeze %dma_start3A_24 : memref<1x125xi32, #tpu.memory_space<vmem>> -> memref<125xi32, #tpu.memory_space<vmem>>
        %dma_start3A_26 = arith.constant 0 : i32
        %dma_start3A_27 = arith.constant 0 : i32
        %dma_start3A_28 = tpu.memref_slice %arg7[%dma_start3A_26, %dma_start3A_27] : memref<10000x16xf32, #tpu.memory_space<vmem_shared>> -> memref<10000x16xf32, #tpu.memory_space<vmem_shared>>
        tpu.enqueue_indirect_dma source(%dma_start3A_22 : memref<125x16xf32, #tpu.memory_space<vmem>>) target(%dma_start3A_28 : memref<10000x16xf32, #tpu.memory_space<vmem_shared>>) offsets(%dma_start3A_25 : memref<125xi32, #tpu.memory_space<vmem>>) semaphore(%run_scoped3A : memref<!tpu.dma_semaphore, #tpu.memory_space<semaphore_mem>>) {add = true}
        %dma_wait3A = arith.constant 0 : i32
        %dma_wait3A_29 = tpu.memref_slice %arg6[%mul3A_21, %dma_wait3A] : memref<5000x16xf32, #tpu.memory_space<vmem>> -> memref<125x16xf32, #tpu.memory_space<vmem>>
        %dma_wait3A_30 = arith.constant 0 : i32
        %dma_wait3A_31 = tpu.memref_slice %arg5[%scan3A_19, %dma_wait3A_30] : memref<40x125xi32, #tpu.memory_space<vmem>> -> memref<1x125xi32, #tpu.memory_space<vmem>>
        %dma_wait3A_32 = tpu.memref_squeeze %dma_wait3A_31 : memref<1x125xi32, #tpu.memory_space<vmem>> -> memref<125xi32, #tpu.memory_space<vmem>>
        %dma_wait3A_33 = arith.constant 0 : i32
        %dma_wait3A_34 = arith.constant 0 : i32
        %dma_wait3A_35 = tpu.memref_slice %arg7[%dma_wait3A_33, %dma_wait3A_34] : memref<10000x16xf32, #tpu.memory_space<vmem_shared>> -> memref<10000x16xf32, #tpu.memory_space<vmem_shared>>
        tpu.wait_indirect_dma semaphore(%run_scoped3A : memref<!tpu.dma_semaphore, #tpu.memory_space<semaphore_mem>>) src(%dma_wait3A_29 : memref<125x16xf32, #tpu.memory_space<vmem>>) dst(%dma_wait3A_35 : memref<10000x16xf32, #tpu.memory_space<vmem_shared>>)
        tpu.yield
      }) : () -> ()
    }
    %scan3A_15 = arith.constant 40 : i32
    %barrier3A_16 = arith.constant 0 : index
    tpu.barrier barrier_id(%barrier3A_16)
    %mul3A_17 = arith.constant 625 : i32
    %mul3A_18 = arith.muli %arg1, %mul3A_17 : i32
    "tpu.region"() ({
      %run_scoped3A = tpu.sem_alloc : memref<!tpu.dma_semaphore, #tpu.memory_space<semaphore_mem>>
      %dma_start3A = arith.constant 0 : i32
      %dma_start3A_19 = arith.constant 0 : i32
      %dma_start3A_20 = tpu.memref_slice %arg6[%dma_start3A, %dma_start3A_19] : memref<5000x16xf32, #tpu.memory_space<vmem>> -> memref<625x16xf32, #tpu.memory_space<vmem>>
      %dma_start3A_21 = arith.constant 0 : i32
      %dma_start3A_22 = tpu.memref_slice %arg7[%mul3A_18, %dma_start3A_21] : memref<10000x16xf32, #tpu.memory_space<vmem_shared>> -> memref<625x16xf32, #tpu.memory_space<vmem_shared>>
      %dma_start3A_23 = arith.constant 0 : i32
      %dma_start3A_24 = arith.constant 0 : i32
      %dma_start3A_25 = tpu.memref_slice %arg6[%dma_start3A_23, %dma_start3A_24] : memref<5000x16xf32, #tpu.memory_space<vmem>> -> memref<625x16xf32, #tpu.memory_space<vmem>>
      %dma_start3A_26 = arith.constant 0 : i32
      %dma_start3A_27 = tpu.memref_slice %arg7[%mul3A_18, %dma_start3A_26] : memref<10000x16xf32, #tpu.memory_space<vmem_shared>> -> memref<625x16xf32, #tpu.memory_space<vmem_shared>>
      tpu.enqueue_dma source(%dma_start3A_27 : memref<625x16xf32, #tpu.memory_space<vmem_shared>>) target(%dma_start3A_25 : memref<625x16xf32, #tpu.memory_space<vmem>>) target_semaphore(%run_scoped3A : memref<!tpu.dma_semaphore, #tpu.memory_space<semaphore_mem>>)
      %dma_wait3A = arith.constant 0 : i32
      %dma_wait3A_28 = arith.constant 0 : i32
      %dma_wait3A_29 = tpu.memref_slice %arg6[%dma_wait3A, %dma_wait3A_28] : memref<5000x16xf32, #tpu.memory_space<vmem>> -> memref<625x16xf32, #tpu.memory_space<vmem>>
      %dma_wait3A_30 = arith.constant 0 : i32
      %dma_wait3A_31 = tpu.memref_slice %arg7[%mul3A_18, %dma_wait3A_30] : memref<10000x16xf32, #tpu.memory_space<vmem_shared>> -> memref<625x16xf32, #tpu.memory_space<vmem_shared>>
      %dma_wait3A_32 = arith.constant 0 : i32
      %dma_wait3A_33 = arith.constant 0 : i32
      %dma_wait3A_34 = tpu.memref_slice %arg6[%dma_wait3A_32, %dma_wait3A_33] : memref<5000x16xf32, #tpu.memory_space<vmem>> -> memref<625x16xf32, #tpu.memory_space<vmem>>
      %dma_wait3A_35 = arith.constant 0 : i32
      %dma_wait3A_36 = tpu.memref_slice %arg7[%mul3A_18, %dma_wait3A_35] : memref<10000x16xf32, #tpu.memory_space<vmem_shared>> -> memref<625x16xf32, #tpu.memory_space<vmem_shared>>
      tpu.wait_dma2 semaphore(%run_scoped3A : memref<!tpu.dma_semaphore, #tpu.memory_space<semaphore_mem>>) src(%dma_wait3A_36 : memref<625x16xf32, #tpu.memory_space<vmem_shared>>) dst(%dma_wait3A_34 : memref<625x16xf32, #tpu.memory_space<vmem>>)
      tpu.yield
    }) : () -> ()
    "tpu.region"() ({
      %run_scoped3A = tpu.sem_alloc : memref<!tpu.dma_semaphore, #tpu.memory_space<semaphore_mem>>
      %dma_start3A = arith.constant 0 : i32
      %dma_start3A_19 = arith.constant 0 : i32
      %dma_start3A_20 = tpu.memref_slice %arg6[%dma_start3A, %dma_start3A_19] : memref<5000x16xf32, #tpu.memory_space<vmem>> -> memref<625x16xf32, #tpu.memory_space<vmem>>
      %dma_start3A_21 = arith.constant 0 : i32
      %dma_start3A_22 = arith.constant 0 : i32
      %dma_start3A_23 = tpu.memref_slice %arg4[%arg0, %arg1, %dma_start3A_21, %dma_start3A_22] : memref<2x16x625x16xf32, #tpu.memory_space<hbm>> -> memref<1x1x625x16xf32, #tpu.memory_space<hbm>>
      %dma_start3A_24 = tpu.memref_squeeze %dma_start3A_23 : memref<1x1x625x16xf32, #tpu.memory_space<hbm>> -> memref<625x16xf32, #tpu.memory_space<hbm>>
      %dma_start3A_25 = arith.constant 0 : i32
      %dma_start3A_26 = arith.constant 0 : i32
      %dma_start3A_27 = tpu.memref_slice %arg4[%arg0, %arg1, %dma_start3A_25, %dma_start3A_26] : memref<2x16x625x16xf32, #tpu.memory_space<hbm>> -> memref<1x1x625x16xf32, #tpu.memory_space<hbm>>
      %dma_start3A_28 = tpu.memref_squeeze %dma_start3A_27 : memref<1x1x625x16xf32, #tpu.memory_space<hbm>> -> memref<625x16xf32, #tpu.memory_space<hbm>>
      %dma_start3A_29 = arith.constant 0 : i32
      %dma_start3A_30 = arith.constant 0 : i32
      %dma_start3A_31 = tpu.memref_slice %arg6[%dma_start3A_29, %dma_start3A_30] : memref<5000x16xf32, #tpu.memory_space<vmem>> -> memref<625x16xf32, #tpu.memory_space<vmem>>
      tpu.enqueue_dma source(%dma_start3A_31 : memref<625x16xf32, #tpu.memory_space<vmem>>) target(%dma_start3A_28 : memref<625x16xf32, #tpu.memory_space<hbm>>) target_semaphore(%run_scoped3A : memref<!tpu.dma_semaphore, #tpu.memory_space<semaphore_mem>>)
      %dma_wait3A = arith.constant 0 : i32
      %dma_wait3A_32 = arith.constant 0 : i32
      %dma_wait3A_33 = tpu.memref_slice %arg6[%dma_wait3A, %dma_wait3A_32] : memref<5000x16xf32, #tpu.memory_space<vmem>> -> memref<625x16xf32, #tpu.memory_space<vmem>>
      %dma_wait3A_34 = arith.constant 0 : i32
      %dma_wait3A_35 = arith.constant 0 : i32
      %dma_wait3A_36 = tpu.memref_slice %arg4[%arg0, %arg1, %dma_wait3A_34, %dma_wait3A_35] : memref<2x16x625x16xf32, #tpu.memory_space<hbm>> -> memref<1x1x625x16xf32, #tpu.memory_space<hbm>>
      %dma_wait3A_37 = tpu.memref_squeeze %dma_wait3A_36 : memref<1x1x625x16xf32, #tpu.memory_space<hbm>> -> memref<625x16xf32, #tpu.memory_space<hbm>>
      %dma_wait3A_38 = arith.constant 0 : i32
      %dma_wait3A_39 = arith.constant 0 : i32
      %dma_wait3A_40 = tpu.memref_slice %arg4[%arg0, %arg1, %dma_wait3A_38, %dma_wait3A_39] : memref<2x16x625x16xf32, #tpu.memory_space<hbm>> -> memref<1x1x625x16xf32, #tpu.memory_space<hbm>>
      %dma_wait3A_41 = tpu.memref_squeeze %dma_wait3A_40 : memref<1x1x625x16xf32, #tpu.memory_space<hbm>> -> memref<625x16xf32, #tpu.memory_space<hbm>>
      %dma_wait3A_42 = arith.constant 0 : i32
      %dma_wait3A_43 = arith.constant 0 : i32
      %dma_wait3A_44 = tpu.memref_slice %arg6[%dma_wait3A_42, %dma_wait3A_43] : memref<5000x16xf32, #tpu.memory_space<vmem>> -> memref<625x16xf32, #tpu.memory_space<vmem>>
      tpu.wait_dma2 semaphore(%run_scoped3A : memref<!tpu.dma_semaphore, #tpu.memory_space<semaphore_mem>>) src(%dma_wait3A_44 : memref<625x16xf32, #tpu.memory_space<vmem>>) dst(%dma_wait3A_41 : memref<625x16xf32, #tpu.memory_space<hbm>>)
      tpu.yield
    }) : () -> ()
    return
  }
}

#map = affine_map<(d0, d1) -> (0, 0)>
#map1 = affine_map<(d0, d1) -> (0, 0, 0)>
module attributes {stable_mosaic.version = 14 : i64} {
  func.func @gk(%arg0: i32, %arg1: i32, %arg2: memref<10000x16xf32, #tpu.memory_space<hbm>>, %arg3: memref<32x40x125xi32, #tpu.memory_space<hbm>>, %arg4: memref<160000x16xf32, #tpu.memory_space<hbm>>, %arg5: memref<40x125xi32, #tpu.memory_space<vmem>>, %arg6: memref<1000x16xf32, #tpu.memory_space<vmem>>, %arg7: memref<!tpu.dma_semaphore, #tpu.memory_space<semaphore_mem>>) attributes {dimension_semantics = [#tpu.dimension_semantics<core_parallel>, #tpu.dimension_semantics<subcore_parallel>], iteration_bounds = array<i64: 2, 16>, scalar_prefetch = 0 : i64, scratch_operands = 3 : i64, tpu.core_type = #tpu.core_type<sc_vector_subcore>, window_params = [{transform_indices = #map}, {transform_indices = #map1}, {transform_indices = #map}]} {
    %mul3A = arith.constant 2 : i32
    %mul3A_0 = arith.muli %arg1, %mul3A : i32
    %add3A = arith.addi %mul3A_0, %arg0 : i32
    "tpu.region"() ({
      %run_scoped3A = tpu.sem_alloc : memref<!tpu.dma_semaphore, #tpu.memory_space<semaphore_mem>>
      %dma_start3A = arith.constant 0 : i32
      %dma_start3A_6 = arith.constant 0 : i32
      %dma_start3A_7 = tpu.memref_slice %arg3[%add3A, %dma_start3A, %dma_start3A_6] : memref<32x40x125xi32, #tpu.memory_space<hbm>> -> memref<1x40x125xi32, #tpu.memory_space<hbm>>
      %dma_start3A_8 = tpu.memref_squeeze %dma_start3A_7 : memref<1x40x125xi32, #tpu.memory_space<hbm>> -> memref<40x125xi32, #tpu.memory_space<hbm>>
      %dma_start3A_9 = arith.constant 0 : i32
      %dma_start3A_10 = arith.constant 0 : i32
      %dma_start3A_11 = tpu.memref_slice %arg3[%add3A, %dma_start3A_9, %dma_start3A_10] : memref<32x40x125xi32, #tpu.memory_space<hbm>> -> memref<1x40x125xi32, #tpu.memory_space<hbm>>
      %dma_start3A_12 = tpu.memref_squeeze %dma_start3A_11 : memref<1x40x125xi32, #tpu.memory_space<hbm>> -> memref<40x125xi32, #tpu.memory_space<hbm>>
      tpu.enqueue_dma source(%dma_start3A_12 : memref<40x125xi32, #tpu.memory_space<hbm>>) target(%arg5 : memref<40x125xi32, #tpu.memory_space<vmem>>) target_semaphore(%run_scoped3A : memref<!tpu.dma_semaphore, #tpu.memory_space<semaphore_mem>>)
      %dma_wait3A = arith.constant 0 : i32
      %dma_wait3A_13 = arith.constant 0 : i32
      %dma_wait3A_14 = tpu.memref_slice %arg3[%add3A, %dma_wait3A, %dma_wait3A_13] : memref<32x40x125xi32, #tpu.memory_space<hbm>> -> memref<1x40x125xi32, #tpu.memory_space<hbm>>
      %dma_wait3A_15 = tpu.memref_squeeze %dma_wait3A_14 : memref<1x40x125xi32, #tpu.memory_space<hbm>> -> memref<40x125xi32, #tpu.memory_space<hbm>>
      %dma_wait3A_16 = arith.constant 0 : i32
      %dma_wait3A_17 = arith.constant 0 : i32
      %dma_wait3A_18 = tpu.memref_slice %arg3[%add3A, %dma_wait3A_16, %dma_wait3A_17] : memref<32x40x125xi32, #tpu.memory_space<hbm>> -> memref<1x40x125xi32, #tpu.memory_space<hbm>>
      %dma_wait3A_19 = tpu.memref_squeeze %dma_wait3A_18 : memref<1x40x125xi32, #tpu.memory_space<hbm>> -> memref<40x125xi32, #tpu.memory_space<hbm>>
      tpu.wait_dma2 semaphore(%run_scoped3A : memref<!tpu.dma_semaphore, #tpu.memory_space<semaphore_mem>>) src(%dma_wait3A_19 : memref<40x125xi32, #tpu.memory_space<hbm>>) dst(%arg5 : memref<40x125xi32, #tpu.memory_space<vmem>>)
      tpu.yield
    }) : () -> ()
    %scan3A = arith.constant 0 : i32
    %scan3A_1 = arith.constant 0 : i32
    %scan3A_2 = arith.constant 5 : i32
    %scan3A_3 = arith.addi %scan3A_1, %scan3A_2 : i32
    %scan3A_4 = arith.constant 1 : i32
    scf.for %scan3A_6 = %scan3A_1 to %scan3A_3 step %scan3A_4  : i32 {
      %scan3A_7 = arith.constant 0 : i32
      %scan3A_8 = arith.constant 0 : i32
      %scan3A_9 = arith.constant 8 : i32
      %scan3A_10 = arith.addi %scan3A_8, %scan3A_9 : i32
      %scan3A_11 = arith.constant 1 : i32
      scf.for %scan3A_18 = %scan3A_8 to %scan3A_10 step %scan3A_11  : i32 {
        %mul3A_19 = arith.constant 8 : i32
        %mul3A_20 = arith.muli %scan3A_6, %mul3A_19 : i32
        %add3A_21 = arith.addi %mul3A_20, %scan3A_18 : i32
        %mul3A_22 = arith.constant 125 : i32
        %mul3A_23 = arith.muli %scan3A_18, %mul3A_22 : i32
        %dma_start3A = arith.constant 0 : i32
        %dma_start3A_24 = tpu.memref_slice %arg6[%mul3A_23, %dma_start3A] : memref<1000x16xf32, #tpu.memory_space<vmem>> -> memref<125x16xf32, #tpu.memory_space<vmem>>
        %dma_start3A_25 = arith.constant 0 : i32
        %dma_start3A_26 = tpu.memref_slice %arg5[%add3A_21, %dma_start3A_25] : memref<40x125xi32, #tpu.memory_space<vmem>> -> memref<1x125xi32, #tpu.memory_space<vmem>>
        %dma_start3A_27 = tpu.memref_squeeze %dma_start3A_26 : memref<1x125xi32, #tpu.memory_space<vmem>> -> memref<125xi32, #tpu.memory_space<vmem>>
        %dma_start3A_28 = arith.constant 0 : i32
        %dma_start3A_29 = arith.constant 0 : i32
        %dma_start3A_30 = tpu.memref_slice %arg2[%dma_start3A_28, %dma_start3A_29] : memref<10000x16xf32, #tpu.memory_space<hbm>> -> memref<10000x16xf32, #tpu.memory_space<hbm>>
        tpu.enqueue_indirect_dma source(%dma_start3A_30 : memref<10000x16xf32, #tpu.memory_space<hbm>>) target(%dma_start3A_24 : memref<125x16xf32, #tpu.memory_space<vmem>>) offsets(%dma_start3A_27 : memref<125xi32, #tpu.memory_space<vmem>>) semaphore(%arg7 : memref<!tpu.dma_semaphore, #tpu.memory_space<semaphore_mem>>)
        %dma_wait3A = arith.constant 0 : i32
        %dma_wait3A_31 = tpu.memref_slice %arg6[%mul3A_23, %dma_wait3A] : memref<1000x16xf32, #tpu.memory_space<vmem>> -> memref<125x16xf32, #tpu.memory_space<vmem>>
        %dma_wait3A_32 = arith.constant 0 : i32
        %dma_wait3A_33 = tpu.memref_slice %arg5[%add3A_21, %dma_wait3A_32] : memref<40x125xi32, #tpu.memory_space<vmem>> -> memref<1x125xi32, #tpu.memory_space<vmem>>
        %dma_wait3A_34 = tpu.memref_squeeze %dma_wait3A_33 : memref<1x125xi32, #tpu.memory_space<vmem>> -> memref<125xi32, #tpu.memory_space<vmem>>
        %dma_wait3A_35 = arith.constant 0 : i32
        %dma_wait3A_36 = arith.constant 0 : i32
        %dma_wait3A_37 = tpu.memref_slice %arg2[%dma_wait3A_35, %dma_wait3A_36] : memref<10000x16xf32, #tpu.memory_space<hbm>> -> memref<10000x16xf32, #tpu.memory_space<hbm>>
        tpu.wait_indirect_dma semaphore(%arg7 : memref<!tpu.dma_semaphore, #tpu.memory_space<semaphore_mem>>) src(%dma_wait3A_37 : memref<10000x16xf32, #tpu.memory_space<hbm>>) dst(%dma_wait3A_31 : memref<125x16xf32, #tpu.memory_space<vmem>>)
      }
      %scan3A_12 = arith.constant 8 : i32
      %mul3A_13 = arith.constant 5000 : i32
      %mul3A_14 = arith.muli %add3A, %mul3A_13 : i32
      %mul3A_15 = arith.constant 1000 : i32
      %mul3A_16 = arith.muli %scan3A_6, %mul3A_15 : i32
      %add3A_17 = arith.addi %mul3A_14, %mul3A_16 : i32
      "tpu.region"() ({
        %run_scoped3A = tpu.sem_alloc : memref<!tpu.dma_semaphore, #tpu.memory_space<semaphore_mem>>
        %dma_start3A = arith.constant 0 : i32
        %dma_start3A_18 = tpu.memref_slice %arg4[%add3A_17, %dma_start3A] : memref<160000x16xf32, #tpu.memory_space<hbm>> -> memref<1000x16xf32, #tpu.memory_space<hbm>>
        %dma_start3A_19 = arith.constant 0 : i32
        %dma_start3A_20 = tpu.memref_slice %arg4[%add3A_17, %dma_start3A_19] : memref<160000x16xf32, #tpu.memory_space<hbm>> -> memref<1000x16xf32, #tpu.memory_space<hbm>>
        tpu.enqueue_dma source(%arg6 : memref<1000x16xf32, #tpu.memory_space<vmem>>) target(%dma_start3A_20 : memref<1000x16xf32, #tpu.memory_space<hbm>>) target_semaphore(%run_scoped3A : memref<!tpu.dma_semaphore, #tpu.memory_space<semaphore_mem>>)
        %dma_wait3A = arith.constant 0 : i32
        %dma_wait3A_21 = tpu.memref_slice %arg4[%add3A_17, %dma_wait3A] : memref<160000x16xf32, #tpu.memory_space<hbm>> -> memref<1000x16xf32, #tpu.memory_space<hbm>>
        %dma_wait3A_22 = arith.constant 0 : i32
        %dma_wait3A_23 = tpu.memref_slice %arg4[%add3A_17, %dma_wait3A_22] : memref<160000x16xf32, #tpu.memory_space<hbm>> -> memref<1000x16xf32, #tpu.memory_space<hbm>>
        tpu.wait_dma2 semaphore(%run_scoped3A : memref<!tpu.dma_semaphore, #tpu.memory_space<semaphore_mem>>) src(%arg6 : memref<1000x16xf32, #tpu.memory_space<vmem>>) dst(%dma_wait3A_23 : memref<1000x16xf32, #tpu.memory_space<hbm>>)
        tpu.yield
      }) : () -> ()
    }
    %scan3A_5 = arith.constant 5 : i32
    return
  }
}

#map = affine_map<(d0, d1) -> (0, 0)>
#map1 = affine_map<(d0, d1) -> (0, 0, 0)>
#map2 = affine_map<(d0, d1) -> (0, 0, 0, 0)>
module attributes {stable_mosaic.version = 14 : i64} {
  func.func @sk(%arg0: i32, %arg1: i32, %arg2: memref<160000x16xf32, #tpu.memory_space<hbm>>, %arg3: memref<32x40x125xi32, #tpu.memory_space<hbm>>, %arg4: memref<2x16x625x16xf32, #tpu.memory_space<hbm>>, %arg5: memref<40x125xi32, #tpu.memory_space<vmem>>, %arg6: memref<5000x16xf32, #tpu.memory_space<vmem>>, %arg7: memref<10000x16xf32, #tpu.memory_space<vmem_shared>>) attributes {dimension_semantics = [#tpu.dimension_semantics<core_parallel>, #tpu.dimension_semantics<subcore_parallel>], iteration_bounds = array<i64: 2, 16>, scalar_prefetch = 0 : i64, scratch_operands = 3 : i64, tpu.core_type = #tpu.core_type<sc_vector_subcore>, window_params = [{transform_indices = #map}, {transform_indices = #map1}, {transform_indices = #map2}]} {
    %mul3A = arith.constant 2 : i32
    %mul3A_0 = arith.muli %arg1, %mul3A : i32
    %add3A = arith.addi %mul3A_0, %arg0 : i32
    %scan3A = arith.constant 0 : i32
    %scan3A_1 = arith.constant 0 : i32
    %scan3A_2 = arith.constant 625 : i32
    %scan3A_3 = arith.addi %scan3A_1, %scan3A_2 : i32
    %scan3A_4 = arith.constant 1 : i32
    scf.for %scan3A_19 = %scan3A_1 to %scan3A_3 step %scan3A_4  : i32 {
      %broadcast_in_dim3A = arith.constant 0.000000e+00 : f32
      %broadcast_in_dim3A_20 = vector.broadcast %broadcast_in_dim3A : f32 to vector<16xf32>
      %swap3A = arith.index_cast %scan3A_19 : i32 to index
      %swap3A_21 = arith.constant 0 : index
      %swap3A_22 = tpu.vector_load %arg6[%swap3A, %swap3A_21] {strides = array<i32>} : memref<5000x16xf32, #tpu.memory_space<vmem>>, vector<1x16xf32>,
      %swap3A_23 = vector.shape_cast %swap3A_22 : vector<1x16xf32> to vector<16xf32>
      %swap3A_24 = vector.shape_cast %broadcast_in_dim3A_20 : vector<16xf32> to vector<1x16xf32>
      tpu.vector_store %arg6[%swap3A, %swap3A_21], %swap3A_24 {strides = array<i32>} : memref<5000x16xf32, #tpu.memory_space<vmem>>, vector<1x16xf32>,
    }
    %scan3A_5 = arith.constant 625 : i32
    %mul3A_6 = arith.constant 625 : i32
    %mul3A_7 = arith.muli %arg1, %mul3A_6 : i32
    "tpu.region"() ({
      %run_scoped3A = tpu.sem_alloc : memref<!tpu.dma_semaphore, #tpu.memory_space<semaphore_mem>>
      %dma_start3A = arith.constant 0 : i32
      %dma_start3A_19 = arith.constant 0 : i32
      %dma_start3A_20 = tpu.memref_slice %arg6[%dma_start3A, %dma_start3A_19] : memref<5000x16xf32, #tpu.memory_space<vmem>> -> memref<625x16xf32, #tpu.memory_space<vmem>>
      %dma_start3A_21 = arith.constant 0 : i32
      %dma_start3A_22 = tpu.memref_slice %arg7[%mul3A_7, %dma_start3A_21] : memref<10000x16xf32, #tpu.memory_space<vmem_shared>> -> memref<625x16xf32, #tpu.memory_space<vmem_shared>>
      %dma_start3A_23 = arith.constant 0 : i32
      %dma_start3A_24 = tpu.memref_slice %arg7[%mul3A_7, %dma_start3A_23] : memref<10000x16xf32, #tpu.memory_space<vmem_shared>> -> memref<625x16xf32, #tpu.memory_space<vmem_shared>>
      %dma_start3A_25 = arith.constant 0 : i32
      %dma_start3A_26 = arith.constant 0 : i32
      %dma_start3A_27 = tpu.memref_slice %arg6[%dma_start3A_25, %dma_start3A_26] : memref<5000x16xf32, #tpu.memory_space<vmem>> -> memref<625x16xf32, #tpu.memory_space<vmem>>
      tpu.enqueue_dma source(%dma_start3A_27 : memref<625x16xf32, #tpu.memory_space<vmem>>) target(%dma_start3A_24 : memref<625x16xf32, #tpu.memory_space<vmem_shared>>) target_semaphore(%run_scoped3A : memref<!tpu.dma_semaphore, #tpu.memory_space<semaphore_mem>>)
      %dma_wait3A = arith.constant 0 : i32
      %dma_wait3A_28 = arith.constant 0 : i32
      %dma_wait3A_29 = tpu.memref_slice %arg6[%dma_wait3A, %dma_wait3A_28] : memref<5000x16xf32, #tpu.memory_space<vmem>> -> memref<625x16xf32, #tpu.memory_space<vmem>>
      %dma_wait3A_30 = arith.constant 0 : i32
      %dma_wait3A_31 = tpu.memref_slice %arg7[%mul3A_7, %dma_wait3A_30] : memref<10000x16xf32, #tpu.memory_space<vmem_shared>> -> memref<625x16xf32, #tpu.memory_space<vmem_shared>>
      %dma_wait3A_32 = arith.constant 0 : i32
      %dma_wait3A_33 = tpu.memref_slice %arg7[%mul3A_7, %dma_wait3A_32] : memref<10000x16xf32, #tpu.memory_space<vmem_shared>> -> memref<625x16xf32, #tpu.memory_space<vmem_shared>>
      %dma_wait3A_34 = arith.constant 0 : i32
      %dma_wait3A_35 = arith.constant 0 : i32
      %dma_wait3A_36 = tpu.memref_slice %arg6[%dma_wait3A_34, %dma_wait3A_35] : memref<5000x16xf32, #tpu.memory_space<vmem>> -> memref<625x16xf32, #tpu.memory_space<vmem>>
      tpu.wait_dma2 semaphore(%run_scoped3A : memref<!tpu.dma_semaphore, #tpu.memory_space<semaphore_mem>>) src(%dma_wait3A_36 : memref<625x16xf32, #tpu.memory_space<vmem>>) dst(%dma_wait3A_33 : memref<625x16xf32, #tpu.memory_space<vmem_shared>>)
      tpu.yield
    }) : () -> ()
    %barrier3A = arith.constant 0 : index
    tpu.barrier barrier_id(%barrier3A)
    "tpu.region"() ({
      %run_scoped3A = tpu.sem_alloc : memref<!tpu.dma_semaphore, #tpu.memory_space<semaphore_mem>>
      %dma_start3A = arith.constant 0 : i32
      %dma_start3A_19 = arith.constant 0 : i32
      %dma_start3A_20 = tpu.memref_slice %arg3[%add3A, %dma_start3A, %dma_start3A_19] : memref<32x40x125xi32, #tpu.memory_space<hbm>> -> memref<1x40x125xi32, #tpu.memory_space<hbm>>
      %dma_start3A_21 = tpu.memref_squeeze %dma_start3A_20 : memref<1x40x125xi32, #tpu.memory_space<hbm>> -> memref<40x125xi32, #tpu.memory_space<hbm>>
      %dma_start3A_22 = arith.constant 0 : i32
      %dma_start3A_23 = arith.constant 0 : i32
      %dma_start3A_24 = tpu.memref_slice %arg3[%add3A, %dma_start3A_22, %dma_start3A_23] : memref<32x40x125xi32, #tpu.memory_space<hbm>> -> memref<1x40x125xi32, #tpu.memory_space<hbm>>
      %dma_start3A_25 = tpu.memref_squeeze %dma_start3A_24 : memref<1x40x125xi32, #tpu.memory_space<hbm>> -> memref<40x125xi32, #tpu.memory_space<hbm>>
      tpu.enqueue_dma source(%dma_start3A_25 : memref<40x125xi32, #tpu.memory_space<hbm>>) target(%arg5 : memref<40x125xi32, #tpu.memory_space<vmem>>) target_semaphore(%run_scoped3A : memref<!tpu.dma_semaphore, #tpu.memory_space<semaphore_mem>>)
      %dma_wait3A = arith.constant 0 : i32
      %dma_wait3A_26 = arith.constant 0 : i32
      %dma_wait3A_27 = tpu.memref_slice %arg3[%add3A, %dma_wait3A, %dma_wait3A_26] : memref<32x40x125xi32, #tpu.memory_space<hbm>> -> memref<1x40x125xi32, #tpu.memory_space<hbm>>
      %dma_wait3A_28 = tpu.memref_squeeze %dma_wait3A_27 : memref<1x40x125xi32, #tpu.memory_space<hbm>> -> memref<40x125xi32, #tpu.memory_space<hbm>>
      %dma_wait3A_29 = arith.constant 0 : i32
      %dma_wait3A_30 = arith.constant 0 : i32
      %dma_wait3A_31 = tpu.memref_slice %arg3[%add3A, %dma_wait3A_29, %dma_wait3A_30] : memref<32x40x125xi32, #tpu.memory_space<hbm>> -> memref<1x40x125xi32, #tpu.memory_space<hbm>>
      %dma_wait3A_32 = tpu.memref_squeeze %dma_wait3A_31 : memref<1x40x125xi32, #tpu.memory_space<hbm>> -> memref<40x125xi32, #tpu.memory_space<hbm>>
      tpu.wait_dma2 semaphore(%run_scoped3A : memref<!tpu.dma_semaphore, #tpu.memory_space<semaphore_mem>>) src(%dma_wait3A_32 : memref<40x125xi32, #tpu.memory_space<hbm>>) dst(%arg5 : memref<40x125xi32, #tpu.memory_space<vmem>>)
      tpu.yield
    }) : () -> ()
    %mul3A_8 = arith.constant 5000 : i32
    %mul3A_9 = arith.muli %add3A, %mul3A_8 : i32
    "tpu.region"() ({
      %run_scoped3A = tpu.sem_alloc : memref<!tpu.dma_semaphore, #tpu.memory_space<semaphore_mem>>
      %dma_start3A = arith.constant 0 : i32
      %dma_start3A_19 = tpu.memref_slice %arg2[%mul3A_9, %dma_start3A] : memref<160000x16xf32, #tpu.memory_space<hbm>> -> memref<5000x16xf32, #tpu.memory_space<hbm>>
      %dma_start3A_20 = arith.constant 0 : i32
      %dma_start3A_21 = tpu.memref_slice %arg2[%mul3A_9, %dma_start3A_20] : memref<160000x16xf32, #tpu.memory_space<hbm>> -> memref<5000x16xf32, #tpu.memory_space<hbm>>
      tpu.enqueue_dma source(%dma_start3A_21 : memref<5000x16xf32, #tpu.memory_space<hbm>>) target(%arg6 : memref<5000x16xf32, #tpu.memory_space<vmem>>) target_semaphore(%run_scoped3A : memref<!tpu.dma_semaphore, #tpu.memory_space<semaphore_mem>>)
      %dma_wait3A = arith.constant 0 : i32
      %dma_wait3A_22 = tpu.memref_slice %arg2[%mul3A_9, %dma_wait3A] : memref<160000x16xf32, #tpu.memory_space<hbm>> -> memref<5000x16xf32, #tpu.memory_space<hbm>>
      %dma_wait3A_23 = arith.constant 0 : i32
      %dma_wait3A_24 = tpu.memref_slice %arg2[%mul3A_9, %dma_wait3A_23] : memref<160000x16xf32, #tpu.memory_space<hbm>> -> memref<5000x16xf32, #tpu.memory_space<hbm>>
      tpu.wait_dma2 semaphore(%run_scoped3A : memref<!tpu.dma_semaphore, #tpu.memory_space<semaphore_mem>>) src(%dma_wait3A_24 : memref<5000x16xf32, #tpu.memory_space<hbm>>) dst(%arg6 : memref<5000x16xf32, #tpu.memory_space<vmem>>)
      tpu.yield
    }) : () -> ()
    %scan3A_10 = arith.constant 0 : i32
    %scan3A_11 = arith.constant 0 : i32
    %scan3A_12 = arith.constant 40 : i32
    %scan3A_13 = arith.addi %scan3A_11, %scan3A_12 : i32
    %scan3A_14 = arith.constant 1 : i32
    scf.for %scan3A_19 = %scan3A_11 to %scan3A_13 step %scan3A_14  : i32 {
      %mul3A_20 = arith.constant 125 : i32
      %mul3A_21 = arith.muli %scan3A_19, %mul3A_20 : i32
      "tpu.region"() ({
        %run_scoped3A = tpu.sem_alloc : memref<!tpu.dma_semaphore, #tpu.memory_space<semaphore_mem>>
        %dma_start3A = arith.constant 0 : i32
        %dma_start3A_22 = tpu.memref_slice %arg6[%mul3A_21, %dma_start3A] : memref<5000x16xf32, #tpu.memory_space<vmem>> -> memref<125x16xf32, #tpu.memory_space<vmem>>
        %dma_start3A_23 = arith.constant 0 : i32
        %dma_start3A_24 = tpu.memref_slice %arg5[%scan3A_19, %dma_start3A_23] : memref<40x125xi32, #tpu.memory_space<vmem>> -> memref<1x125xi32, #tpu.memory_space<vmem>>
        %dma_start3A_25 = tpu.memref_squeeze %dma_start3A_24 : memref<1x125xi32, #tpu.memory_space<vmem>> -> memref<125xi32, #tpu.memory_space<vmem>>
        %dma_start3A_26 = arith.constant 0 : i32
        %dma_start3A_27 = arith.constant 0 : i32
        %dma_start3A_28 = tpu.memref_slice %arg7[%dma_start3A_26, %dma_start3A_27] : memref<10000x16xf32, #tpu.memory_space<vmem_shared>> -> memref<10000x16xf32, #tpu.memory_space<vmem_shared>>
        tpu.enqueue_indirect_dma source(%dma_start3A_22 : memref<125x16xf32, #tpu.memory_space<vmem>>) target(%dma_start3A_28 : memref<10000x16xf32, #tpu.memory_space<vmem_shared>>) offsets(%dma_start3A_25 : memref<125xi32, #tpu.memory_space<vmem>>) semaphore(%run_scoped3A : memref<!tpu.dma_semaphore, #tpu.memory_space<semaphore_mem>>) {add = true}
        %dma_wait3A = arith.constant 0 : i32
        %dma_wait3A_29 = tpu.memref_slice %arg6[%mul3A_21, %dma_wait3A] : memref<5000x16xf32, #tpu.memory_space<vmem>> -> memref<125x16xf32, #tpu.memory_space<vmem>>
        %dma_wait3A_30 = arith.constant 0 : i32
        %dma_wait3A_31 = tpu.memref_slice %arg5[%scan3A_19, %dma_wait3A_30] : memref<40x125xi32, #tpu.memory_space<vmem>> -> memref<1x125xi32, #tpu.memory_space<vmem>>
        %dma_wait3A_32 = tpu.memref_squeeze %dma_wait3A_31 : memref<1x125xi32, #tpu.memory_space<vmem>> -> memref<125xi32, #tpu.memory_space<vmem>>
        %dma_wait3A_33 = arith.constant 0 : i32
        %dma_wait3A_34 = arith.constant 0 : i32
        %dma_wait3A_35 = tpu.memref_slice %arg7[%dma_wait3A_33, %dma_wait3A_34] : memref<10000x16xf32, #tpu.memory_space<vmem_shared>> -> memref<10000x16xf32, #tpu.memory_space<vmem_shared>>
        tpu.wait_indirect_dma semaphore(%run_scoped3A : memref<!tpu.dma_semaphore, #tpu.memory_space<semaphore_mem>>) src(%dma_wait3A_29 : memref<125x16xf32, #tpu.memory_space<vmem>>) dst(%dma_wait3A_35 : memref<10000x16xf32, #tpu.memory_space<vmem_shared>>)
        tpu.yield
      }) : () -> ()
    }
    %scan3A_15 = arith.constant 40 : i32
    %barrier3A_16 = arith.constant 0 : index
    tpu.barrier barrier_id(%barrier3A_16)
    %mul3A_17 = arith.constant 625 : i32
    %mul3A_18 = arith.muli %arg1, %mul3A_17 : i32
    "tpu.region"() ({
      %run_scoped3A = tpu.sem_alloc : memref<!tpu.dma_semaphore, #tpu.memory_space<semaphore_mem>>
      %dma_start3A = arith.constant 0 : i32
      %dma_start3A_19 = arith.constant 0 : i32
      %dma_start3A_20 = tpu.memref_slice %arg6[%dma_start3A, %dma_start3A_19] : memref<5000x16xf32, #tpu.memory_space<vmem>> -> memref<625x16xf32, #tpu.memory_space<vmem>>
      %dma_start3A_21 = arith.constant 0 : i32
      %dma_start3A_22 = tpu.memref_slice %arg7[%mul3A_18, %dma_start3A_21] : memref<10000x16xf32, #tpu.memory_space<vmem_shared>> -> memref<625x16xf32, #tpu.memory_space<vmem_shared>>
      %dma_start3A_23 = arith.constant 0 : i32
      %dma_start3A_24 = arith.constant 0 : i32
      %dma_start3A_25 = tpu.memref_slice %arg6[%dma_start3A_23, %dma_start3A_24] : memref<5000x16xf32, #tpu.memory_space<vmem>> -> memref<625x16xf32, #tpu.memory_space<vmem>>
      %dma_start3A_26 = arith.constant 0 : i32
      %dma_start3A_27 = tpu.memref_slice %arg7[%mul3A_18, %dma_start3A_26] : memref<10000x16xf32, #tpu.memory_space<vmem_shared>> -> memref<625x16xf32, #tpu.memory_space<vmem_shared>>
      tpu.enqueue_dma source(%dma_start3A_27 : memref<625x16xf32, #tpu.memory_space<vmem_shared>>) target(%dma_start3A_25 : memref<625x16xf32, #tpu.memory_space<vmem>>) target_semaphore(%run_scoped3A : memref<!tpu.dma_semaphore, #tpu.memory_space<semaphore_mem>>)
      %dma_wait3A = arith.constant 0 : i32
      %dma_wait3A_28 = arith.constant 0 : i32
      %dma_wait3A_29 = tpu.memref_slice %arg6[%dma_wait3A, %dma_wait3A_28] : memref<5000x16xf32, #tpu.memory_space<vmem>> -> memref<625x16xf32, #tpu.memory_space<vmem>>
      %dma_wait3A_30 = arith.constant 0 : i32
      %dma_wait3A_31 = tpu.memref_slice %arg7[%mul3A_18, %dma_wait3A_30] : memref<10000x16xf32, #tpu.memory_space<vmem_shared>> -> memref<625x16xf32, #tpu.memory_space<vmem_shared>>
      %dma_wait3A_32 = arith.constant 0 : i32
      %dma_wait3A_33 = arith.constant 0 : i32
      %dma_wait3A_34 = tpu.memref_slice %arg6[%dma_wait3A_32, %dma_wait3A_33] : memref<5000x16xf32, #tpu.memory_space<vmem>> -> memref<625x16xf32, #tpu.memory_space<vmem>>
      %dma_wait3A_35 = arith.constant 0 : i32
      %dma_wait3A_36 = tpu.memref_slice %arg7[%mul3A_18, %dma_wait3A_35] : memref<10000x16xf32, #tpu.memory_space<vmem_shared>> -> memref<625x16xf32, #tpu.memory_space<vmem_shared>>
      tpu.wait_dma2 semaphore(%run_scoped3A : memref<!tpu.dma_semaphore, #tpu.memory_space<semaphore_mem>>) src(%dma_wait3A_36 : memref<625x16xf32, #tpu.memory_space<vmem_shared>>) dst(%dma_wait3A_34 : memref<625x16xf32, #tpu.memory_space<vmem>>)
      tpu.yield
    }) : () -> ()
    "tpu.region"() ({
      %run_scoped3A = tpu.sem_alloc : memref<!tpu.dma_semaphore, #tpu.memory_space<semaphore_mem>>
      %dma_start3A = arith.constant 0 : i32
      %dma_start3A_19 = arith.constant 0 : i32
      %dma_start3A_20 = tpu.memref_slice %arg6[%dma_start3A, %dma_start3A_19] : memref<5000x16xf32, #tpu.memory_space<vmem>> -> memref<625x16xf32, #tpu.memory_space<vmem>>
      %dma_start3A_21 = arith.constant 0 : i32
      %dma_start3A_22 = arith.constant 0 : i32
      %dma_start3A_23 = tpu.memref_slice %arg4[%arg0, %arg1, %dma_start3A_21, %dma_start3A_22] : memref<2x16x625x16xf32, #tpu.memory_space<hbm>> -> memref<1x1x625x16xf32, #tpu.memory_space<hbm>>
      %dma_start3A_24 = tpu.memref_squeeze %dma_start3A_23 : memref<1x1x625x16xf32, #tpu.memory_space<hbm>> -> memref<625x16xf32, #tpu.memory_space<hbm>>
      %dma_start3A_25 = arith.constant 0 : i32
      %dma_start3A_26 = arith.constant 0 : i32
      %dma_start3A_27 = tpu.memref_slice %arg4[%arg0, %arg1, %dma_start3A_25, %dma_start3A_26] : memref<2x16x625x16xf32, #tpu.memory_space<hbm>> -> memref<1x1x625x16xf32, #tpu.memory_space<hbm>>
      %dma_start3A_28 = tpu.memref_squeeze %dma_start3A_27 : memref<1x1x625x16xf32, #tpu.memory_space<hbm>> -> memref<625x16xf32, #tpu.memory_space<hbm>>
      %dma_start3A_29 = arith.constant 0 : i32
      %dma_start3A_30 = arith.constant 0 : i32
      %dma_start3A_31 = tpu.memref_slice %arg6[%dma_start3A_29, %dma_start3A_30] : memref<5000x16xf32, #tpu.memory_space<vmem>> -> memref<625x16xf32, #tpu.memory_space<vmem>>
      tpu.enqueue_dma source(%dma_start3A_31 : memref<625x16xf32, #tpu.memory_space<vmem>>) target(%dma_start3A_28 : memref<625x16xf32, #tpu.memory_space<hbm>>) target_semaphore(%run_scoped3A : memref<!tpu.dma_semaphore, #tpu.memory_space<semaphore_mem>>)
      %dma_wait3A = arith.constant 0 : i32
      %dma_wait3A_32 = arith.constant 0 : i32
      %dma_wait3A_33 = tpu.memref_slice %arg6[%dma_wait3A, %dma_wait3A_32] : memref<5000x16xf32, #tpu.memory_space<vmem>> -> memref<625x16xf32, #tpu.memory_space<vmem>>
      %dma_wait3A_34 = arith.constant 0 : i32
      %dma_wait3A_35 = arith.constant 0 : i32
      %dma_wait3A_36 = tpu.memref_slice %arg4[%arg0, %arg1, %dma_wait3A_34, %dma_wait3A_35] : memref<2x16x625x16xf32, #tpu.memory_space<hbm>> -> memref<1x1x625x16xf32, #tpu.memory_space<hbm>>
      %dma_wait3A_37 = tpu.memref_squeeze %dma_wait3A_36 : memref<1x1x625x16xf32, #tpu.memory_space<hbm>> -> memref<625x16xf32, #tpu.memory_space<hbm>>
      %dma_wait3A_38 = arith.constant 0 : i32
      %dma_wait3A_39 = arith.constant 0 : i32
      %dma_wait3A_40 = tpu.memref_slice %arg4[%arg0, %arg1, %dma_wait3A_38, %dma_wait3A_39] : memref<2x16x625x16xf32, #tpu.memory_space<hbm>> -> memref<1x1x625x16xf32, #tpu.memory_space<hbm>>
      %dma_wait3A_41 = tpu.memref_squeeze %dma_wait3A_40 : memref<1x1x625x16xf32, #tpu.memory_space<hbm>> -> memref<625x16xf32, #tpu.memory_space<hbm>>
      %dma_wait3A_42 = arith.constant 0 : i32
      %dma_wait3A_43 = arith.constant 0 : i32
      %dma_wait3A_44 = tpu.memref_slice %arg6[%dma_wait3A_42, %dma_wait3A_43] : memref<5000x16xf32, #tpu.memory_space<vmem>> -> memref<625x16xf32, #tpu.memory_space<vmem>>
      tpu.wait_dma2 semaphore(%run_scoped3A : memref<!tpu.dma_semaphore, #tpu.memory_space<semaphore_mem>>) src(%dma_wait3A_44 : memref<625x16xf32, #tpu.memory_space<vmem>>) dst(%dma_wait3A_41 : memref<625x16xf32, #tpu.memory_space<hbm>>)
      tpu.yield
    }) : () -> ()
    return
  }
}

module attributes {stable_mosaic.version = 14 : i64} {
  func.func @mk(%arg0: i32, %arg1: memref<640x4xf32, #tpu.memory_space<vmem>>, %arg2: memref<640x32xf32, #tpu.memory_space<vmem>>, %arg3: memref<4x512xf32, #tpu.memory_space<vmem>>, %arg4: memref<1x512xf32, #tpu.memory_space<vmem>>, %arg5: memref<640x16xf32, #tpu.memory_space<vmem>>) attributes {dimension_semantics = [#tpu.dimension_semantics<arbitrary>], iteration_bounds = array<i64: 250>, scalar_prefetch = 0 : i64, scratch_operands = 0 : i64, tpu.core_type = #tpu.core_type<tc>, window_params = [{transform_indices = @transform_0, window_bounds = array<i64: 640, 4>}, {transform_indices = @transform_1, window_bounds = array<i64: 640, 32>}, {pipeline_mode = #tpu.pipeline_mode<synchronous>, transform_indices = @transform_2, window_bounds = array<i64: 4, 512>}, {pipeline_mode = #tpu.pipeline_mode<synchronous>, transform_indices = @transform_3, window_bounds = array<i64: 1, 512>}, {transform_indices = @transform_4, window_bounds = array<i64: 640, 16>}]} {
    %get3A = arith.constant 0 : index
    %get3A_0 = arith.constant 0 : index
    %get3A_1 = vector.load %arg1[%get3A, %get3A_0] : memref<640x4xf32, #tpu.memory_space<vmem>>, vector<640x4xf32>
    %get3A_2 = arith.constant 0 : index
    %get3A_3 = arith.constant 0 : index
    %get3A_4 = vector.load %arg3[%get3A_2, %get3A_3] : memref<4x512xf32, #tpu.memory_space<vmem>>, vector<4x512xf32>
    %dot_general3A = arith.constant dense<0.000000e+00> : vector<640x512xf32>
    %dot_general3A_5 = tpu.matmul %get3A_1, %get3A_4, %dot_general3A {dimension_numbers = #tpu.dot_dimension_numbers<[1], [0], [0], [1], [0, 0, 1, 1], [], []>, transpose_lhs_hint = false} : vector<640x4xf32>, vector<4x512xf32>, vector<640x512xf32> -> vector<640x512xf32>
    %get3A_6 = arith.constant 0 : index
    %get3A_7 = arith.constant 0 : index
    %get3A_8 = vector.load %arg4[%get3A_6, %get3A_7] : memref<1x512xf32, #tpu.memory_space<vmem>>, vector<1x512xf32>
    %add3A = vector.broadcast %get3A_8 : vector<1x512xf32> to vector<640x512xf32>
    %add3A_9 = arith.addf %dot_general3A_5, %add3A : vector<640x512xf32>
    %max3A = arith.constant 0.000000e+00 : f32
    %max3A_10 = vector.broadcast %max3A : f32 to vector<640x512xf32>
    %max3A_11 = arith.maximumf %add3A_9, %max3A_10 : vector<640x512xf32>
    %get3A_12 = arith.constant 0 : index
    %get3A_13 = arith.constant 0 : index
    %get3A_14 = vector.load %arg2[%get3A_12, %get3A_13] : memref<640x32xf32, #tpu.memory_space<vmem>>, vector<640x32xf32>
    %tile3A = tpu.concatenate %get3A_14, %get3A_14, %get3A_14, %get3A_14, %get3A_14, %get3A_14, %get3A_14, %get3A_14, %get3A_14, %get3A_14, %get3A_14, %get3A_14, %get3A_14, %get3A_14, %get3A_14, %get3A_14 in 1 : vector<640x32xf32>, vector<640x32xf32>, vector<640x32xf32>, vector<640x32xf32>, vector<640x32xf32>, vector<640x32xf32>, vector<640x32xf32>, vector<640x32xf32>, vector<640x32xf32>, vector<640x32xf32>, vector<640x32xf32>, vector<640x32xf32>, vector<640x32xf32>, vector<640x32xf32>, vector<640x32xf32>, vector<640x32xf32> -> vector<640x512xf32>
    %iota3A = tpu.iota {dimensions = array<i32: 0>} : vector<512x16xi32>
    %jit3A = arith.constant 32 : i32
    %div3A = vector.broadcast %jit3A : i32 to vector<512x16xi32>
    %div3A_15 = arith.divsi %iota3A, %div3A : vector<512x16xi32>
    %sign3A = arith.constant 0 : i32
    %sign3A_16 = vector.broadcast %sign3A : i32 to vector<512x16xi32>
    %sign3A_17 = arith.cmpi sgt, %iota3A, %sign3A_16 : vector<512x16xi32>
    %sign3A_18 = arith.extui %sign3A_17 : vector<512x16xi1> to vector<512x16xi32>
    %sign3A_19 = arith.constant 0 : i32
    %sign3A_20 = vector.broadcast %sign3A_19 : i32 to vector<512x16xi32>
    %sign3A_21 = arith.cmpi slt, %iota3A, %sign3A_20 : vector<512x16xi32>
    %sign3A_22 = arith.extui %sign3A_21 : vector<512x16xi1> to vector<512x16xi32>
    %sign3A_23 = arith.subi %sign3A_18, %sign3A_22 : vector<512x16xi32>
    %sign3A_24 = arith.constant 0 : i32
    %sign3A_25 = arith.cmpi sgt, %jit3A, %sign3A_24 : i32
    %sign3A_26 = arith.extui %sign3A_25 : i1 to i32
    %sign3A_27 = arith.constant 0 : i32
    %sign3A_28 = arith.cmpi slt, %jit3A, %sign3A_27 : i32
    %sign3A_29 = arith.extui %sign3A_28 : i1 to i32
    %sign3A_30 = arith.subi %sign3A_26, %sign3A_29 : i32
    %ne3A = vector.broadcast %sign3A_30 : i32 to vector<512x16xi32>
    %ne3A_31 = arith.cmpi ne, %sign3A_23, %ne3A : vector<512x16xi32>
    %rem3A = vector.broadcast %jit3A : i32 to vector<512x16xi32>
    %rem3A_32 = arith.remsi %iota3A, %rem3A : vector<512x16xi32>
    %ne3A_33 = arith.constant 0 : i32
    %ne3A_34 = vector.broadcast %ne3A_33 : i32 to vector<512x16xi32>
    %ne3A_35 = arith.cmpi ne, %rem3A_32, %ne3A_34 : vector<512x16xi32>
    %and3A = arith.andi %ne3A_31, %ne3A_35 : vector<512x16xi1>
    %sub3A = arith.constant 1 : i32
    %sub3A_36 = vector.broadcast %sub3A : i32 to vector<512x16xi32>
    %sub3A_37 = arith.subi %div3A_15, %sub3A_36 : vector<512x16xi32>
    %select_n3A = arith.select %and3A, %sub3A_37, %div3A_15 : vector<512x16xi1>, vector<512x16xi32>
    %iota3A_38 = tpu.iota {dimensions = array<i32: 1>} : vector<512x16xi32>
    %eq3A = arith.cmpi eq, %select_n3A, %iota3A_38 : vector<512x16xi32>
    %convert_element_type3A = arith.extui %eq3A : vector<512x16xi1> to vector<512x16xi32>
    %convert_element_type3A_39 = arith.sitofp %convert_element_type3A : vector<512x16xi32> to vector<512x16xf32>
    %mul3A = arith.mulf %tile3A, %max3A_11 : vector<640x512xf32>
    %dot_general3A_40 = arith.constant dense<0.000000e+00> : vector<640x16xf32>
    %dot_general3A_41 = tpu.matmul %mul3A, %convert_element_type3A_39, %dot_general3A_40 {dimension_numbers = #tpu.dot_dimension_numbers<[1], [0], [0], [1], [0, 0, 1, 1], [], []>, transpose_lhs_hint = false} : vector<640x512xf32>, vector<512x16xf32>, vector<640x16xf32> -> vector<640x16xf32>
    %swap3A = arith.constant 0 : index
    %swap3A_42 = arith.constant 0 : index
    %swap3A_43 = vector.load %arg5[%swap3A, %swap3A_42] : memref<640x16xf32, #tpu.memory_space<vmem>>, vector<640x16xf32>
    tpu.vector_store %arg5[%swap3A, %swap3A_42], %dot_general3A_41 {strides = array<i32>} : memref<640x16xf32, #tpu.memory_space<vmem>>, vector<640x16xf32>,
    return
  }
  func.func @transform_0(%arg0: i32) -> (i32, i32) {
    %c0_i32 = arith.constant 0 : i32
    %c0_i32_0 = arith.constant 0 : i32
    return %arg0, %c0_i32 : i32, i32
  }
  func.func @transform_1(%arg0: i32) -> (i32, i32) {
    %c0_i32 = arith.constant 0 : i32
    %c0_i32_0 = arith.constant 0 : i32
    return %arg0, %c0_i32 : i32, i32
  }
  func.func @transform_2(%arg0: i32) -> (i32, i32) {
    %c0_i32 = arith.constant 0 : i32
    %c0_i32_0 = arith.constant 0 : i32
    %c0_i32_1 = arith.constant 0 : i32
    return %c0_i32, %c0_i32_0 : i32, i32
  }
  func.func @transform_3(%arg0: i32) -> (i32, i32) {
    %c0_i32 = arith.constant 0 : i32
    %c0_i32_0 = arith.constant 0 : i32
    %c0_i32_1 = arith.constant 0 : i32
    return %c0_i32, %c0_i32_0 : i32, i32
  }
  func.func @transform_4(%arg0: i32) -> (i32, i32) {
    %c0_i32 = arith.constant 0 : i32
    %c0_i32_0 = arith.constant 0 : i32
    return %arg0, %c0_i32 : i32, i32
  }
}

module attributes {stable_mosaic.version = 14 : i64} {
  func.func @uk(%arg0: memref<2x10000x16xf32, #tpu.memory_space<vmem>>, %arg1: memref<10000x32xf32, #tpu.memory_space<vmem>>, %arg2: memref<32x16xf32, #tpu.memory_space<vmem>>, %arg3: memref<1x16xf32, #tpu.memory_space<vmem>>, %arg4: memref<1x16xf32, #tpu.memory_space<vmem>>, %arg5: memref<1x16xf32, #tpu.memory_space<vmem>>, %arg6: memref<10000x16xf32, #tpu.memory_space<vmem>>) attributes {dimension_semantics = [], scalar_prefetch = 0 : i64, scratch_operands = 0 : i64, tpu.core_type = #tpu.core_type<tc>} {
    %get3A = arith.constant 0 : index
    %get3A_0 = arith.constant 0 : index
    %get3A_1 = arith.constant 0 : index
    %get3A_2 = vector.load %arg0[%get3A, %get3A_0, %get3A_1] : memref<2x10000x16xf32, #tpu.memory_space<vmem>>, vector<1x10000x16xf32>
    %get3A_3 = vector.shape_cast %get3A_2 : vector<1x10000x16xf32> to vector<10000x16xf32>
    %get3A_4 = arith.constant 1 : index
    %get3A_5 = arith.constant 0 : index
    %get3A_6 = arith.constant 0 : index
    %get3A_7 = vector.load %arg0[%get3A_4, %get3A_5, %get3A_6] : memref<2x10000x16xf32, #tpu.memory_space<vmem>>, vector<1x10000x16xf32>
    %get3A_8 = vector.shape_cast %get3A_7 : vector<1x10000x16xf32> to vector<10000x16xf32>
    %add3A = arith.addf %get3A_3, %get3A_8 : vector<10000x16xf32>
    %get3A_9 = arith.constant 0 : index
    %get3A_10 = arith.constant 0 : index
    %get3A_11 = vector.load %arg3[%get3A_9, %get3A_10] : memref<1x16xf32, #tpu.memory_space<vmem>>, vector<1x16xf32>
    %add3A_12 = vector.broadcast %get3A_11 : vector<1x16xf32> to vector<10000x16xf32>
    %add3A_13 = arith.addf %add3A, %add3A_12 : vector<10000x16xf32>
    %get3A_14 = arith.constant 0 : index
    %get3A_15 = arith.constant 0 : index
    %get3A_16 = vector.load %arg1[%get3A_14, %get3A_15] : memref<10000x32xf32, #tpu.memory_space<vmem>>, vector<10000x32xf32>
    %get3A_17 = arith.constant 0 : index
    %get3A_18 = arith.constant 0 : index
    %get3A_19 = vector.load %arg2[%get3A_17, %get3A_18] : memref<32x16xf32, #tpu.memory_space<vmem>>, vector<32x16xf32>
    %dot_general3A = arith.constant dense<0.000000e+00> : vector<10000x16xf32>
    %dot_general3A_20 = tpu.matmul %get3A_16, %get3A_19, %dot_general3A {dimension_numbers = #tpu.dot_dimension_numbers<[1], [0], [0], [1], [0, 0, 1, 1], [], []>, transpose_lhs_hint = false} : vector<10000x32xf32>, vector<32x16xf32>, vector<10000x16xf32> -> vector<10000x16xf32>
    %add3A_21 = arith.addf %add3A_13, %dot_general3A_20 : vector<10000x16xf32>
    %reduce_sum3A = arith.constant dense<0.000000e+00> : vector<16xf32>
    %reduce_sum3A_22 = vector.multi_reduction <add>, %add3A_21, %reduce_sum3A [0] : vector<10000x16xf32> to vector<16xf32>
    %broadcast_in_dim3A = vector.shape_cast %reduce_sum3A_22 : vector<16xf32> to vector<1x16xf32>
    %div3A = arith.constant 1.000000e+04 : f32
    %div3A_23 = vector.broadcast %div3A : f32 to vector<1x16xf32>
    %div3A_24 = arith.divf %broadcast_in_dim3A, %div3A_23 : vector<1x16xf32>
    %sub3A = vector.broadcast %div3A_24 : vector<1x16xf32> to vector<10000x16xf32>
    %sub3A_25 = arith.subf %add3A_21, %sub3A : vector<10000x16xf32>
    %integer_pow3A = arith.mulf %sub3A_25, %sub3A_25 : vector<10000x16xf32>
    %reduce_sum3A_26 = arith.constant dense<0.000000e+00> : vector<16xf32>
    %reduce_sum3A_27 = vector.multi_reduction <add>, %integer_pow3A, %reduce_sum3A_26 [0] : vector<10000x16xf32> to vector<16xf32>
    %broadcast_in_dim3A_28 = vector.shape_cast %reduce_sum3A_27 : vector<16xf32> to vector<1x16xf32>
    %div3A_29 = arith.constant 1.000000e+04 : f32
    %div3A_30 = vector.broadcast %div3A_29 : f32 to vector<1x16xf32>
    %div3A_31 = arith.divf %broadcast_in_dim3A_28, %div3A_30 : vector<1x16xf32>
    %sub3A_32 = vector.broadcast %div3A_24 : vector<1x16xf32> to vector<10000x16xf32>
    %sub3A_33 = arith.subf %add3A_21, %sub3A_32 : vector<10000x16xf32>
    %add3A_34 = arith.constant 9.99999974E-6 : f32
    %add3A_35 = vector.broadcast %add3A_34 : f32 to vector<1x16xf32>
    %add3A_36 = arith.addf %div3A_31, %add3A_35 : vector<1x16xf32>
    %rsqrt3A = math.rsqrt %add3A_36 : vector<1x16xf32>
    %mul3A = vector.broadcast %rsqrt3A : vector<1x16xf32> to vector<10000x16xf32>
    %mul3A_37 = arith.mulf %sub3A_33, %mul3A : vector<10000x16xf32>
    %get3A_38 = arith.constant 0 : index
    %get3A_39 = arith.constant 0 : index
    %get3A_40 = vector.load %arg4[%get3A_38, %get3A_39] : memref<1x16xf32, #tpu.memory_space<vmem>>, vector<1x16xf32>
    %mul3A_41 = vector.broadcast %get3A_40 : vector<1x16xf32> to vector<10000x16xf32>
    %mul3A_42 = arith.mulf %mul3A_37, %mul3A_41 : vector<10000x16xf32>
    %get3A_43 = arith.constant 0 : index
    %get3A_44 = arith.constant 0 : index
    %get3A_45 = vector.load %arg5[%get3A_43, %get3A_44] : memref<1x16xf32, #tpu.memory_space<vmem>>, vector<1x16xf32>
    %add3A_46 = vector.broadcast %get3A_45 : vector<1x16xf32> to vector<10000x16xf32>
    %add3A_47 = arith.addf %mul3A_42, %add3A_46 : vector<10000x16xf32>
    %max3A = arith.constant 0.000000e+00 : f32
    %max3A_48 = vector.broadcast %max3A : f32 to vector<10000x16xf32>
    %max3A_49 = arith.maximumf %add3A_47, %max3A_48 : vector<10000x16xf32>
    %swap3A = arith.constant 0 : index
    %swap3A_50 = arith.constant 0 : index
    %swap3A_51 = vector.load %arg6[%swap3A, %swap3A_50] : memref<10000x16xf32, #tpu.memory_space<vmem>>, vector<10000x16xf32>
    tpu.vector_store %arg6[%swap3A, %swap3A_50], %max3A_49 {strides = array<i32>} : memref<10000x16xf32, #tpu.memory_space<vmem>>, vector<10000x16xf32>,
    return
  }
}

module attributes {stable_mosaic.version = 14 : i64} {
  func.func @mk(%arg0: i32, %arg1: memref<1280x4xf32, #tpu.memory_space<vmem>>, %arg2: memref<1280x16xf32, #tpu.memory_space<vmem>>, %arg3: memref<4x256xf32, #tpu.memory_space<vmem>>, %arg4: memref<1x256xf32, #tpu.memory_space<vmem>>, %arg5: memref<1280x16xf32, #tpu.memory_space<vmem>>) attributes {dimension_semantics = [#tpu.dimension_semantics<arbitrary>], iteration_bounds = array<i64: 125>, scalar_prefetch = 0 : i64, scratch_operands = 0 : i64, tpu.core_type = #tpu.core_type<tc>, window_params = [{transform_indices = @transform_0, window_bounds = array<i64: 1280, 4>}, {transform_indices = @transform_1, window_bounds = array<i64: 1280, 16>}, {pipeline_mode = #tpu.pipeline_mode<synchronous>, transform_indices = @transform_2, window_bounds = array<i64: 4, 256>}, {pipeline_mode = #tpu.pipeline_mode<synchronous>, transform_indices = @transform_3, window_bounds = array<i64: 1, 256>}, {transform_indices = @transform_4, window_bounds = array<i64: 1280, 16>}]} {
    %get3A = arith.constant 0 : index
    %get3A_0 = arith.constant 0 : index
    %get3A_1 = vector.load %arg1[%get3A, %get3A_0] : memref<1280x4xf32, #tpu.memory_space<vmem>>, vector<1280x4xf32>
    %get3A_2 = arith.constant 0 : index
    %get3A_3 = arith.constant 0 : index
    %get3A_4 = vector.load %arg3[%get3A_2, %get3A_3] : memref<4x256xf32, #tpu.memory_space<vmem>>, vector<4x256xf32>
    %dot_general3A = arith.constant dense<0.000000e+00> : vector<1280x256xf32>
    %dot_general3A_5 = tpu.matmul %get3A_1, %get3A_4, %dot_general3A {dimension_numbers = #tpu.dot_dimension_numbers<[1], [0], [0], [1], [0, 0, 1, 1], [], []>, transpose_lhs_hint = false} : vector<1280x4xf32>, vector<4x256xf32>, vector<1280x256xf32> -> vector<1280x256xf32>
    %get3A_6 = arith.constant 0 : index
    %get3A_7 = arith.constant 0 : index
    %get3A_8 = vector.load %arg4[%get3A_6, %get3A_7] : memref<1x256xf32, #tpu.memory_space<vmem>>, vector<1x256xf32>
    %add3A = vector.broadcast %get3A_8 : vector<1x256xf32> to vector<1280x256xf32>
    %add3A_9 = arith.addf %dot_general3A_5, %add3A : vector<1280x256xf32>
    %max3A = arith.constant 0.000000e+00 : f32
    %max3A_10 = vector.broadcast %max3A : f32 to vector<1280x256xf32>
    %max3A_11 = arith.maximumf %add3A_9, %max3A_10 : vector<1280x256xf32>
    %get3A_12 = arith.constant 0 : index
    %get3A_13 = arith.constant 0 : index
    %get3A_14 = vector.load %arg2[%get3A_12, %get3A_13] : memref<1280x16xf32, #tpu.memory_space<vmem>>, vector<1280x16xf32>
    %tile3A = tpu.concatenate %get3A_14, %get3A_14, %get3A_14, %get3A_14, %get3A_14, %get3A_14, %get3A_14, %get3A_14, %get3A_14, %get3A_14, %get3A_14, %get3A_14, %get3A_14, %get3A_14, %get3A_14, %get3A_14 in 1 : vector<1280x16xf32>, vector<1280x16xf32>, vector<1280x16xf32>, vector<1280x16xf32>, vector<1280x16xf32>, vector<1280x16xf32>, vector<1280x16xf32>, vector<1280x16xf32>, vector<1280x16xf32>, vector<1280x16xf32>, vector<1280x16xf32>, vector<1280x16xf32>, vector<1280x16xf32>, vector<1280x16xf32>, vector<1280x16xf32>, vector<1280x16xf32> -> vector<1280x256xf32>
    %iota3A = tpu.iota {dimensions = array<i32: 0>} : vector<256x16xi32>
    %jit3A = arith.constant 16 : i32
    %div3A = vector.broadcast %jit3A : i32 to vector<256x16xi32>
    %div3A_15 = arith.divsi %iota3A, %div3A : vector<256x16xi32>
    %sign3A = arith.constant 0 : i32
    %sign3A_16 = vector.broadcast %sign3A : i32 to vector<256x16xi32>
    %sign3A_17 = arith.cmpi sgt, %iota3A, %sign3A_16 : vector<256x16xi32>
    %sign3A_18 = arith.extui %sign3A_17 : vector<256x16xi1> to vector<256x16xi32>
    %sign3A_19 = arith.constant 0 : i32
    %sign3A_20 = vector.broadcast %sign3A_19 : i32 to vector<256x16xi32>
    %sign3A_21 = arith.cmpi slt, %iota3A, %sign3A_20 : vector<256x16xi32>
    %sign3A_22 = arith.extui %sign3A_21 : vector<256x16xi1> to vector<256x16xi32>
    %sign3A_23 = arith.subi %sign3A_18, %sign3A_22 : vector<256x16xi32>
    %sign3A_24 = arith.constant 0 : i32
    %sign3A_25 = arith.cmpi sgt, %jit3A, %sign3A_24 : i32
    %sign3A_26 = arith.extui %sign3A_25 : i1 to i32
    %sign3A_27 = arith.constant 0 : i32
    %sign3A_28 = arith.cmpi slt, %jit3A, %sign3A_27 : i32
    %sign3A_29 = arith.extui %sign3A_28 : i1 to i32
    %sign3A_30 = arith.subi %sign3A_26, %sign3A_29 : i32
    %ne3A = vector.broadcast %sign3A_30 : i32 to vector<256x16xi32>
    %ne3A_31 = arith.cmpi ne, %sign3A_23, %ne3A : vector<256x16xi32>
    %rem3A = vector.broadcast %jit3A : i32 to vector<256x16xi32>
    %rem3A_32 = arith.remsi %iota3A, %rem3A : vector<256x16xi32>
    %ne3A_33 = arith.constant 0 : i32
    %ne3A_34 = vector.broadcast %ne3A_33 : i32 to vector<256x16xi32>
    %ne3A_35 = arith.cmpi ne, %rem3A_32, %ne3A_34 : vector<256x16xi32>
    %and3A = arith.andi %ne3A_31, %ne3A_35 : vector<256x16xi1>
    %sub3A = arith.constant 1 : i32
    %sub3A_36 = vector.broadcast %sub3A : i32 to vector<256x16xi32>
    %sub3A_37 = arith.subi %div3A_15, %sub3A_36 : vector<256x16xi32>
    %select_n3A = arith.select %and3A, %sub3A_37, %div3A_15 : vector<256x16xi1>, vector<256x16xi32>
    %iota3A_38 = tpu.iota {dimensions = array<i32: 1>} : vector<256x16xi32>
    %eq3A = arith.cmpi eq, %select_n3A, %iota3A_38 : vector<256x16xi32>
    %convert_element_type3A = arith.extui %eq3A : vector<256x16xi1> to vector<256x16xi32>
    %convert_element_type3A_39 = arith.sitofp %convert_element_type3A : vector<256x16xi32> to vector<256x16xf32>
    %mul3A = arith.mulf %tile3A, %max3A_11 : vector<1280x256xf32>
    %dot_general3A_40 = arith.constant dense<0.000000e+00> : vector<1280x16xf32>
    %dot_general3A_41 = tpu.matmul %mul3A, %convert_element_type3A_39, %dot_general3A_40 {dimension_numbers = #tpu.dot_dimension_numbers<[1], [0], [0], [1], [0, 0, 1, 1], [], []>, transpose_lhs_hint = false} : vector<1280x256xf32>, vector<256x16xf32>, vector<1280x16xf32> -> vector<1280x16xf32>
    %swap3A = arith.constant 0 : index
    %swap3A_42 = arith.constant 0 : index
    %swap3A_43 = vector.load %arg5[%swap3A, %swap3A_42] : memref<1280x16xf32, #tpu.memory_space<vmem>>, vector<1280x16xf32>
    tpu.vector_store %arg5[%swap3A, %swap3A_42], %dot_general3A_41 {strides = array<i32>} : memref<1280x16xf32, #tpu.memory_space<vmem>>, vector<1280x16xf32>,
    return
  }
  func.func @transform_0(%arg0: i32) -> (i32, i32) {
    %c0_i32 = arith.constant 0 : i32
    %c0_i32_0 = arith.constant 0 : i32
    return %arg0, %c0_i32 : i32, i32
  }
  func.func @transform_1(%arg0: i32) -> (i32, i32) {
    %c0_i32 = arith.constant 0 : i32
    %c0_i32_0 = arith.constant 0 : i32
    return %arg0, %c0_i32 : i32, i32
  }
  func.func @transform_2(%arg0: i32) -> (i32, i32) {
    %c0_i32 = arith.constant 0 : i32
    %c0_i32_0 = arith.constant 0 : i32
    %c0_i32_1 = arith.constant 0 : i32
    return %c0_i32, %c0_i32_0 : i32, i32
  }
  func.func @transform_3(%arg0: i32) -> (i32, i32) {
    %c0_i32 = arith.constant 0 : i32
    %c0_i32_0 = arith.constant 0 : i32
    %c0_i32_1 = arith.constant 0 : i32
    return %c0_i32, %c0_i32_0 : i32, i32
  }
  func.func @transform_4(%arg0: i32) -> (i32, i32) {
    %c0_i32 = arith.constant 0 : i32
    %c0_i32_0 = arith.constant 0 : i32
    return %arg0, %c0_i32 : i32, i32
  }
}

module attributes {stable_mosaic.version = 14 : i64} {
  func.func @uk(%arg0: memref<2x10000x16xf32, #tpu.memory_space<vmem>>, %arg1: memref<10000x16xf32, #tpu.memory_space<vmem>>, %arg2: memref<16x16xf32, #tpu.memory_space<vmem>>, %arg3: memref<1x16xf32, #tpu.memory_space<vmem>>, %arg4: memref<1x16xf32, #tpu.memory_space<vmem>>, %arg5: memref<1x16xf32, #tpu.memory_space<vmem>>, %arg6: memref<10000x16xf32, #tpu.memory_space<vmem>>) attributes {dimension_semantics = [], scalar_prefetch = 0 : i64, scratch_operands = 0 : i64, tpu.core_type = #tpu.core_type<tc>} {
    %get3A = arith.constant 0 : index
    %get3A_0 = arith.constant 0 : index
    %get3A_1 = arith.constant 0 : index
    %get3A_2 = vector.load %arg0[%get3A, %get3A_0, %get3A_1] : memref<2x10000x16xf32, #tpu.memory_space<vmem>>, vector<1x10000x16xf32>
    %get3A_3 = vector.shape_cast %get3A_2 : vector<1x10000x16xf32> to vector<10000x16xf32>
    %get3A_4 = arith.constant 1 : index
    %get3A_5 = arith.constant 0 : index
    %get3A_6 = arith.constant 0 : index
    %get3A_7 = vector.load %arg0[%get3A_4, %get3A_5, %get3A_6] : memref<2x10000x16xf32, #tpu.memory_space<vmem>>, vector<1x10000x16xf32>
    %get3A_8 = vector.shape_cast %get3A_7 : vector<1x10000x16xf32> to vector<10000x16xf32>
    %add3A = arith.addf %get3A_3, %get3A_8 : vector<10000x16xf32>
    %get3A_9 = arith.constant 0 : index
    %get3A_10 = arith.constant 0 : index
    %get3A_11 = vector.load %arg3[%get3A_9, %get3A_10] : memref<1x16xf32, #tpu.memory_space<vmem>>, vector<1x16xf32>
    %add3A_12 = vector.broadcast %get3A_11 : vector<1x16xf32> to vector<10000x16xf32>
    %add3A_13 = arith.addf %add3A, %add3A_12 : vector<10000x16xf32>
    %get3A_14 = arith.constant 0 : index
    %get3A_15 = arith.constant 0 : index
    %get3A_16 = vector.load %arg1[%get3A_14, %get3A_15] : memref<10000x16xf32, #tpu.memory_space<vmem>>, vector<10000x16xf32>
    %get3A_17 = arith.constant 0 : index
    %get3A_18 = arith.constant 0 : index
    %get3A_19 = vector.load %arg2[%get3A_17, %get3A_18] : memref<16x16xf32, #tpu.memory_space<vmem>>, vector<16x16xf32>
    %dot_general3A = arith.constant dense<0.000000e+00> : vector<10000x16xf32>
    %dot_general3A_20 = tpu.matmul %get3A_16, %get3A_19, %dot_general3A {dimension_numbers = #tpu.dot_dimension_numbers<[1], [0], [0], [1], [0, 0, 1, 1], [], []>, transpose_lhs_hint = false} : vector<10000x16xf32>, vector<16x16xf32>, vector<10000x16xf32> -> vector<10000x16xf32>
    %add3A_21 = arith.addf %add3A_13, %dot_general3A_20 : vector<10000x16xf32>
    %reduce_sum3A = arith.constant dense<0.000000e+00> : vector<16xf32>
    %reduce_sum3A_22 = vector.multi_reduction <add>, %add3A_21, %reduce_sum3A [0] : vector<10000x16xf32> to vector<16xf32>
    %broadcast_in_dim3A = vector.shape_cast %reduce_sum3A_22 : vector<16xf32> to vector<1x16xf32>
    %div3A = arith.constant 1.000000e+04 : f32
    %div3A_23 = vector.broadcast %div3A : f32 to vector<1x16xf32>
    %div3A_24 = arith.divf %broadcast_in_dim3A, %div3A_23 : vector<1x16xf32>
    %sub3A = vector.broadcast %div3A_24 : vector<1x16xf32> to vector<10000x16xf32>
    %sub3A_25 = arith.subf %add3A_21, %sub3A : vector<10000x16xf32>
    %integer_pow3A = arith.mulf %sub3A_25, %sub3A_25 : vector<10000x16xf32>
    %reduce_sum3A_26 = arith.constant dense<0.000000e+00> : vector<16xf32>
    %reduce_sum3A_27 = vector.multi_reduction <add>, %integer_pow3A, %reduce_sum3A_26 [0] : vector<10000x16xf32> to vector<16xf32>
    %broadcast_in_dim3A_28 = vector.shape_cast %reduce_sum3A_27 : vector<16xf32> to vector<1x16xf32>
    %div3A_29 = arith.constant 1.000000e+04 : f32
    %div3A_30 = vector.broadcast %div3A_29 : f32 to vector<1x16xf32>
    %div3A_31 = arith.divf %broadcast_in_dim3A_28, %div3A_30 : vector<1x16xf32>
    %sub3A_32 = vector.broadcast %div3A_24 : vector<1x16xf32> to vector<10000x16xf32>
    %sub3A_33 = arith.subf %add3A_21, %sub3A_32 : vector<10000x16xf32>
    %add3A_34 = arith.constant 9.99999974E-6 : f32
    %add3A_35 = vector.broadcast %add3A_34 : f32 to vector<1x16xf32>
    %add3A_36 = arith.addf %div3A_31, %add3A_35 : vector<1x16xf32>
    %rsqrt3A = math.rsqrt %add3A_36 : vector<1x16xf32>
    %mul3A = vector.broadcast %rsqrt3A : vector<1x16xf32> to vector<10000x16xf32>
    %mul3A_37 = arith.mulf %sub3A_33, %mul3A : vector<10000x16xf32>
    %get3A_38 = arith.constant 0 : index
    %get3A_39 = arith.constant 0 : index
    %get3A_40 = vector.load %arg4[%get3A_38, %get3A_39] : memref<1x16xf32, #tpu.memory_space<vmem>>, vector<1x16xf32>
    %mul3A_41 = vector.broadcast %get3A_40 : vector<1x16xf32> to vector<10000x16xf32>
    %mul3A_42 = arith.mulf %mul3A_37, %mul3A_41 : vector<10000x16xf32>
    %get3A_43 = arith.constant 0 : index
    %get3A_44 = arith.constant 0 : index
    %get3A_45 = vector.load %arg5[%get3A_43, %get3A_44] : memref<1x16xf32, #tpu.memory_space<vmem>>, vector<1x16xf32>
    %add3A_46 = vector.broadcast %get3A_45 : vector<1x16xf32> to vector<10000x16xf32>
    %add3A_47 = arith.addf %mul3A_42, %add3A_46 : vector<10000x16xf32>
    %max3A = arith.constant 0.000000e+00 : f32
    %max3A_48 = vector.broadcast %max3A : f32 to vector<10000x16xf32>
    %max3A_49 = arith.maximumf %add3A_47, %max3A_48 : vector<10000x16xf32>
    %swap3A = arith.constant 0 : index
    %swap3A_50 = arith.constant 0 : index
    %swap3A_51 = vector.load %arg6[%swap3A, %swap3A_50] : memref<10000x16xf32, #tpu.memory_space<vmem>>, vector<10000x16xf32>
    tpu.vector_store %arg6[%swap3A, %swap3A_50], %max3A_49 {strides = array<i32>} : memref<10000x16xf32, #tpu.memory_space<vmem>>, vector<10000x16xf32>,
    return
  }
}

module attributes {stable_mosaic.version = 14 : i64} {
  func.func @uk(%arg0: memref<2x10000x16xf32, #tpu.memory_space<vmem>>, %arg1: memref<10000x16xf32, #tpu.memory_space<vmem>>, %arg2: memref<16x16xf32, #tpu.memory_space<vmem>>, %arg3: memref<1x16xf32, #tpu.memory_space<vmem>>, %arg4: memref<1x16xf32, #tpu.memory_space<vmem>>, %arg5: memref<1x16xf32, #tpu.memory_space<vmem>>, %arg6: memref<1x10000xi32, #tpu.memory_space<vmem>>, %arg7: memref<16x64xf32, #tpu.memory_space<vmem>>, %arg8: memref<1x64xf32, #tpu.memory_space<vmem>>, %arg9: memref<64x1xf32, #tpu.memory_space<vmem>>, %arg10: memref<1x1xf32, #tpu.memory_space<vmem>>, %arg11: memref<64x1xf32, #tpu.memory_space<vmem>>) attributes {dimension_semantics = [], scalar_prefetch = 0 : i64, scratch_operands = 0 : i64, tpu.core_type = #tpu.core_type<tc>} {
    %get3A = arith.constant 0 : index
    %get3A_0 = arith.constant 0 : index
    %get3A_1 = arith.constant 0 : index
    %get3A_2 = vector.load %arg0[%get3A, %get3A_0, %get3A_1] : memref<2x10000x16xf32, #tpu.memory_space<vmem>>, vector<1x10000x16xf32>
    %get3A_3 = vector.shape_cast %get3A_2 : vector<1x10000x16xf32> to vector<10000x16xf32>
    %get3A_4 = arith.constant 1 : index
    %get3A_5 = arith.constant 0 : index
    %get3A_6 = arith.constant 0 : index
    %get3A_7 = vector.load %arg0[%get3A_4, %get3A_5, %get3A_6] : memref<2x10000x16xf32, #tpu.memory_space<vmem>>, vector<1x10000x16xf32>
    %get3A_8 = vector.shape_cast %get3A_7 : vector<1x10000x16xf32> to vector<10000x16xf32>
    %add3A = arith.addf %get3A_3, %get3A_8 : vector<10000x16xf32>
    %get3A_9 = arith.constant 0 : index
    %get3A_10 = arith.constant 0 : index
    %get3A_11 = vector.load %arg3[%get3A_9, %get3A_10] : memref<1x16xf32, #tpu.memory_space<vmem>>, vector<1x16xf32>
    %add3A_12 = vector.broadcast %get3A_11 : vector<1x16xf32> to vector<10000x16xf32>
    %add3A_13 = arith.addf %add3A, %add3A_12 : vector<10000x16xf32>
    %get3A_14 = arith.constant 0 : index
    %get3A_15 = arith.constant 0 : index
    %get3A_16 = vector.load %arg1[%get3A_14, %get3A_15] : memref<10000x16xf32, #tpu.memory_space<vmem>>, vector<10000x16xf32>
    %get3A_17 = arith.constant 0 : index
    %get3A_18 = arith.constant 0 : index
    %get3A_19 = vector.load %arg2[%get3A_17, %get3A_18] : memref<16x16xf32, #tpu.memory_space<vmem>>, vector<16x16xf32>
    %dot_general3A = arith.constant dense<0.000000e+00> : vector<10000x16xf32>
    %dot_general3A_20 = tpu.matmul %get3A_16, %get3A_19, %dot_general3A {dimension_numbers = #tpu.dot_dimension_numbers<[1], [0], [0], [1], [0, 0, 1, 1], [], []>, transpose_lhs_hint = false} : vector<10000x16xf32>, vector<16x16xf32>, vector<10000x16xf32> -> vector<10000x16xf32>
    %add3A_21 = arith.addf %add3A_13, %dot_general3A_20 : vector<10000x16xf32>
    %reduce_sum3A = arith.constant dense<0.000000e+00> : vector<16xf32>
    %reduce_sum3A_22 = vector.multi_reduction <add>, %add3A_21, %reduce_sum3A [0] : vector<10000x16xf32> to vector<16xf32>
    %broadcast_in_dim3A = vector.shape_cast %reduce_sum3A_22 : vector<16xf32> to vector<1x16xf32>
    %div3A = arith.constant 1.000000e+04 : f32
    %div3A_23 = vector.broadcast %div3A : f32 to vector<1x16xf32>
    %div3A_24 = arith.divf %broadcast_in_dim3A, %div3A_23 : vector<1x16xf32>
    %sub3A = vector.broadcast %div3A_24 : vector<1x16xf32> to vector<10000x16xf32>
    %sub3A_25 = arith.subf %add3A_21, %sub3A : vector<10000x16xf32>
    %integer_pow3A = arith.mulf %sub3A_25, %sub3A_25 : vector<10000x16xf32>
    %reduce_sum3A_26 = arith.constant dense<0.000000e+00> : vector<16xf32>
    %reduce_sum3A_27 = vector.multi_reduction <add>, %integer_pow3A, %reduce_sum3A_26 [0] : vector<10000x16xf32> to vector<16xf32>
    %broadcast_in_dim3A_28 = vector.shape_cast %reduce_sum3A_27 : vector<16xf32> to vector<1x16xf32>
    %div3A_29 = arith.constant 1.000000e+04 : f32
    %div3A_30 = vector.broadcast %div3A_29 : f32 to vector<1x16xf32>
    %div3A_31 = arith.divf %broadcast_in_dim3A_28, %div3A_30 : vector<1x16xf32>
    %sub3A_32 = vector.broadcast %div3A_24 : vector<1x16xf32> to vector<10000x16xf32>
    %sub3A_33 = arith.subf %add3A_21, %sub3A_32 : vector<10000x16xf32>
    %add3A_34 = arith.constant 9.99999974E-6 : f32
    %add3A_35 = vector.broadcast %add3A_34 : f32 to vector<1x16xf32>
    %add3A_36 = arith.addf %div3A_31, %add3A_35 : vector<1x16xf32>
    %rsqrt3A = math.rsqrt %add3A_36 : vector<1x16xf32>
    %mul3A = vector.broadcast %rsqrt3A : vector<1x16xf32> to vector<10000x16xf32>
    %mul3A_37 = arith.mulf %sub3A_33, %mul3A : vector<10000x16xf32>
    %get3A_38 = arith.constant 0 : index
    %get3A_39 = arith.constant 0 : index
    %get3A_40 = vector.load %arg4[%get3A_38, %get3A_39] : memref<1x16xf32, #tpu.memory_space<vmem>>, vector<1x16xf32>
    %mul3A_41 = vector.broadcast %get3A_40 : vector<1x16xf32> to vector<10000x16xf32>
    %mul3A_42 = arith.mulf %mul3A_37, %mul3A_41 : vector<10000x16xf32>
    %get3A_43 = arith.constant 0 : index
    %get3A_44 = arith.constant 0 : index
    %get3A_45 = vector.load %arg5[%get3A_43, %get3A_44] : memref<1x16xf32, #tpu.memory_space<vmem>>, vector<1x16xf32>
    %add3A_46 = vector.broadcast %get3A_45 : vector<1x16xf32> to vector<10000x16xf32>
    %add3A_47 = arith.addf %mul3A_42, %add3A_46 : vector<10000x16xf32>
    %max3A = arith.constant 0.000000e+00 : f32
    %max3A_48 = vector.broadcast %max3A : f32 to vector<10000x16xf32>
    %max3A_49 = arith.maximumf %add3A_47, %max3A_48 : vector<10000x16xf32>
    %get3A_50 = arith.constant 0 : index
    %get3A_51 = arith.constant 0 : index
    %get3A_52 = vector.load %arg6[%get3A_50, %get3A_51] : memref<1x10000xi32, #tpu.memory_space<vmem>>, vector<1x10000xi32>
    %iota3A = tpu.iota {dimensions = array<i32: 0>} : vector<64x10000xi32>
    %eq3A = vector.broadcast %get3A_52 : vector<1x10000xi32> to vector<64x10000xi32>
    %eq3A_53 = arith.cmpi eq, %eq3A, %iota3A : vector<64x10000xi32>
    %convert_element_type3A = arith.extui %eq3A_53 : vector<64x10000xi1> to vector<64x10000xi32>
    %convert_element_type3A_54 = arith.sitofp %convert_element_type3A : vector<64x10000xi32> to vector<64x10000xf32>
    %dot_general3A_55 = arith.constant dense<0.000000e+00> : vector<64x16xf32>
    %dot_general3A_56 = tpu.matmul %convert_element_type3A_54, %max3A_49, %dot_general3A_55 {dimension_numbers = #tpu.dot_dimension_numbers<[1], [0], [0], [1], [0, 0, 1, 1], [], []>, transpose_lhs_hint = false} : vector<64x10000xf32>, vector<10000x16xf32>, vector<64x16xf32> -> vector<64x16xf32>
    %reduce_sum3A_57 = arith.constant dense<0.000000e+00> : vector<64xf32>
    %reduce_sum3A_58 = vector.multi_reduction <add>, %convert_element_type3A_54, %reduce_sum3A_57 [1] : vector<64x10000xf32> to vector<64xf32>
    %broadcast_in_dim3A_59 = vector.shape_cast %reduce_sum3A_58 : vector<64xf32> to vector<64x1xf32>
    %max3A_60 = arith.constant 1.000000e+00 : f32
    %max3A_61 = vector.broadcast %max3A_60 : f32 to vector<64x1xf32>
    %max3A_62 = arith.maximumf %broadcast_in_dim3A_59, %max3A_61 : vector<64x1xf32>
    %div3A_63 = vector.broadcast %max3A_62 : vector<64x1xf32> to vector<64x16xf32>
    %div3A_64 = arith.divf %dot_general3A_56, %div3A_63 : vector<64x16xf32>
    %get3A_65 = arith.constant 0 : index
    %get3A_66 = arith.constant 0 : index
    %get3A_67 = vector.load %arg7[%get3A_65, %get3A_66] : memref<16x64xf32, #tpu.memory_space<vmem>>, vector<16x64xf32>
    %dot_general3A_68 = arith.constant dense<0.000000e+00> : vector<64x64xf32>
    %dot_general3A_69 = tpu.matmul %div3A_64, %get3A_67, %dot_general3A_68 {dimension_numbers = #tpu.dot_dimension_numbers<[1], [0], [0], [1], [0, 0, 1, 1], [], []>, transpose_lhs_hint = false} : vector<64x16xf32>, vector<16x64xf32>, vector<64x64xf32> -> vector<64x64xf32>
    %get3A_70 = arith.constant 0 : index
    %get3A_71 = arith.constant 0 : index
    %get3A_72 = vector.load %arg8[%get3A_70, %get3A_71] : memref<1x64xf32, #tpu.memory_space<vmem>>, vector<1x64xf32>
    %add3A_73 = vector.broadcast %get3A_72 : vector<1x64xf32> to vector<64x64xf32>
    %add3A_74 = arith.addf %dot_general3A_69, %add3A_73 : vector<64x64xf32>
    %max3A_75 = arith.constant 0.000000e+00 : f32
    %max3A_76 = vector.broadcast %max3A_75 : f32 to vector<64x64xf32>
    %max3A_77 = arith.maximumf %add3A_74, %max3A_76 : vector<64x64xf32>
    %get3A_78 = arith.constant 0 : index
    %get3A_79 = arith.constant 0 : index
    %get3A_80 = vector.load %arg9[%get3A_78, %get3A_79] : memref<64x1xf32, #tpu.memory_space<vmem>>, vector<64x1xf32>
    %dot_general3A_81 = arith.constant dense<0.000000e+00> : vector<64x1xf32>
    %dot_general3A_82 = tpu.matmul %max3A_77, %get3A_80, %dot_general3A_81 {dimension_numbers = #tpu.dot_dimension_numbers<[1], [0], [0], [1], [0, 0, 1, 1], [], []>, transpose_lhs_hint = false} : vector<64x64xf32>, vector<64x1xf32>, vector<64x1xf32> -> vector<64x1xf32>
    %get3A_83 = arith.constant 0 : index
    %get3A_84 = arith.constant 0 : index
    %get3A_85 = vector.load %arg10[%get3A_83, %get3A_84] : memref<1x1xf32, #tpu.memory_space<vmem>>, vector<1x1xf32>
    %add3A_86 = vector.broadcast %get3A_85 : vector<1x1xf32> to vector<64x1xf32>
    %add3A_87 = arith.addf %dot_general3A_82, %add3A_86 : vector<64x1xf32>
    %swap3A = arith.constant 0 : index
    %swap3A_88 = arith.constant 0 : index
    %swap3A_89 = vector.load %arg11[%swap3A, %swap3A_88] : memref<64x1xf32, #tpu.memory_space<vmem>>, vector<64x1xf32>
    tpu.vector_store %arg11[%swap3A, %swap3A_88], %add3A_87 {strides = array<i32>} : memref<64x1xf32, #tpu.memory_space<vmem>>, vector<64x1xf32>,
    return
  }
}

</mosaic_0001>

<sc_bundles>
// kernel: kernel.14.cloned.1.call-start
scs
__scs_entry_jumppad:
0x0: {  	(pc) =	sbr.rel $0x88, $3  }
0x1: {  	(tag) =	ssettag $0x0;
	lr =	simm.s32 $0x1  }
0x2: {  	[smem:$0x3F87] =	sst lr;
	_ =	strace $0xD0000000  }
0x3: {  	_ = 	snop  }
0x4: {  	_ = 	snop  }
0x5: {  	_ = 	snop  }
0x6: {  	_ = 	snop  }
0x7: {  	_ = 	snop  }
__scs_overlays_trampoline_lowered:
0x8: {  	[smem:$0x3F96] =	sst s0  }
0x9: {  	[smem:$0x3F97] =	sst s1  }
0xa: {  	[smem:$0x3F98] =	sst s2  }
0xb: {  	[smem:$0x3F99] =	sst s3  }
0xc: {  	[smem:$0x3F9A] =	sst s4  }
0xd: {  	[smem:$0x3F9B] =	sst s5  }
0xe: {  	[smem:$0x3F9C] =	sst s6  }
0xf: {  	[smem:$0x3F9D] =	sst s7  }
0x10: {  	[smem:$0x3F9E] =	sst s8  }
0x11: {  	[smem:$0x3F9F] =	sst s9;
	s0 =	simm.s32 @!p0 $0x0  }
0x12: {  	s1 =	sld [smem:$0x3F85];
	s0 =	simm.s32 @p0 $0x1  }
0x13: {  	[smem:$0x3FA0] =	sst s0;
	s0 =	simm.s32 @!p1 $0x0  }
0x14: {  	s2 =	sld [smem:$0x3F84];
	s0 =	simm.s32 @p1 $0x1  }
0x15: {  	[smem:$0x3FA1] =	sst s0;
	s0 =	simm.s32 @!p2 $0x0  }
0x16: {  	s3 =	sld [smem:$0x3FDB];
	s0 =	simm.s32 @p2 $0x1  }
0x17: {  	s4 =	simm.s32 $0x1BF5;
	[smem:$0x3FA3] =	sst s0  }
0x18: {  	s0 =	sld [smem:$0x3F86];
	_ =	swait.ge [sflag:s4], $0x0  }
0x19: {  	s7 =	sld [smem:$0x3F87]  }
0x1a: {  	s8 =	sadd.s32 $0xFFFFE003, lr  }
0x1b: {  	s9 =	sadd.s32 $0xFFFFFEF7, lr;
	s5 =	simm.s32 $0xFFFFFFFF;
	p2 =	slt.u32 s8, $0xFFFFF086  }
0x1c: {  	p1 =	slt.u32 s9, $0xF7A;
	s5 =	simm.s32 @!p2 $0x0  }
0x1d: {  	s5 =	simm.s32 @p1 $0x1;
	p0 =	seq.s32 s7, s2  }
0x1e: {  	s7 =	smul.u32 @!p0 $0xF7A, s2;
	p2 =	seq.s32 @!p0 s5, $0x0  }
0x1f: {  	s9 =	smul.u32 $0xF7A, s1;
	s8 =	simm.s32 @!p0 $0x1BF5;
	p2 =	por !p2, p0  }
0x20: {  	[sflag:s8] =	ssyncset.s32 @!p0 $0xFFFFF086;
	s6 =	sadd.s32 @!p0 s3, s7;
	s7 =	simm.s32 @!p0 $0x108  }
0x21: {  	s3 =	sadd.s32 s3, s9;
	s6 =	sadd.s32 @!p0 $0x88, s6;
	s7 =	simm.s32 @p2 $0x1082  }
0x22: {  	[simem:s7], [sflag:s8] =	dma.local @!p0 [hbm:s6], $0xF7A  }
0x23: {  	s9 =	sor.u32 $0xD0000000, s2;
	s6 =	simm.s32 $0x108;
	_ =	swait.ge @!p0 [sflag:s8], $0x0  }
0x24: {  	s3 =	sadd.s32 $0x88, s3;
	s6 =	simm.s32 @!p1 $0x1082;
	[sflag:s4] =	ssyncset.s32 $0xFFFFF086  }
0x25: {  	[simem:s6], [sflag:s4] =	dma.local [hbm:s3], $0xF7A  }
0x26: {  	[smem:$0x3F87] =	sst s1;
	(tag) =	ssettag s2;
	_ =	strace s9  }
0x27: {  	s1 =	sld [smem:$0x3F97]  }
0x28: {  	s2 =	sld [smem:$0x3F98]  }
0x29: {  	s4 =	sld [smem:$0x3F9A]  }
0x2a: {  	p0 =	seq.s32 s5, $0x0;
	s5 =	sld [smem:$0x3F9B]  }
0x2b: {  	s6 =	sld [smem:$0x3F9C]  }
0x2c: {  	s7 =	sld [smem:$0x3F9D]  }
0x2d: {  	s3 =	simm.s32 $0x108;
	s8 =	sld [smem:$0x3F9E]  }
0x2e: {  	s3 =	simm.s32 @!p0 $0x1082;
	s9 =	sld [smem:$0x3F9F]  }
0x2f: {  	lr =	sadd.s32 s0, s3;
	s0 =	sld [smem:$0x3F96]  }
0x30: {  	s3 =	sld [smem:$0x3F99]  }
0x31: {  	[smem:$0x3FA2] =	sst s10  }
0x32: {  	s10 =	sld [smem:$0x3FA0];
	_ =	sdelay $0x3  }
0x33: {  	p0 =	seq.s32 s10, $0x1;
	s10 =	sld [smem:$0x3FA2];
	_ =	sdelay $0x3  }
0x34: {  	[smem:$0x3FA2] =	sst s10  }
0x35: {  	s10 =	sld [smem:$0x3FA1];
	_ =	sdelay $0x3  }
0x36: {  	p1 =	seq.s32 s10, $0x1;
	s10 =	sld [smem:$0x3FA2];
	_ =	sdelay $0x3  }
0x37: {  	[smem:$0x3FA2] =	sst s10  }
0x38: {  	s10 =	sld [smem:$0x3FA3]  }
0x39: {  	_ = 	snop;
	(pc) =	sbr.ind lr, $3  }
0x3a: {  	_ = 	snop  }
0x3b: {  	_ = 	snop  }
0x3c: {  	p2 =	seq.s32 s10, $0x1;
	s10 =	sld [smem:$0x3FA2]  }
0x3d: {  	_ =	shalt  }
0x3e: {  	_ =	shalt  }
0x3f: {  	_ =	shalt  }
0x40: {  	_ =	shalt  }
0x41: {  	_ =	shalt  }
0x42: {  	_ =	shalt  }
0x43: {  	_ =	shalt  }
0x44: {  	_ =	shalt  }
0x45: {  	_ =	shalt  }
0x46: {  	_ =	shalt  }
0x47: {  	_ =	shalt  }
0x48: {  	_ =	shalt  }
0x49: {  	_ =	shalt  }
0x4a: {  	_ =	shalt  }
0x4b: {  	_ =	shalt  }
0x4c: {  	_ =	shalt  }
0x4d: {  	_ =	shalt  }
0x4e: {  	_ =	shalt  }
0x4f: {  	_ =	shalt  }
0x50: {  	_ =	shalt  }
0x51: {  	_ =	shalt  }
0x52: {  	_ =	shalt  }
0x53: {  	_ =	shalt  }
0x54: {  	_ =	shalt  }
0x55: {  	_ =	shalt  }
0x56: {  	_ =	shalt  }
0x57: {  	_ =	shalt  }
0x58: {  	_ =	shalt  }
0x59: {  	_ =	shalt  }
0x5a: {  	_ =	shalt  }
0x5b: {  	_ =	shalt  }
0x5c: {  	_ =	shalt  }
0x5d: {  	_ =	shalt  }
0x5e: {  	_ =	shalt  }
0x5f: {  	_ =	shalt  }
0x60: {  	_ =	shalt  }
0x61: {  	_ =	shalt  }
0x62: {  	_ =	shalt  }
0x63: {  	_ =	shalt  }
0x64: {  	_ =	shalt  }
0x65: {  	_ =	shalt  }
0x66: {  	_ =	shalt  }
0x67: {  	_ =	shalt  }
0x68: {  	_ =	shalt  }
0x69: {  	_ =	shalt  }
0x6a: {  	_ =	shalt  }
0x6b: {  	_ =	shalt  }
0x6c: {  	_ =	shalt  }
0x6d: {  	_ =	shalt  }
0x6e: {  	_ =	shalt  }
0x6f: {  	_ =	shalt  }
0x70: {  	_ =	shalt  }
0x71: {  	_ =	shalt  }
0x72: {  	_ =	shalt  }
0x73: {  	_ =	shalt  }
0x74: {  	_ =	shalt  }
0x75: {  	_ =	shalt  }
0x76: {  	_ =	shalt  }
0x77: {  	_ =	shalt  }
0x78: {  	_ =	shalt  }
0x79: {  	_ =	shalt  }
0x7a: {  	_ =	shalt  }
0x7b: {  	_ =	shalt  }
0x7c: {  	_ =	shalt  }
0x7d: {  	_ =	shalt  }
0x7e: {  	_ =	shalt  }
0x7f: {  	_ =	shalt  }
0x80: {  	_ =	shalt  }
0x81: {  	_ =	shalt  }
0x82: {  	_ =	shalt  }
0x83: {  	_ =	shalt  }
0x84: {  	_ =	shalt  }
0x85: {  	_ =	shalt  }
0x86: {  	_ =	shalt  }
0x87: {  	_ =	shalt  }
.Lfunc_end0:
.L_simem_size_0:
called_computation_lowered:
.L_overlay_start_0:
0x88: {  	s2 =	sld [smem:$0x3FD9]  }
0x89: {  	s3 =	sld [smem:$0x3FFE];
	_ =	sdelay $0x1  }
0x8a: {  	s1 =	srdreg.scid  }
0x8b: {  	s0 =	sand.u32 $0x1, s1  }
0x8c: {  	s16 =	sshll.u32 s0, $0xA;
	s2 =	sadd.s32 s3, s2  }
0x8d: {  	s2 =	sadd.s32 s2, s16  }
0x8e: {  	[smem:$0x3FAE] =	sst s2  }
0x8f: {  	_ = 	snop  }
0x90: {  	(tm) =	ssettm $0x1  }
0x91: {  	s17 =	sld [smem:$0x3FFB];
	_ =	sdelay $0x3  }
0x92: {  	_ =	strace s17  }
0x93: {  	s2 =	sld [smem:$0x3FFC];
	_ =	sdelay $0x3  }
0x94: {  	_ =	strace s2  }
0x95: {  	s2 =	sld [smem:$0x3FFD];
	_ =	sdelay $0x3  }
0x96: {  	_ =	strace s2  }
0x97: {  	_ =	strace $0x8FFFFFFF  }
0x98: {  	s18 =	sld [smem:$0x3FDB];
	_ =	sdelay $0x1  }
0x99: {  	s19 =	simm.s32 $_scs_section_size  }
0x9a: {  	s4 =	simm.s32 $_size__tile_overlayer_lowered;
	s5 =	simm.s32 $_tile_overlayer_lowered  }
0x9b: {  	s22 =	simm.s32 $0x1BFF;
	s21 =	sshll.u32 s5, $0x1;
	s2 =	sadd.s32 s19, s18  }
0x9c: {  	s6 =	simm.s32 $0x0;
	s20 =	sshll.u32 s4, $0x1;
	s4 =	sadd.s32 s21, s2  }
0x9d: {  	[timem:s6], [sflag:s22] =	dma.local [hbm:s4], s20  }
0x9e: {  	_ =	swait.ge [sflag:s22], s20  }
0x9f: {  	s3 =	ssub.s32 $0x0, s20;
	[sflag:s22] =	ssyncset.done $0x0  }
0xa0: {  	[sflag:s22] =	ssyncadd.s32 s3;
	_ =	sdelay $0x1  }
0xa1: {  	s23 =	simm.s32 $0x1B8B  }
0xa2: {  	_ =	swait.ge [sflag:s23], $0x1  }
0xa3: {  	[sflag:s23] =	ssyncset.done $0x0  }
0xa4: {  	s25 =	simm.s32 $0x1B8E;
	s24 =	sld [smem:$0x3FFE];
	[sflag:s23] =	ssyncadd.s32 $0xFFFFFFFF  }
0xa5: {  	s26 =	simm.s32 $execute0_lowered;
	[smem:$0x3FD2] =	sst s25  }
0xa6: {  	s4 =	sshll.u32 s26, $0x1;
	_ =	strace $0x80000046;
	[dreg:$0x1] =	wrdreg $0xFFFFFFFF  }
0xa7: {  	s28 =	simm.s32 $_size_execute0_lowered;
	s2 =	sadd.s32 s2, s4;
	[dreg:$0x0] =	wrdreg $0x0  }
0xa8: {  	s4 =	sshll.u32 s28, $0x1;
	[dreg:$0x2] =	wrdreg s2  }
0xa9: {  	[dreg:$0x3] =	wrdreg s4  }
0xaa: {  	[dreg:$0x4] =	wrdreg $0xC0  }
0xab: {  	_ =	task [dreg:s6], $0x5FFFF  }
0xac: {  	[dreg:$0x1] =	wrdreg $0xFFFFFFFF  }
0xad: {  	[dreg:$0x0] =	wrdreg $0x60  }
0xae: {  	[dreg:$0x2] =	wrdreg s24  }
0xaf: {  	[dreg:$0x3] =	wrdreg $0x9  }
0xb0: {  	_ =	task.clear_ibuf [dreg:s6], $0x4FFFF;
	_ =	strace $0x90000046  }
0xb1: {  	s29 =	simm.s32 $0x9;
	_ =	strace $0x80000048  }
0xb2: {  	_ =	swait.ge [sflag:s29], $0x1  }
0xb3: {  	[sflag:s29] =	ssyncadd.s32 $0xFFFFFFFF  }
0xb4: {  	_ =	strace $0x90000048  }
0xb5: {  	_ =	sfence  }
0xb6: {  	s30 =	sld [smem:$0x0];
	_ =	sdelay $0x2  }
0xb7: {  	s31 =	sshll.u32 s1, $0xD;
	s1 =	sshrl.u32 s1, $0x2  }
0xb8: {  	s3 =	sand.u32 $0x4000, s31;
	s1 =	sadd.s32 s1, s30  }
0xb9: {  	s0 =	sor.u32 s3, s0;
	s1 =	sshll.u32 s1, $0x11  }
0xba: {  	s0 =	sor.u32 s1, s0  }
0xbb: {  	s0 =	sadd.s32 $0x8F2B, s0  }
0xbc: {  	[sflag:s0] =	ssyncadd.remote.s32 $0x1  }
0xbd: {  	_ =	sfence.sel $0xFFFF  }
0xbe: {  	[dreg:$0x0] =	wrdreg $0xFFFFFFFF;
	(pc) =	sbr.abs _section_cstart, $3  }
0xbf: {  	[dreg:$0x1] =	wrdreg $0xFFFFFFFF  }
0xc0: {  	_ =	task.clear_ibuf [dreg:s6], $0x2FFFF;
	_ =	strace $0x9FFFFFFF  }
0xc1: {  	(tm) =	ssettm $0x7FFFFFFF  }
tec
execute0_lowered:
.L_overlay_start_1:
0x0: {  	(tag) =	ssettag $0x1  }
0x1: {  	s1 =	srdreg.scid;
	s0 =	stileid.u32  }
0x2: {  	s4 =	rddreg [dreg:$0x0];
	s2 =	simm.s32 $0x0;
	s10 =	simm.s32 $0x1  }
0x3: {  	s11 =	simm.s32 $0x23A0;
	s12 =	simm.s32 $0x3340;
	s13 =	simm.s32 $0x42E0  }
0x4: {  	s14 =	simm.s32 $0x5280;
	s15 =	simm.s32 $0x6220;
	s16 =	simm.s32 $0x71C0  }
0x5: {  	s17 =	simm.s32 $0x8160;
	s3 =	sand.u32 $0x1, s1;
	s1 =	rddreg [dreg:$0x1]  }
0x6: {  	s18 =	simm.s32 $0x0;
	s30 =	sshll.u32 s0, $0x1;
	[smem:$0x7FF] =	sst s2  }
0x7: {  	s6 =	smul.u32 $0x9C40, s0;
	s5 =	sor.u32 s3, s30;
	_ =	strace $0x80000047  }
0x8: {  	s7 =	ssub.s32 $0x2, s3;
	s8 =	smul.u32 $0x4E20, s3;
	s3 =	sadd.s32 $0x2BA00, s4  }
0x9: {  	s5 =	smul.u32 $0x280, s5;
	s6 =	sadd.s32 s6, s4;
	s9 =	sshrl.u32 s7, $0x1  }
0xa: {  	s31 =	ssub.s32 s7, s9;
	s6 =	sadd.s32 s8, s6;
	s7 =	simm.s32 $0x2  }
0xb: {  	s8 =	simm.s32 $0x7D;
	s9 =	simm.s32 $0x1400;
	s4 =	sadd.s32 s5, s4  }
0xc: {  	s5 =	smax.u32 s31, $0x1;
	s6 =	sadd.s32 $0x3A800, s6;
	s4 =	sadd.s32 $0x35800, s4  }
.LBB2_1:
0xd: {  	[tilespmem:s2], [sflag:$0x2] =	stream.linear.gather [hbm4b:s4+s2], $0x1400, $0x38;
	[tilespmem:$0x9100] =	vst v63  }
0xe: {  	_ =	swait.ge [sflag:s7], $0x1400  }
0xf: {  	[sflag:s7] =	ssyncset.done $0x0  }
0x10: {  	s19 =	simm.s32 $0x0;
	[sflag:s7] =	ssyncadd.s32 $0xFFFFEC00  }
0x11: {  	[tilespmem:s9], [sflag:$0x1] =	stream.indirect.gather [hbm4b:s3+s8], $0x20, s19, s8, $0xb8;
	[tilespmem:$0x9100] =	vst v63  }
0x12: {  	_ =	swait.ge [sflag:s10], $0xFA0  }
0x13: {  	[sflag:s10] =	ssyncset.done $0x0  }
0x14: {  	s24 =	simm.s32 $0x80;
	[sflag:s10] =	ssyncadd.s32 $0xFFFFF060  }
0x15: {  	[tilespmem:s11], [sflag:$0x1] =	stream.indirect.gather [hbm4b:s3+s8], $0x20, s24, s8, $0xb8;
	[tilespmem:$0x9100] =	vst v63  }
0x16: {  	_ =	swait.ge [sflag:s10], $0xFA0  }
0x17: {  	[sflag:s10] =	ssyncset.done $0x0  }
0x18: {  	s25 =	simm.s32 $0x100;
	[sflag:s10] =	ssyncadd.s32 $0xFFFFF060  }
0x19: {  	[tilespmem:s12], [sflag:$0x1] =	stream.indirect.gather [hbm4b:s3+s8], $0x20, s25, s8, $0xb8;
	[tilespmem:$0x9100] =	vst v63  }
0x1a: {  	_ =	swait.ge [sflag:s10], $0xFA0  }
0x1b: {  	[sflag:s10] =	ssyncset.done $0x0  }
0x1c: {  	s26 =	simm.s32 $0x180;
	[sflag:s10] =	ssyncadd.s32 $0xFFFFF060  }
0x1d: {  	[tilespmem:s13], [sflag:$0x1] =	stream.indirect.gather [hbm4b:s3+s8], $0x20, s26, s8, $0xb8;
	[tilespmem:$0x9100] =	vst v63  }
0x1e: {  	_ =	swait.ge [sflag:s10], $0xFA0  }
0x1f: {  	[sflag:s10] =	ssyncset.done $0x0  }
0x20: {  	s28 =	simm.s32 $0x200;
	[sflag:s10] =	ssyncadd.s32 $0xFFFFF060  }
0x21: {  	[tilespmem:s14], [sflag:$0x1] =	stream.indirect.gather [hbm4b:s3+s8], $0x20, s28, s8, $0xb8;
	[tilespmem:$0x9100] =	vst v63  }
0x22: {  	_ =	swait.ge [sflag:s10], $0xFA0  }
0x23: {  	[sflag:s10] =	ssyncset.done $0x0  }
0x24: {  	s29 =	simm.s32 $0x280;
	[sflag:s10] =	ssyncadd.s32 $0xFFFFF060  }
0x25: {  	[tilespmem:s15], [sflag:$0x1] =	stream.indirect.gather [hbm4b:s3+s8], $0x20, s29, s8, $0xb8;
	[tilespmem:$0x9100] =	vst v63  }
0x26: {  	_ =	swait.ge [sflag:s10], $0xFA0  }
0x27: {  	[sflag:s10] =	ssyncset.done $0x0  }
0x28: {  	s30 =	simm.s32 $0x300;
	[sflag:s10] =	ssyncadd.s32 $0xFFFFF060  }
0x29: {  	[tilespmem:s16], [sflag:$0x1] =	stream.indirect.gather [hbm4b:s3+s8], $0x20, s30, s8, $0xb8;
	[tilespmem:$0x9100] =	vst v63  }
0x2a: {  	_ =	swait.ge [sflag:s10], $0xFA0  }
0x2b: {  	[sflag:s10] =	ssyncset.done $0x0  }
0x2c: {  	s31 =	simm.s32 $0x380;
	[sflag:s10] =	ssyncadd.s32 $0xFFFFF060  }
0x2d: {  	[tilespmem:s17], [sflag:$0x1] =	stream.indirect.gather [hbm4b:s3+s8], $0x20, s31, s8, $0xb8;
	[tilespmem:$0x9100] =	vst v63  }
0x2e: {  	_ =	swait.ge [sflag:s10], $0xFA0  }
0x2f: {  	[sflag:s10] =	ssyncset.done $0x0  }
0x30: {  	[sflag:s10] =	ssyncadd.s32 $0xFFFFF060  }
0x31: {  	[hbm4b:s6+s2] =	stream.linear.scatter [tilespmem:s9], [sflag:$0x2], $0x7D00, $0x38;
	[tilespmem:$0x9100] =	vst v63  }
0x32: {  	s20 =	simm.s32 $0x1000;
	_ =	swait.ge [sflag:s7], $0x7D00  }
0x33: {  	s23 =	simm.s32 $0x2000;
	s19 =	sadd.s32 $0xFA0, s6;
	[sflag:s7] =	ssyncset.done $0x0  }
.LBB2_2:
0x34: {  	s22 =	sshra.s32 s20, $0x2  }
0x35: {  	[sflag:s7] =	ssyncadd.s32 $0xFFFF8300;
	s20 =	smov.u32 s23;
	s21 =	sadd.s32 $0x1000, s23  }
0x36: {  	[tilespmem:s9], [sflag:$0x1] =	stream.indirect.gather [hbm4b:s3+s8], $0x20, s22, s8, $0xb8;
	[tilespmem:$0x9100] =	vst v63  }
0x37: {  	p0 =	sne.s32 s23, $0x4000;
	_ =	swait.ge [sflag:s10], $0xFA0  }
0x38: {  	[sflag:s10] =	ssyncset.done $0x0  }
0x39: {  	s23 =	sadd.s32 $0x80, s22;
	[sflag:s10] =	ssyncadd.s32 $0xFFFFF060  }
0x3a: {  	[tilespmem:s11], [sflag:$0x1] =	stream.indirect.gather [hbm4b:s3+s8], $0x20, s23, s8, $0xb8;
	[tilespmem:$0x9100] =	vst v63  }
0x3b: {  	_ =	swait.ge [sflag:s10], $0xFA0  }
0x3c: {  	[sflag:s10] =	ssyncset.done $0x0  }
0x3d: {  	s23 =	sadd.s32 $0x100, s22;
	[sflag:s10] =	ssyncadd.s32 $0xFFFFF060  }
0x3e: {  	[tilespmem:s12], [sflag:$0x1] =	stream.indirect.gather [hbm4b:s3+s8], $0x20, s23, s8, $0xb8;
	[tilespmem:$0x9100] =	vst v63  }
0x3f: {  	_ =	swait.ge [sflag:s10], $0xFA0  }
0x40: {  	[sflag:s10] =	ssyncset.done $0x0  }
0x41: {  	s23 =	sadd.s32 $0x180, s22;
	[sflag:s10] =	ssyncadd.s32 $0xFFFFF060  }
0x42: {  	[tilespmem:s13], [sflag:$0x1] =	stream.indirect.gather [hbm4b:s3+s8], $0x20, s23, s8, $0xb8;
	[tilespmem:$0x9100] =	vst v63  }
0x43: {  	_ =	swait.ge [sflag:s10], $0xFA0  }
0x44: {  	[sflag:s10] =	ssyncset.done $0x0  }
0x45: {  	s23 =	sadd.s32 $0x200, s22;
	[sflag:s10] =	ssyncadd.s32 $0xFFFFF060  }
0x46: {  	[tilespmem:s14], [sflag:$0x1] =	stream.indirect.gather [hbm4b:s3+s8], $0x20, s23, s8, $0xb8;
	[tilespmem:$0x9100] =	vst v63  }
0x47: {  	_ =	swait.ge [sflag:s10], $0xFA0  }
0x48: {  	[sflag:s10] =	ssyncset.done $0x0  }
0x49: {  	s23 =	sadd.s32 $0x280, s22;
	[sflag:s10] =	ssyncadd.s32 $0xFFFFF060  }
0x4a: {  	[tilespmem:s15], [sflag:$0x1] =	stream.indirect.gather [hbm4b:s3+s8], $0x20, s23, s8, $0xb8;
	[tilespmem:$0x9100] =	vst v63  }
0x4b: {  	_ =	swait.ge [sflag:s10], $0xFA0  }
0x4c: {  	[sflag:s10] =	ssyncset.done $0x0  }
0x4d: {  	s23 =	sadd.s32 $0x300, s22;
	[sflag:s10] =	ssyncadd.s32 $0xFFFFF060  }
0x4e: {  	[tilespmem:s16], [sflag:$0x1] =	stream.indirect.gather [hbm4b:s3+s8], $0x20, s23, s8, $0xb8;
	[tilespmem:$0x9100] =	vst v63  }
0x4f: {  	_ =	swait.ge [sflag:s10], $0xFA0  }
0x50: {  	[sflag:s10] =	ssyncset.done $0x0  }
0x51: {  	s22 =	sadd.s32 $0x380, s22;
	[sflag:s10] =	ssyncadd.s32 $0xFFFFF060  }
0x52: {  	[tilespmem:s17], [sflag:$0x1] =	stream.indirect.gather [hbm4b:s3+s8], $0x20, s22, s8, $0xb8;
	[tilespmem:$0x9100] =	vst v63  }
0x53: {  	_ =	swait.ge [sflag:s10], $0xFA0  }
.Ltmp0:
0x54: {  	[sflag:s10] =	ssyncset.done $0x0;
	(pc) =	sbr.rel @p0 .LBB2_2-.Ltmp0, $4  }
0x55: {  	[sflag:s10] =	ssyncadd.s32 $0xFFFFF060  }
0x56: {  	[hbm4b:s19+s2] =	stream.linear.scatter [tilespmem:s9], [sflag:$0x2], $0x7D00, $0x38;
	[tilespmem:$0x9100] =	vst v63  }
0x57: {  	_ =	swait.ge [sflag:s7], $0x7D00  }
0x58: {  	s23 =	smov.u32 s21;
	s19 =	sadd.s32 $0xFA0, s19;
	[sflag:s7] =	ssyncset.done $0x0  }
0x59: {  	s20 =	sshra.s32 s20, $0x2;
	[sflag:s7] =	ssyncadd.s32 $0xFFFF8300  }
0x5a: {  	[tilespmem:s9], [sflag:$0x1] =	stream.indirect.gather [hbm4b:s3+s8], $0x20, s20, s8, $0xb8;
	[tilespmem:$0x9100] =	vst v63  }
0x5b: {  	_ =	swait.ge [sflag:s10], $0xFA0  }
0x5c: {  	[sflag:s10] =	ssyncset.done $0x0  }
0x5d: {  	s21 =	sadd.s32 $0x80, s20;
	[sflag:s10] =	ssyncadd.s32 $0xFFFFF060  }
0x5e: {  	[tilespmem:s11], [sflag:$0x1] =	stream.indirect.gather [hbm4b:s3+s8], $0x20, s21, s8, $0xb8;
	[tilespmem:$0x9100] =	vst v63  }
0x5f: {  	_ =	swait.ge [sflag:s10], $0xFA0  }
0x60: {  	[sflag:s10] =	ssyncset.done $0x0  }
0x61: {  	s26 =	sadd.s32 $0x100, s20;
	[sflag:s10] =	ssyncadd.s32 $0xFFFFF060  }
0x62: {  	[tilespmem:s12], [sflag:$0x1] =	stream.indirect.gather [hbm4b:s3+s8], $0x20, s26, s8, $0xb8;
	[tilespmem:$0x9100] =	vst v63  }
0x63: {  	_ =	swait.ge [sflag:s10], $0xFA0  }
0x64: {  	[sflag:s10] =	ssyncset.done $0x0  }
0x65: {  	s28 =	sadd.s32 $0x180, s20;
	[sflag:s10] =	ssyncadd.s32 $0xFFFFF060  }
0x66: {  	[tilespmem:s13], [sflag:$0x1] =	stream.indirect.gather [hbm4b:s3+s8], $0x20, s28, s8, $0xb8;
	[tilespmem:$0x9100] =	vst v63  }
0x67: {  	_ =	swait.ge [sflag:s10], $0xFA0  }
0x68: {  	[sflag:s10] =	ssyncset.done $0x0  }
0x69: {  	s29 =	sadd.s32 $0x200, s20;
	[sflag:s10] =	ssyncadd.s32 $0xFFFFF060  }
0x6a: {  	[tilespmem:s14], [sflag:$0x1] =	stream.indirect.gather [hbm4b:s3+s8], $0x20, s29, s8, $0xb8;
	[tilespmem:$0x9100] =	vst v63  }
0x6b: {  	_ =	swait.ge [sflag:s10], $0xFA0  }
0x6c: {  	[sflag:s10] =	ssyncset.done $0x0  }
0x6d: {  	s30 =	sadd.s32 $0x280, s20;
	[sflag:s10] =	ssyncadd.s32 $0xFFFFF060  }
0x6e: {  	[tilespmem:s15], [sflag:$0x1] =	stream.indirect.gather [hbm4b:s3+s8], $0x20, s30, s8, $0xb8;
	[tilespmem:$0x9100] =	vst v63  }
0x6f: {  	_ =	swait.ge [sflag:s10], $0xFA0  }
0x70: {  	[sflag:s10] =	ssyncset.done $0x0  }
0x71: {  	s31 =	sadd.s32 $0x300, s20;
	[sflag:s10] =	ssyncadd.s32 $0xFFFFF060  }
0x72: {  	[tilespmem:s16], [sflag:$0x1] =	stream.indirect.gather [hbm4b:s3+s8], $0x20, s31, s8, $0xb8;
	[tilespmem:$0x9100] =	vst v63  }
0x73: {  	_ =	swait.ge [sflag:s10], $0xFA0  }
0x74: {  	[sflag:s10] =	ssyncset.done $0x0  }
0x75: {  	s20 =	sadd.s32 $0x380, s20;
	[sflag:s10] =	ssyncadd.s32 $0xFFFFF060  }
0x76: {  	[tilespmem:s17], [sflag:$0x1] =	stream.indirect.gather [hbm4b:s3+s8], $0x20, s20, s8, $0xb8;
	[tilespmem:$0x9100] =	vst v63  }
0x77: {  	s18 =	sadd.s32 $0x1, s18;
	_ =	swait.ge [sflag:s10], $0xFA0  }
0x78: {  	p0 =	sne.s32 s18, s5;
	[sflag:s10] =	ssyncset.done $0x0  }
.Ltmp1:
0x79: {  	[sflag:s10] =	ssyncadd.s32 $0xFFFFF060;
	(pc) =	sbr.rel @p0 .LBB2_1-.Ltmp1, $4  }
0x7a: {  	[hbm4b:s19+s2] =	stream.linear.scatter [tilespmem:s9], [sflag:$0x2], $0x7D00, $0x38;
	[tilespmem:$0x9100] =	vst v63  }
0x7b: {  	_ =	swait.ge [sflag:s7], $0x7D00  }
0x7c: {  	[sflag:s7] =	ssyncset.done $0x0  }
0x7d: {  	[sflag:s7] =	ssyncadd.s32 $0xFFFF8300  }
0x7e: {  	_ =	sfence.sel $0x180000  }
0x7f: {  	[bflag:$0x0] =	sbarrier.arrive $0xFFFF  }
0x80: {  	p0 =	sne.s32 s0, $0x0;
	_ =	strace $0x90000047  }
0x81: {  	s0 =	sadd.s32 @!p0 $0x100000, s1;
	[bflag:$0x2] =	sbarrier.arrive $0xFFFF  }
0x82: {  	[sflag:s0] =	ssyncadd.tile.s32 @!p0 $0x1;
	_ =	shalt  }
.Lfunc_end2:
_tile_overlayer_lowered:
.L_overlay_start_2:
0x83: {  	(tag) =	ssettag $0x2  }
0x84: {  	s0 =	rddreg [dreg:$0x0];
	s2 =	stileid.u32  }
0x85: {  	s1 =	rddreg [dreg:$0x1];
	p0 =	sne.s32 s2, $0x0  }
0x86: {  	s3 =	rddreg [dreg:$0x2];
	[bflag:$0x3] =	sbarrier.arrive $0xFFFF;
	s2 =	simm.s32 @!p0 $0x1C02  }
0x87: {  	[timem:s3], [sflag:s2] =	dma.local @!p0 [hbm:s0], s1  }
0x88: {  	s0 =	simm.s32 @!p0 $0x2  }
0x89: {  	_ =	swait.ge @!p0 [sflag:s0], s1  }
0x8a: {  	s1 =	ssub.s32 @!p0 $0x0, s1;
	[sflag:s0] =	ssyncset.done @!p0 $0x0  }
0x8b: {  	[sflag:s0] =	ssyncadd.s32 @!p0 s1  }
0x8c: {  	[bflag:$0x3] =	sbarrier.arrive $0xFFFF  }
0x8d: {  	_ =	shalt  }

// kernel: kernel.17.cloned.1.call-start
scs
__scs_entry_jumppad:
0x0: {  	(pc) =	sbr.rel $0x88, $3  }
0x1: {  	(tag) =	ssettag $0x0;
	lr =	simm.s32 $0x1  }
0x2: {  	[smem:$0x3F87] =	sst lr;
	_ =	strace $0xD0000000  }
0x3: {  	_ = 	snop  }
0x4: {  	_ = 	snop  }
0x5: {  	_ = 	snop  }
0x6: {  	_ = 	snop  }
0x7: {  	_ = 	snop  }
__scs_overlays_trampoline_lowered:
0x8: {  	[smem:$0x3F96] =	sst s0  }
0x9: {  	[smem:$0x3F97] =	sst s1  }
0xa: {  	[smem:$0x3F98] =	sst s2  }
0xb: {  	[smem:$0x3F99] =	sst s3  }
0xc: {  	[smem:$0x3F9A] =	sst s4  }
0xd: {  	[smem:$0x3F9B] =	sst s5  }
0xe: {  	[smem:$0x3F9C] =	sst s6  }
0xf: {  	[smem:$0x3F9D] =	sst s7  }
0x10: {  	[smem:$0x3F9E] =	sst s8  }
0x11: {  	[smem:$0x3F9F] =	sst s9;
	s0 =	simm.s32 @!p0 $0x0  }
0x12: {  	s1 =	sld [smem:$0x3F85];
	s0 =	simm.s32 @p0 $0x1  }
0x13: {  	[smem:$0x3FA0] =	sst s0;
	s0 =	simm.s32 @!p1 $0x0  }
0x14: {  	s2 =	sld [smem:$0x3F84];
	s0 =	simm.s32 @p1 $0x1  }
0x15: {  	[smem:$0x3FA1] =	sst s0;
	s0 =	simm.s32 @!p2 $0x0  }
0x16: {  	s3 =	sld [smem:$0x3FDB];
	s0 =	simm.s32 @p2 $0x1  }
0x17: {  	s4 =	simm.s32 $0x1BF5;
	[smem:$0x3FA3] =	sst s0  }
0x18: {  	s0 =	sld [smem:$0x3F86];
	_ =	swait.ge [sflag:s4], $0x0  }
0x19: {  	s7 =	sld [smem:$0x3F87]  }
0x1a: {  	s8 =	sadd.s32 $0xFFFFE003, lr  }
0x1b: {  	s9 =	sadd.s32 $0xFFFFFEF7, lr;
	s5 =	simm.s32 $0xFFFFFFFF;
	p2 =	slt.u32 s8, $0xFFFFF086  }
0x1c: {  	p1 =	slt.u32 s9, $0xF7A;
	s5 =	simm.s32 @!p2 $0x0  }
0x1d: {  	s5 =	simm.s32 @p1 $0x1;
	p0 =	seq.s32 s7, s2  }
0x1e: {  	s7 =	smul.u32 @!p0 $0xF7A, s2;
	p2 =	seq.s32 @!p0 s5, $0x0  }
0x1f: {  	s9 =	smul.u32 $0xF7A, s1;
	s8 =	simm.s32 @!p0 $0x1BF5;
	p2 =	por !p2, p0  }
0x20: {  	[sflag:s8] =	ssyncset.s32 @!p0 $0xFFFFF086;
	s6 =	sadd.s32 @!p0 s3, s7;
	s7 =	simm.s32 @!p0 $0x108  }
0x21: {  	s3 =	sadd.s32 s3, s9;
	s6 =	sadd.s32 @!p0 $0x88, s6;
	s7 =	simm.s32 @p2 $0x1082  }
0x22: {  	[simem:s7], [sflag:s8] =	dma.local @!p0 [hbm:s6], $0xF7A  }
0x23: {  	s9 =	sor.u32 $0xD0000000, s2;
	s6 =	simm.s32 $0x108;
	_ =	swait.ge @!p0 [sflag:s8], $0x0  }
0x24: {  	s3 =	sadd.s32 $0x88, s3;
	s6 =	simm.s32 @!p1 $0x1082;
	[sflag:s4] =	ssyncset.s32 $0xFFFFF086  }
0x25: {  	[simem:s6], [sflag:s4] =	dma.local [hbm:s3], $0xF7A  }
0x26: {  	[smem:$0x3F87] =	sst s1;
	(tag) =	ssettag s2;
	_ =	strace s9  }
0x27: {  	s1 =	sld [smem:$0x3F97]  }
0x28: {  	s2 =	sld [smem:$0x3F98]  }
0x29: {  	s4 =	sld [smem:$0x3F9A]  }
0x2a: {  	p0 =	seq.s32 s5, $0x0;
	s5 =	sld [smem:$0x3F9B]  }
0x2b: {  	s6 =	sld [smem:$0x3F9C]  }
0x2c: {  	s7 =	sld [smem:$0x3F9D]  }
0x2d: {  	s3 =	simm.s32 $0x108;
	s8 =	sld [smem:$0x3F9E]  }
0x2e: {  	s3 =	simm.s32 @!p0 $0x1082;
	s9 =	sld [smem:$0x3F9F]  }
0x2f: {  	lr =	sadd.s32 s0, s3;
	s0 =	sld [smem:$0x3F96]  }
0x30: {  	s3 =	sld [smem:$0x3F99]  }
0x31: {  	[smem:$0x3FA2] =	sst s10  }
0x32: {  	s10 =	sld [smem:$0x3FA0];
	_ =	sdelay $0x3  }
0x33: {  	p0 =	seq.s32 s10, $0x1;
	s10 =	sld [smem:$0x3FA2];
	_ =	sdelay $0x3  }
0x34: {  	[smem:$0x3FA2] =	sst s10  }
0x35: {  	s10 =	sld [smem:$0x3FA1];
	_ =	sdelay $0x3  }
0x36: {  	p1 =	seq.s32 s10, $0x1;
	s10 =	sld [smem:$0x3FA2];
	_ =	sdelay $0x3  }
0x37: {  	[smem:$0x3FA2] =	sst s10  }
0x38: {  	s10 =	sld [smem:$0x3FA3]  }
0x39: {  	_ = 	snop;
	(pc) =	sbr.ind lr, $3  }
0x3a: {  	_ = 	snop  }
0x3b: {  	_ = 	snop  }
0x3c: {  	p2 =	seq.s32 s10, $0x1;
	s10 =	sld [smem:$0x3FA2]  }
0x3d: {  	_ =	shalt  }
0x3e: {  	_ =	shalt  }
0x3f: {  	_ =	shalt  }
0x40: {  	_ =	shalt  }
0x41: {  	_ =	shalt  }
0x42: {  	_ =	shalt  }
0x43: {  	_ =	shalt  }
0x44: {  	_ =	shalt  }
0x45: {  	_ =	shalt  }
0x46: {  	_ =	shalt  }
0x47: {  	_ =	shalt  }
0x48: {  	_ =	shalt  }
0x49: {  	_ =	shalt  }
0x4a: {  	_ =	shalt  }
0x4b: {  	_ =	shalt  }
0x4c: {  	_ =	shalt  }
0x4d: {  	_ =	shalt  }
0x4e: {  	_ =	shalt  }
0x4f: {  	_ =	shalt  }
0x50: {  	_ =	shalt  }
0x51: {  	_ =	shalt  }
0x52: {  	_ =	shalt  }
0x53: {  	_ =	shalt  }
0x54: {  	_ =	shalt  }
0x55: {  	_ =	shalt  }
0x56: {  	_ =	shalt  }
0x57: {  	_ =	shalt  }
0x58: {  	_ =	shalt  }
0x59: {  	_ =	shalt  }
0x5a: {  	_ =	shalt  }
0x5b: {  	_ =	shalt  }
0x5c: {  	_ =	shalt  }
0x5d: {  	_ =	shalt  }
0x5e: {  	_ =	shalt  }
0x5f: {  	_ =	shalt  }
0x60: {  	_ =	shalt  }
0x61: {  	_ =	shalt  }
0x62: {  	_ =	shalt  }
0x63: {  	_ =	shalt  }
0x64: {  	_ =	shalt  }
0x65: {  	_ =	shalt  }
0x66: {  	_ =	shalt  }
0x67: {  	_ =	shalt  }
0x68: {  	_ =	shalt  }
0x69: {  	_ =	shalt  }
0x6a: {  	_ =	shalt  }
0x6b: {  	_ =	shalt  }
0x6c: {  	_ =	shalt  }
0x6d: {  	_ =	shalt  }
0x6e: {  	_ =	shalt  }
0x6f: {  	_ =	shalt  }
0x70: {  	_ =	shalt  }
0x71: {  	_ =	shalt  }
0x72: {  	_ =	shalt  }
0x73: {  	_ =	shalt  }
0x74: {  	_ =	shalt  }
0x75: {  	_ =	shalt  }
0x76: {  	_ =	shalt  }
0x77: {  	_ =	shalt  }
0x78: {  	_ =	shalt  }
0x79: {  	_ =	shalt  }
0x7a: {  	_ =	shalt  }
0x7b: {  	_ =	shalt  }
0x7c: {  	_ =	shalt  }
0x7d: {  	_ =	shalt  }
0x7e: {  	_ =	shalt  }
0x7f: {  	_ =	shalt  }
0x80: {  	_ =	shalt  }
0x81: {  	_ =	shalt  }
0x82: {  	_ =	shalt  }
0x83: {  	_ =	shalt  }
0x84: {  	_ =	shalt  }
0x85: {  	_ =	shalt  }
0x86: {  	_ =	shalt  }
0x87: {  	_ =	shalt  }
.Lfunc_end0:
.L_simem_size_0:
called_computation.1_lowered:
.L_overlay_start_0:
0x88: {  	s2 =	sld [smem:$0x3FD9]  }
0x89: {  	s3 =	sld [smem:$0x3FFE];
	_ =	sdelay $0x1  }
0x8a: {  	s1 =	srdreg.scid  }
0x8b: {  	s0 =	sand.u32 $0x1, s1  }
0x8c: {  	s16 =	sshll.u32 s0, $0xA;
	s2 =	sadd.s32 s3, s2  }
0x8d: {  	s2 =	sadd.s32 s2, s16  }
0x8e: {  	[smem:$0x3FAE] =	sst s2  }
0x8f: {  	_ = 	snop  }
0x90: {  	(tm) =	ssettm $0x1  }
0x91: {  	s17 =	sld [smem:$0x3FFB];
	_ =	sdelay $0x3  }
0x92: {  	_ =	strace s17  }
0x93: {  	s2 =	sld [smem:$0x3FFC];
	_ =	sdelay $0x3  }
0x94: {  	_ =	strace s2  }
0x95: {  	s2 =	sld [smem:$0x3FFD];
	_ =	sdelay $0x3  }
0x96: {  	_ =	strace s2  }
0x97: {  	_ =	strace $0x8FFFFFFF  }
0x98: {  	s18 =	sld [smem:$0x3FDB];
	_ =	sdelay $0x1  }
0x99: {  	s19 =	simm.s32 $_scs_section_size  }
0x9a: {  	s4 =	simm.s32 $_size__tile_overlayer_lowered;
	s5 =	simm.s32 $_tile_overlayer_lowered  }
0x9b: {  	s22 =	simm.s32 $0x1BFF;
	s21 =	sshll.u32 s5, $0x1;
	s2 =	sadd.s32 s19, s18  }
0x9c: {  	s6 =	simm.s32 $0x0;
	s20 =	sshll.u32 s4, $0x1;
	s4 =	sadd.s32 s21, s2  }
0x9d: {  	[timem:s6], [sflag:s22] =	dma.local [hbm:s4], s20  }
0x9e: {  	_ =	swait.ge [sflag:s22], s20  }
0x9f: {  	s3 =	ssub.s32 $0x0, s20;
	[sflag:s22] =	ssyncset.done $0x0  }
0xa0: {  	[sflag:s22] =	ssyncadd.s32 s3;
	_ =	sdelay $0x1  }
0xa1: {  	s23 =	simm.s32 $0x1B8B  }
0xa2: {  	_ =	swait.ge [sflag:s23], $0x1  }
0xa3: {  	[sflag:s23] =	ssyncset.done $0x0  }
0xa4: {  	s25 =	simm.s32 $0x1B8E;
	s24 =	sld [smem:$0x3FFE];
	[sflag:s23] =	ssyncadd.s32 $0xFFFFFFFF  }
0xa5: {  	s26 =	simm.s32 $execute0_lowered;
	[smem:$0x3FD2] =	sst s25  }
0xa6: {  	s4 =	sshll.u32 s26, $0x1;
	_ =	strace $0x80000049;
	[dreg:$0x1] =	wrdreg $0xFFFFFFFF  }
0xa7: {  	s28 =	simm.s32 $_size_execute0_lowered;
	s2 =	sadd.s32 s2, s4;
	[dreg:$0x0] =	wrdreg $0x0  }
0xa8: {  	s4 =	sshll.u32 s28, $0x1;
	[dreg:$0x2] =	wrdreg s2  }
0xa9: {  	[dreg:$0x3] =	wrdreg s4  }
0xaa: {  	[dreg:$0x4] =	wrdreg $0xC0  }
0xab: {  	_ =	task [dreg:s6], $0x5FFFF  }
0xac: {  	[dreg:$0x1] =	wrdreg $0xFFFFFFFF  }
0xad: {  	[dreg:$0x0] =	wrdreg $0x60  }
0xae: {  	[dreg:$0x2] =	wrdreg s24  }
0xaf: {  	[dreg:$0x3] =	wrdreg $0x14C800  }
0xb0: {  	[dreg:$0x4] =	wrdreg $0x9  }
0xb1: {  	_ =	task.clear_ibuf [dreg:s6], $0x5FFFF;
	_ =	strace $0x90000049  }
0xb2: {  	s29 =	simm.s32 $0x9;
	_ =	strace $0x8000004B  }
0xb3: {  	_ =	swait.ge [sflag:s29], $0x1  }
0xb4: {  	[sflag:s29] =	ssyncadd.s32 $0xFFFFFFFF  }
0xb5: {  	_ =	strace $0x9000004B  }
0xb6: {  	_ =	sfence  }
0xb7: {  	s30 =	sld [smem:$0x0];
	_ =	sdelay $0x2  }
0xb8: {  	s31 =	sshll.u32 s1, $0xD;
	s1 =	sshrl.u32 s1, $0x2  }
0xb9: {  	s3 =	sand.u32 $0x4000, s31;
	s1 =	sadd.s32 s1, s30  }
0xba: {  	s0 =	sor.u32 s3, s0;
	s1 =	sshll.u32 s1, $0x11  }
0xbb: {  	s0 =	sor.u32 s1, s0  }
0xbc: {  	s0 =	sadd.s32 $0x8F2B, s0  }
0xbd: {  	[sflag:s0] =	ssyncadd.remote.s32 $0x1  }
0xbe: {  	_ =	sfence.sel $0xFFFF  }
0xbf: {  	[dreg:$0x0] =	wrdreg $0xFFFFFFFF;
	(pc) =	sbr.abs _section_cstart, $3  }
0xc0: {  	[dreg:$0x1] =	wrdreg $0xFFFFFFFF  }
0xc1: {  	_ =	task.clear_ibuf [dreg:s6], $0x2FFFF;
	_ =	strace $0x9FFFFFFF  }
0xc2: {  	(tm) =	ssettm $0x7FFFFFFF  }
0xc3: {  	_ =	shalt  }
tec
execute0_lowered:
.L_overlay_start_1:
0x0: {  	(tag) =	ssettag $0x1  }
0x1: {  	s1 =	srdreg.scid;
	s5 =	rddreg [dreg:$0x0]  }
0x2: {  	s0 =	stileid.u32;
	s2 =	rddreg [dreg:$0x1]  }
0x3: {  	s3 =	simm.s32 $0x0;
	s11 =	simm.s32 $0x1400;
	s9 =	smul.u32 $0x2710, s0  }
0x4: {  	s4 =	sand.u32 $0x1, s1;
	s29 =	sshll.u32 s0, $0x1;
	s30 =	smul.u32 $0x9C40, s0  }
0x5: {  	s1 =	rddreg [dreg:$0x2];
	s6 =	sor.u32 s4, s29;
	s8 =	smul.u32 $0x27100, s4  }
0x6: {  	s12 =	simm.s32 $0x0;
	[smem:$0x7FF] =	sst s3;
	s7 =	smul.u32 $0x2710, s6  }
0x7: {  	_ =	strace $0x8000004A;
	s4 =	ssub.s32 $0x2, s4;
	s6 =	smul.u32 $0x280, s6  }
0x8: {  	s10 =	sshrl.u32 s4, $0x1;
	s31 =	sshrl.u32 s30, $0x2;
	s8 =	sadd.s32 s9, s8  }
0x9: {  	s10 =	ssub.s32 s4, s10;
	s4 =	sadd.s32 s31, s2;
	s9 =	simm.s32 $0x1  }
0xa: {  	s7 =	sadd.s32 s7, s5;
	s6 =	sadd.s32 s6, s5;
	s8 =	sshrl.u32 s8, $0x3  }
0xb: {  	s8 =	sadd.s32 s8, s5;
	s5 =	sadd.s32 $0x347C00, s6;
	s6 =	sadd.s32 $0x3A800, s7  }
0xc: {  	v0 =	vimm.f32 $0.0e+00;
	s7 =	sadd.s32 $0x2BA00, s8;
	s8 =	smax.u32 s10, $0x1;
	s10 =	simm.s32 $0x7D  }
.LBB2_1:
0xd: {  	s13 =	simm.s32 $0x40;
	s14 =	simm.s32 $0x0  }
.LBB2_2:
0xe: {  	p0 =	sne.s32 s13, $0x9C00;
	[tilespmem:s14+$0x1400] =	vst v0;
	s14 =	smov.u32 s13;
	s13 =	sadd.s32 $0x40, s13  }
.Ltmp0:
0xf: {  	(pc) =	sbr.rel @p0 .LBB2_2-.Ltmp0, $2  }
0x10: {  	_ =	sdelay $0x2  }
0x11: {  	s14 =	sshra.s32 s14, $0x2  }
0x12: {  	[tilespmem:s14+$0x1400] =	vst v0;
	s13 =	simm.s32 $0x1400  }
0x13: {  	[spmem:s4] =	stream.linear.scatter [tilespmem:s13], [sflag:$0x1], $0x2710, $0x38;
	[tilespmem:$0x17390] =	vst v63  }
0x14: {  	_ =	swait.ge [sflag:s9], $0x2710  }
0x15: {  	[sflag:s9] =	ssyncset.done $0x0  }
0x16: {  	[sflag:s9] =	ssyncadd.s32 $0xFFFFD8F0  }
0x17: {  	s30 =	simm.s32 $0x0;
	[bflag:$0x0] =	sbarrier.arrive $0xFFFF  }
0x18: {  	[tilespmem:s30], [sflag:$0x1] =	stream.linear.gather [hbm4b:s5+s30], $0x1400, $0x38;
	[tilespmem:$0x17390] =	vst v63  }
0x19: {  	_ =	swait.ge [sflag:s9], $0x1400  }
0x1a: {  	[sflag:s9] =	ssyncset.done $0x0  }
0x1b: {  	[sflag:s9] =	ssyncadd.s32 $0xFFFFEC00  }
0x1c: {  	[tilespmem:s13], [sflag:$0x1] =	stream.linear.gather [hbm4b:s6+s30], $0x13880, $0x38;
	[tilespmem:$0x17390] =	vst v63  }
0x1d: {  	_ =	swait.ge [sflag:s9], $0x13880  }
0x1e: {  	[sflag:s9] =	ssyncset.done $0x0  }
0x1f: {  	s31 =	simm.s32 $0x0;
	[sflag:s9] =	ssyncadd.s32 $0xFFFEC780  }
0x20: {  	[spmem:s2] =	stream.indirect.scatter.add.f32 [tilespmem:s13], [sflag:$0x1], $0x10, s31, s10, $0xb8;
	[tilespmem:$0x17390] =	vst v63  }
0x21: {  	_ =	swait.ge [sflag:s9], $0x7D0  }
0x22: {  	s14 =	simm.s32 $0x200;
	[sflag:s9] =	ssyncset.done $0x0  }
.LBB2_4:
0x23: {  	s15 =	sshra.s32 s14, $0x2  }
0x24: {  	[sflag:s9] =	ssyncadd.s32 $0xFFFFF830;
	s13 =	sadd.s32 $0x7D0, s13;
	p0 =	sne.s32 s14, $0x4E00  }
0x25: {  	[spmem:s2] =	stream.indirect.scatter.add.f32 [tilespmem:s13], [sflag:$0x1], $0x10, s15, s10, $0xb8;
	[tilespmem:$0x17390] =	vst v63  }
.Ltmp1:
0x26: {  	_ = 	snop;
	(pc) =	sbr.rel @p0 .LBB2_4-.Ltmp1, $4  }
0x27: {  	_ = 	snop  }
0x28: {  	s14 =	sadd.s32 $0x200, s14  }
0x29: {  	_ =	swait.ge [sflag:s9], $0x7D0  }
0x2a: {  	[sflag:s9] =	ssyncset.done $0x0  }
0x2b: {  	[sflag:s9] =	ssyncadd.s32 $0xFFFFF830  }
0x2c: {  	[bflag:$0x0] =	sbarrier.arrive $0xFFFF  }
0x2d: {  	[tilespmem:s11], [sflag:$0x1] =	stream.linear.gather [spmem:s4], $0x2710, $0x38;
	[tilespmem:$0x17390] =	vst v63  }
0x2e: {  	s12 =	sadd.s32 $0x1, s12;
	_ =	swait.ge [sflag:s9], $0x2710  }
0x2f: {  	p0 =	sne.s32 s12, s8;
	[sflag:s9] =	ssyncset.done $0x0  }
.Ltmp2:
0x30: {  	[sflag:s9] =	ssyncadd.s32 $0xFFFFD8F0;
	(pc) =	sbr.rel @p0 .LBB2_1-.Ltmp2, $4  }
0x31: {  	[hbm4b:s7+s3] =	stream.linear.scatter [tilespmem:s11], [sflag:$0x1], $0x2710, $0x38;
	[tilespmem:$0x17390] =	vst v63  }
0x32: {  	_ =	swait.ge [sflag:s9], $0x2710  }
0x33: {  	[sflag:s9] =	ssyncset.done $0x0  }
0x34: {  	[sflag:s9] =	ssyncadd.s32 $0xFFFFD8F0  }
0x35: {  	_ =	sfence.sel $0x180000  }
0x36: {  	[bflag:$0x0] =	sbarrier.arrive $0xFFFF  }
0x37: {  	p0 =	sne.s32 s0, $0x0;
	_ =	strace $0x9000004A  }
0x38: {  	s0 =	sadd.s32 @!p0 $0x100000, s1;
	[bflag:$0x2] =	sbarrier.arrive $0xFFFF  }
0x39: {  	[sflag:s0] =	ssyncadd.tile.s32 @!p0 $0x1;
	_ =	shalt  }
.Lfunc_end2:
_tile_overlayer_lowered:
.L_overlay_start_2:
0x3a: {  	(tag) =	ssettag $0x2  }
0x3b: {  	s0 =	rddreg [dreg:$0x0];
	s2 =	stileid.u32  }
0x3c: {  	s1 =	rddreg [dreg:$0x1];
	p0 =	sne.s32 s2, $0x0  }
0x3d: {  	s3 =	rddreg [dreg:$0x2];
	[bflag:$0x3] =	sbarrier.arrive $0xFFFF;
	s2 =	simm.s32 @!p0 $0x1C01  }
0x3e: {  	[timem:s3], [sflag:s2] =	dma.local @!p0 [hbm:s0], s1  }
0x3f: {  	s0 =	simm.s32 @!p0 $0x1  }
0x40: {  	_ =	swait.ge @!p0 [sflag:s0], s1  }
0x41: {  	s1 =	ssub.s32 @!p0 $0x0, s1;
	[sflag:s0] =	ssyncset.done @!p0 $0x0  }
0x42: {  	[sflag:s0] =	ssyncadd.s32 @!p0 s1  }
0x43: {  	[bflag:$0x3] =	sbarrier.arrive $0xFFFF  }
0x44: {  	_ =	shalt  }

// kernel: kernel.20.cloned.1.call-start
scs
__scs_entry_jumppad:
0x0: {  	(pc) =	sbr.rel $0x88, $3  }
0x1: {  	(tag) =	ssettag $0x0;
	lr =	simm.s32 $0x1  }
0x2: {  	[smem:$0x3F87] =	sst lr;
	_ =	strace $0xD0000000  }
0x3: {  	_ = 	snop  }
0x4: {  	_ = 	snop  }
0x5: {  	_ = 	snop  }
0x6: {  	_ = 	snop  }
0x7: {  	_ = 	snop  }
__scs_overlays_trampoline_lowered:
0x8: {  	[smem:$0x3F96] =	sst s0  }
0x9: {  	[smem:$0x3F97] =	sst s1  }
0xa: {  	[smem:$0x3F98] =	sst s2  }
0xb: {  	[smem:$0x3F99] =	sst s3  }
0xc: {  	[smem:$0x3F9A] =	sst s4  }
0xd: {  	[smem:$0x3F9B] =	sst s5  }
0xe: {  	[smem:$0x3F9C] =	sst s6  }
0xf: {  	[smem:$0x3F9D] =	sst s7  }
0x10: {  	[smem:$0x3F9E] =	sst s8  }
0x11: {  	[smem:$0x3F9F] =	sst s9;
	s0 =	simm.s32 @!p0 $0x0  }
0x12: {  	s1 =	sld [smem:$0x3F85];
	s0 =	simm.s32 @p0 $0x1  }
0x13: {  	[smem:$0x3FA0] =	sst s0;
	s0 =	simm.s32 @!p1 $0x0  }
0x14: {  	s2 =	sld [smem:$0x3F84];
	s0 =	simm.s32 @p1 $0x1  }
0x15: {  	[smem:$0x3FA1] =	sst s0;
	s0 =	simm.s32 @!p2 $0x0  }
0x16: {  	s3 =	sld [smem:$0x3FDB];
	s0 =	simm.s32 @p2 $0x1  }
0x17: {  	s4 =	simm.s32 $0x1BF5;
	[smem:$0x3FA3] =	sst s0  }
0x18: {  	s0 =	sld [smem:$0x3F86];
	_ =	swait.ge [sflag:s4], $0x0  }
0x19: {  	s7 =	sld [smem:$0x3F87]  }
0x1a: {  	s8 =	sadd.s32 $0xFFFFE003, lr  }
0x1b: {  	s9 =	sadd.s32 $0xFFFFFEF7, lr;
	s5 =	simm.s32 $0xFFFFFFFF;
	p2 =	slt.u32 s8, $0xFFFFF086  }
0x1c: {  	p1 =	slt.u32 s9, $0xF7A;
	s5 =	simm.s32 @!p2 $0x0  }
0x1d: {  	s5 =	simm.s32 @p1 $0x1;
	p0 =	seq.s32 s7, s2  }
0x1e: {  	s7 =	smul.u32 @!p0 $0xF7A, s2;
	p2 =	seq.s32 @!p0 s5, $0x0  }
0x1f: {  	s9 =	smul.u32 $0xF7A, s1;
	s8 =	simm.s32 @!p0 $0x1BF5;
	p2 =	por !p2, p0  }
0x20: {  	[sflag:s8] =	ssyncset.s32 @!p0 $0xFFFFF086;
	s6 =	sadd.s32 @!p0 s3, s7;
	s7 =	simm.s32 @!p0 $0x108  }
0x21: {  	s3 =	sadd.s32 s3, s9;
	s6 =	sadd.s32 @!p0 $0x88, s6;
	s7 =	simm.s32 @p2 $0x1082  }
0x22: {  	[simem:s7], [sflag:s8] =	dma.local @!p0 [hbm:s6], $0xF7A  }
0x23: {  	s9 =	sor.u32 $0xD0000000, s2;
	s6 =	simm.s32 $0x108;
	_ =	swait.ge @!p0 [sflag:s8], $0x0  }
0x24: {  	s3 =	sadd.s32 $0x88, s3;
	s6 =	simm.s32 @!p1 $0x1082;
	[sflag:s4] =	ssyncset.s32 $0xFFFFF086  }
0x25: {  	[simem:s6], [sflag:s4] =	dma.local [hbm:s3], $0xF7A  }
0x26: {  	[smem:$0x3F87] =	sst s1;
	(tag) =	ssettag s2;
	_ =	strace s9  }
0x27: {  	s1 =	sld [smem:$0x3F97]  }
0x28: {  	s2 =	sld [smem:$0x3F98]  }
0x29: {  	s4 =	sld [smem:$0x3F9A]  }
0x2a: {  	p0 =	seq.s32 s5, $0x0;
	s5 =	sld [smem:$0x3F9B]  }
0x2b: {  	s6 =	sld [smem:$0x3F9C]  }
0x2c: {  	s7 =	sld [smem:$0x3F9D]  }
0x2d: {  	s3 =	simm.s32 $0x108;
	s8 =	sld [smem:$0x3F9E]  }
0x2e: {  	s3 =	simm.s32 @!p0 $0x1082;
	s9 =	sld [smem:$0x3F9F]  }
0x2f: {  	lr =	sadd.s32 s0, s3;
	s0 =	sld [smem:$0x3F96]  }
0x30: {  	s3 =	sld [smem:$0x3F99]  }
0x31: {  	[smem:$0x3FA2] =	sst s10  }
0x32: {  	s10 =	sld [smem:$0x3FA0];
	_ =	sdelay $0x3  }
0x33: {  	p0 =	seq.s32 s10, $0x1;
	s10 =	sld [smem:$0x3FA2];
	_ =	sdelay $0x3  }
0x34: {  	[smem:$0x3FA2] =	sst s10  }
0x35: {  	s10 =	sld [smem:$0x3FA1];
	_ =	sdelay $0x3  }
0x36: {  	p1 =	seq.s32 s10, $0x1;
	s10 =	sld [smem:$0x3FA2];
	_ =	sdelay $0x3  }
0x37: {  	[smem:$0x3FA2] =	sst s10  }
0x38: {  	s10 =	sld [smem:$0x3FA3]  }
0x39: {  	_ = 	snop;
	(pc) =	sbr.ind lr, $3  }
0x3a: {  	_ = 	snop  }
0x3b: {  	_ = 	snop  }
0x3c: {  	p2 =	seq.s32 s10, $0x1;
	s10 =	sld [smem:$0x3FA2]  }
0x3d: {  	_ =	shalt  }
0x3e: {  	_ =	shalt  }
0x3f: {  	_ =	shalt  }
0x40: {  	_ =	shalt  }
0x41: {  	_ =	shalt  }
0x42: {  	_ =	shalt  }
0x43: {  	_ =	shalt  }
0x44: {  	_ =	shalt  }
0x45: {  	_ =	shalt  }
0x46: {  	_ =	shalt  }
0x47: {  	_ =	shalt  }
0x48: {  	_ =	shalt  }
0x49: {  	_ =	shalt  }
0x4a: {  	_ =	shalt  }
0x4b: {  	_ =	shalt  }
0x4c: {  	_ =	shalt  }
0x4d: {  	_ =	shalt  }
0x4e: {  	_ =	shalt  }
0x4f: {  	_ =	shalt  }
0x50: {  	_ =	shalt  }
0x51: {  	_ =	shalt  }
0x52: {  	_ =	shalt  }
0x53: {  	_ =	shalt  }
0x54: {  	_ =	shalt  }
0x55: {  	_ =	shalt  }
0x56: {  	_ =	shalt  }
0x57: {  	_ =	shalt  }
0x58: {  	_ =	shalt  }
0x59: {  	_ =	shalt  }
0x5a: {  	_ =	shalt  }
0x5b: {  	_ =	shalt  }
0x5c: {  	_ =	shalt  }
0x5d: {  	_ =	shalt  }
0x5e: {  	_ =	shalt  }
0x5f: {  	_ =	shalt  }
0x60: {  	_ =	shalt  }
0x61: {  	_ =	shalt  }
0x62: {  	_ =	shalt  }
0x63: {  	_ =	shalt  }
0x64: {  	_ =	shalt  }
0x65: {  	_ =	shalt  }
0x66: {  	_ =	shalt  }
0x67: {  	_ =	shalt  }
0x68: {  	_ =	shalt  }
0x69: {  	_ =	shalt  }
0x6a: {  	_ =	shalt  }
0x6b: {  	_ =	shalt  }
0x6c: {  	_ =	shalt  }
0x6d: {  	_ =	shalt  }
0x6e: {  	_ =	shalt  }
0x6f: {  	_ =	shalt  }
0x70: {  	_ =	shalt  }
0x71: {  	_ =	shalt  }
0x72: {  	_ =	shalt  }
0x73: {  	_ =	shalt  }
0x74: {  	_ =	shalt  }
0x75: {  	_ =	shalt  }
0x76: {  	_ =	shalt  }
0x77: {  	_ =	shalt  }
0x78: {  	_ =	shalt  }
0x79: {  	_ =	shalt  }
0x7a: {  	_ =	shalt  }
0x7b: {  	_ =	shalt  }
0x7c: {  	_ =	shalt  }
0x7d: {  	_ =	shalt  }
0x7e: {  	_ =	shalt  }
0x7f: {  	_ =	shalt  }
0x80: {  	_ =	shalt  }
0x81: {  	_ =	shalt  }
0x82: {  	_ =	shalt  }
0x83: {  	_ =	shalt  }
0x84: {  	_ =	shalt  }
0x85: {  	_ =	shalt  }
0x86: {  	_ =	shalt  }
0x87: {  	_ =	shalt  }
.Lfunc_end0:
.L_simem_size_0:
called_computation.2_lowered:
.L_overlay_start_0:
0x88: {  	s2 =	sld [smem:$0x3FD9]  }
0x89: {  	s3 =	sld [smem:$0x3FFE];
	_ =	sdelay $0x1  }
0x8a: {  	s1 =	srdreg.scid  }
0x8b: {  	s0 =	sand.u32 $0x1, s1  }
0x8c: {  	s16 =	sshll.u32 s0, $0xA;
	s2 =	sadd.s32 s3, s2  }
0x8d: {  	s2 =	sadd.s32 s2, s16  }
0x8e: {  	[smem:$0x3FAE] =	sst s2  }
0x8f: {  	_ = 	snop  }
0x90: {  	(tm) =	ssettm $0x1  }
0x91: {  	s17 =	sld [smem:$0x3FFB];
	_ =	sdelay $0x3  }
0x92: {  	_ =	strace s17  }
0x93: {  	s2 =	sld [smem:$0x3FFC];
	_ =	sdelay $0x3  }
0x94: {  	_ =	strace s2  }
0x95: {  	s2 =	sld [smem:$0x3FFD];
	_ =	sdelay $0x3  }
0x96: {  	_ =	strace s2  }
0x97: {  	_ =	strace $0x8FFFFFFF  }
0x98: {  	s18 =	sld [smem:$0x3FDB];
	_ =	sdelay $0x1  }
0x99: {  	s19 =	simm.s32 $_scs_section_size  }
0x9a: {  	s4 =	simm.s32 $_size__tile_overlayer_lowered;
	s5 =	simm.s32 $_tile_overlayer_lowered  }
0x9b: {  	s22 =	simm.s32 $0x1BFF;
	s21 =	sshll.u32 s5, $0x1;
	s2 =	sadd.s32 s19, s18  }
0x9c: {  	s6 =	simm.s32 $0x0;
	s20 =	sshll.u32 s4, $0x1;
	s4 =	sadd.s32 s21, s2  }
0x9d: {  	[timem:s6], [sflag:s22] =	dma.local [hbm:s4], s20  }
0x9e: {  	_ =	swait.ge [sflag:s22], s20  }
0x9f: {  	s3 =	ssub.s32 $0x0, s20;
	[sflag:s22] =	ssyncset.done $0x0  }
0xa0: {  	[sflag:s22] =	ssyncadd.s32 s3;
	_ =	sdelay $0x1  }
0xa1: {  	s23 =	simm.s32 $0x1B8B  }
0xa2: {  	_ =	swait.ge [sflag:s23], $0x1  }
0xa3: {  	[sflag:s23] =	ssyncset.done $0x0  }
0xa4: {  	s25 =	simm.s32 $0x1B8E;
	s24 =	sld [smem:$0x3FFE];
	[sflag:s23] =	ssyncadd.s32 $0xFFFFFFFF  }
0xa5: {  	s26 =	simm.s32 $execute0_lowered;
	[smem:$0x3FD2] =	sst s25  }
0xa6: {  	s4 =	sshll.u32 s26, $0x1;
	_ =	strace $0x8000004C;
	[dreg:$0x1] =	wrdreg $0xFFFFFFFF  }
0xa7: {  	s28 =	simm.s32 $_size_execute0_lowered;
	s2 =	sadd.s32 s2, s4;
	[dreg:$0x0] =	wrdreg $0x0  }
0xa8: {  	s4 =	sshll.u32 s28, $0x1;
	[dreg:$0x2] =	wrdreg s2  }
0xa9: {  	[dreg:$0x3] =	wrdreg s4  }
0xaa: {  	[dreg:$0x4] =	wrdreg $0xC0  }
0xab: {  	_ =	task [dreg:s6], $0x5FFFF  }
0xac: {  	[dreg:$0x1] =	wrdreg $0xFFFFFFFF  }
0xad: {  	[dreg:$0x0] =	wrdreg $0x60  }
0xae: {  	[dreg:$0x2] =	wrdreg s24  }
0xaf: {  	[dreg:$0x3] =	wrdreg $0x9  }
0xb0: {  	_ =	task.clear_ibuf [dreg:s6], $0x4FFFF;
	_ =	strace $0x9000004C  }
0xb1: {  	s29 =	simm.s32 $0x9;
	_ =	strace $0x8000004E  }
0xb2: {  	_ =	swait.ge [sflag:s29], $0x1  }
0xb3: {  	[sflag:s29] =	ssyncadd.s32 $0xFFFFFFFF  }
0xb4: {  	_ =	strace $0x9000004E  }
0xb5: {  	_ =	sfence  }
0xb6: {  	s30 =	sld [smem:$0x0];
	_ =	sdelay $0x2  }
0xb7: {  	s31 =	sshll.u32 s1, $0xD;
	s1 =	sshrl.u32 s1, $0x2  }
0xb8: {  	s3 =	sand.u32 $0x4000, s31;
	s1 =	sadd.s32 s1, s30  }
0xb9: {  	s0 =	sor.u32 s3, s0;
	s1 =	sshll.u32 s1, $0x11  }
0xba: {  	s0 =	sor.u32 s1, s0  }
0xbb: {  	s0 =	sadd.s32 $0x8F2B, s0  }
0xbc: {  	[sflag:s0] =	ssyncadd.remote.s32 $0x1  }
0xbd: {  	_ =	sfence.sel $0xFFFF  }
0xbe: {  	[dreg:$0x0] =	wrdreg $0xFFFFFFFF;
	(pc) =	sbr.abs _section_cstart, $3  }
0xbf: {  	[dreg:$0x1] =	wrdreg $0xFFFFFFFF  }
0xc0: {  	_ =	task.clear_ibuf [dreg:s6], $0x2FFFF;
	_ =	strace $0x9FFFFFFF  }
0xc1: {  	(tm) =	ssettm $0x7FFFFFFF  }
tec
execute0_lowered:
.L_overlay_start_1:
0x0: {  	(tag) =	ssettag $0x1  }
0x1: {  	s1 =	srdreg.scid;
	s0 =	stileid.u32  }
0x2: {  	s4 =	rddreg [dreg:$0x0];
	s2 =	simm.s32 $0x0;
	s10 =	simm.s32 $0x1  }
0x3: {  	s11 =	simm.s32 $0x1BD0;
	s12 =	simm.s32 $0x23A0;
	s13 =	simm.s32 $0x2B70  }
0x4: {  	s14 =	simm.s32 $0x3340;
	s15 =	simm.s32 $0x3B10;
	s16 =	simm.s32 $0x42E0  }
0x5: {  	s17 =	simm.s32 $0x4AB0;
	s3 =	sand.u32 $0x1, s1;
	s1 =	rddreg [dreg:$0x1]  }
0x6: {  	s18 =	simm.s32 $0x0;
	s30 =	sshll.u32 s0, $0x1;
	[smem:$0x7FF] =	sst s2  }
0x7: {  	s6 =	smul.u32 $0x4E20, s0;
	s5 =	sor.u32 s3, s30;
	_ =	strace $0x8000004D  }
0x8: {  	s7 =	ssub.s32 $0x2, s3;
	s8 =	smul.u32 $0x2710, s3;
	s3 =	sadd.s32 $0x4800, s4  }
0x9: {  	s5 =	smul.u32 $0x280, s5;
	s6 =	sadd.s32 s6, s4;
	s9 =	sshrl.u32 s7, $0x1  }
0xa: {  	s31 =	ssub.s32 s7, s9;
	s6 =	sadd.s32 s8, s6;
	s7 =	simm.s32 $0x2  }
0xb: {  	s8 =	simm.s32 $0x7D;
	s9 =	simm.s32 $0x1400;
	s4 =	sadd.s32 s5, s4  }
0xc: {  	s5 =	smax.u32 s31, $0x1;
	s6 =	sadd.s32 $0x3A800, s6;
	s4 =	sadd.s32 $0x35800, s4  }
.LBB2_1:
0xd: {  	[tilespmem:s2], [sflag:$0x2] =	stream.linear.gather [hbm4b:s4+s2], $0x1400, $0x38;
	[tilespmem:$0x5280] =	vst v63  }
0xe: {  	_ =	swait.ge [sflag:s7], $0x1400  }
0xf: {  	[sflag:s7] =	ssyncset.done $0x0  }
0x10: {  	s19 =	simm.s32 $0x0;
	[sflag:s7] =	ssyncadd.s32 $0xFFFFEC00  }
0x11: {  	[tilespmem:s9], [sflag:$0x1] =	stream.indirect.gather [hbm4b:s3+s8], $0x10, s19, s8, $0xb8;
	[tilespmem:$0x5280] =	vst v63  }
0x12: {  	_ =	swait.ge [sflag:s10], $0x7D0  }
0x13: {  	[sflag:s10] =	ssyncset.done $0x0  }
0x14: {  	s24 =	simm.s32 $0x80;
	[sflag:s10] =	ssyncadd.s32 $0xFFFFF830  }
0x15: {  	[tilespmem:s11], [sflag:$0x1] =	stream.indirect.gather [hbm4b:s3+s8], $0x10, s24, s8, $0xb8;
	[tilespmem:$0x5280] =	vst v63  }
0x16: {  	_ =	swait.ge [sflag:s10], $0x7D0  }
0x17: {  	[sflag:s10] =	ssyncset.done $0x0  }
0x18: {  	s25 =	simm.s32 $0x100;
	[sflag:s10] =	ssyncadd.s32 $0xFFFFF830  }
0x19: {  	[tilespmem:s12], [sflag:$0x1] =	stream.indirect.gather [hbm4b:s3+s8], $0x10, s25, s8, $0xb8;
	[tilespmem:$0x5280] =	vst v63  }
0x1a: {  	_ =	swait.ge [sflag:s10], $0x7D0  }
0x1b: {  	[sflag:s10] =	ssyncset.done $0x0  }
0x1c: {  	s26 =	simm.s32 $0x180;
	[sflag:s10] =	ssyncadd.s32 $0xFFFFF830  }
0x1d: {  	[tilespmem:s13], [sflag:$0x1] =	stream.indirect.gather [hbm4b:s3+s8], $0x10, s26, s8, $0xb8;
	[tilespmem:$0x5280] =	vst v63  }
0x1e: {  	_ =	swait.ge [sflag:s10], $0x7D0  }
0x1f: {  	[sflag:s10] =	ssyncset.done $0x0  }
0x20: {  	s28 =	simm.s32 $0x200;
	[sflag:s10] =	ssyncadd.s32 $0xFFFFF830  }
0x21: {  	[tilespmem:s14], [sflag:$0x1] =	stream.indirect.gather [hbm4b:s3+s8], $0x10, s28, s8, $0xb8;
	[tilespmem:$0x5280] =	vst v63  }
0x22: {  	_ =	swait.ge [sflag:s10], $0x7D0  }
0x23: {  	[sflag:s10] =	ssyncset.done $0x0  }
0x24: {  	s29 =	simm.s32 $0x280;
	[sflag:s10] =	ssyncadd.s32 $0xFFFFF830  }
0x25: {  	[tilespmem:s15], [sflag:$0x1] =	stream.indirect.gather [hbm4b:s3+s8], $0x10, s29, s8, $0xb8;
	[tilespmem:$0x5280] =	vst v63  }
0x26: {  	_ =	swait.ge [sflag:s10], $0x7D0  }
0x27: {  	[sflag:s10] =	ssyncset.done $0x0  }
0x28: {  	s30 =	simm.s32 $0x300;
	[sflag:s10] =	ssyncadd.s32 $0xFFFFF830  }
0x29: {  	[tilespmem:s16], [sflag:$0x1] =	stream.indirect.gather [hbm4b:s3+s8], $0x10, s30, s8, $0xb8;
	[tilespmem:$0x5280] =	vst v63  }
0x2a: {  	_ =	swait.ge [sflag:s10], $0x7D0  }
0x2b: {  	[sflag:s10] =	ssyncset.done $0x0  }
0x2c: {  	s31 =	simm.s32 $0x380;
	[sflag:s10] =	ssyncadd.s32 $0xFFFFF830  }
0x2d: {  	[tilespmem:s17], [sflag:$0x1] =	stream.indirect.gather [hbm4b:s3+s8], $0x10, s31, s8, $0xb8;
	[tilespmem:$0x5280] =	vst v63  }
0x2e: {  	_ =	swait.ge [sflag:s10], $0x7D0  }
0x2f: {  	[sflag:s10] =	ssyncset.done $0x0  }
0x30: {  	[sflag:s10] =	ssyncadd.s32 $0xFFFFF830  }
0x31: {  	[hbm4b:s6+s2] =	stream.linear.scatter [tilespmem:s9], [sflag:$0x2], $0x3E80, $0x38;
	[tilespmem:$0x5280] =	vst v63  }
0x32: {  	s20 =	simm.s32 $0x1000;
	_ =	swait.ge [sflag:s7], $0x3E80  }
0x33: {  	s23 =	simm.s32 $0x2000;
	s19 =	sadd.s32 $0x7D0, s6;
	[sflag:s7] =	ssyncset.done $0x0  }
.LBB2_2:
0x34: {  	s22 =	sshra.s32 s20, $0x2  }
0x35: {  	[sflag:s7] =	ssyncadd.s32 $0xFFFFC180;
	s20 =	smov.u32 s23;
	s21 =	sadd.s32 $0x1000, s23  }
0x36: {  	[tilespmem:s9], [sflag:$0x1] =	stream.indirect.gather [hbm4b:s3+s8], $0x10, s22, s8, $0xb8;
	[tilespmem:$0x5280] =	vst v63  }
0x37: {  	p0 =	sne.s32 s23, $0x4000;
	_ =	swait.ge [sflag:s10], $0x7D0  }
0x38: {  	[sflag:s10] =	ssyncset.done $0x0  }
0x39: {  	s23 =	sadd.s32 $0x80, s22;
	[sflag:s10] =	ssyncadd.s32 $0xFFFFF830  }
0x3a: {  	[tilespmem:s11], [sflag:$0x1] =	stream.indirect.gather [hbm4b:s3+s8], $0x10, s23, s8, $0xb8;
	[tilespmem:$0x5280] =	vst v63  }
0x3b: {  	_ =	swait.ge [sflag:s10], $0x7D0  }
0x3c: {  	[sflag:s10] =	ssyncset.done $0x0  }
0x3d: {  	s23 =	sadd.s32 $0x100, s22;
	[sflag:s10] =	ssyncadd.s32 $0xFFFFF830  }
0x3e: {  	[tilespmem:s12], [sflag:$0x1] =	stream.indirect.gather [hbm4b:s3+s8], $0x10, s23, s8, $0xb8;
	[tilespmem:$0x5280] =	vst v63  }
0x3f: {  	_ =	swait.ge [sflag:s10], $0x7D0  }
0x40: {  	[sflag:s10] =	ssyncset.done $0x0  }
0x41: {  	s23 =	sadd.s32 $0x180, s22;
	[sflag:s10] =	ssyncadd.s32 $0xFFFFF830  }
0x42: {  	[tilespmem:s13], [sflag:$0x1] =	stream.indirect.gather [hbm4b:s3+s8], $0x10, s23, s8, $0xb8;
	[tilespmem:$0x5280] =	vst v63  }
0x43: {  	_ =	swait.ge [sflag:s10], $0x7D0  }
0x44: {  	[sflag:s10] =	ssyncset.done $0x0  }
0x45: {  	s23 =	sadd.s32 $0x200, s22;
	[sflag:s10] =	ssyncadd.s32 $0xFFFFF830  }
0x46: {  	[tilespmem:s14], [sflag:$0x1] =	stream.indirect.gather [hbm4b:s3+s8], $0x10, s23, s8, $0xb8;
	[tilespmem:$0x5280] =	vst v63  }
0x47: {  	_ =	swait.ge [sflag:s10], $0x7D0  }
0x48: {  	[sflag:s10] =	ssyncset.done $0x0  }
0x49: {  	s23 =	sadd.s32 $0x280, s22;
	[sflag:s10] =	ssyncadd.s32 $0xFFFFF830  }
0x4a: {  	[tilespmem:s15], [sflag:$0x1] =	stream.indirect.gather [hbm4b:s3+s8], $0x10, s23, s8, $0xb8;
	[tilespmem:$0x5280] =	vst v63  }
0x4b: {  	_ =	swait.ge [sflag:s10], $0x7D0  }
0x4c: {  	[sflag:s10] =	ssyncset.done $0x0  }
0x4d: {  	s23 =	sadd.s32 $0x300, s22;
	[sflag:s10] =	ssyncadd.s32 $0xFFFFF830  }
0x4e: {  	[tilespmem:s16], [sflag:$0x1] =	stream.indirect.gather [hbm4b:s3+s8], $0x10, s23, s8, $0xb8;
	[tilespmem:$0x5280] =	vst v63  }
0x4f: {  	_ =	swait.ge [sflag:s10], $0x7D0  }
0x50: {  	[sflag:s10] =	ssyncset.done $0x0  }
0x51: {  	s22 =	sadd.s32 $0x380, s22;
	[sflag:s10] =	ssyncadd.s32 $0xFFFFF830  }
0x52: {  	[tilespmem:s17], [sflag:$0x1] =	stream.indirect.gather [hbm4b:s3+s8], $0x10, s22, s8, $0xb8;
	[tilespmem:$0x5280] =	vst v63  }
0x53: {  	_ =	swait.ge [sflag:s10], $0x7D0  }
.Ltmp0:
0x54: {  	[sflag:s10] =	ssyncset.done $0x0;
	(pc) =	sbr.rel @p0 .LBB2_2-.Ltmp0, $4  }
0x55: {  	[sflag:s10] =	ssyncadd.s32 $0xFFFFF830  }
0x56: {  	[hbm4b:s19+s2] =	stream.linear.scatter [tilespmem:s9], [sflag:$0x2], $0x3E80, $0x38;
	[tilespmem:$0x5280] =	vst v63  }
0x57: {  	_ =	swait.ge [sflag:s7], $0x3E80  }
0x58: {  	s23 =	smov.u32 s21;
	s19 =	sadd.s32 $0x7D0, s19;
	[sflag:s7] =	ssyncset.done $0x0  }
0x59: {  	s20 =	sshra.s32 s20, $0x2;
	[sflag:s7] =	ssyncadd.s32 $0xFFFFC180  }
0x5a: {  	[tilespmem:s9], [sflag:$0x1] =	stream.indirect.gather [hbm4b:s3+s8], $0x10, s20, s8, $0xb8;
	[tilespmem:$0x5280] =	vst v63  }
0x5b: {  	_ =	swait.ge [sflag:s10], $0x7D0  }
0x5c: {  	[sflag:s10] =	ssyncset.done $0x0  }
0x5d: {  	s21 =	sadd.s32 $0x80, s20;
	[sflag:s10] =	ssyncadd.s32 $0xFFFFF830  }
0x5e: {  	[tilespmem:s11], [sflag:$0x1] =	stream.indirect.gather [hbm4b:s3+s8], $0x10, s21, s8, $0xb8;
	[tilespmem:$0x5280] =	vst v63  }
0x5f: {  	_ =	swait.ge [sflag:s10], $0x7D0  }
0x60: {  	[sflag:s10] =	ssyncset.done $0x0  }
0x61: {  	s26 =	sadd.s32 $0x100, s20;
	[sflag:s10] =	ssyncadd.s32 $0xFFFFF830  }
0x62: {  	[tilespmem:s12], [sflag:$0x1] =	stream.indirect.gather [hbm4b:s3+s8], $0x10, s26, s8, $0xb8;
	[tilespmem:$0x5280] =	vst v63  }
0x63: {  	_ =	swait.ge [sflag:s10], $0x7D0  }
0x64: {  	[sflag:s10] =	ssyncset.done $0x0  }
0x65: {  	s28 =	sadd.s32 $0x180, s20;
	[sflag:s10] =	ssyncadd.s32 $0xFFFFF830  }
0x66: {  	[tilespmem:s13], [sflag:$0x1] =	stream.indirect.gather [hbm4b:s3+s8], $0x10, s28, s8, $0xb8;
	[tilespmem:$0x5280] =	vst v63  }
0x67: {  	_ =	swait.ge [sflag:s10], $0x7D0  }
0x68: {  	[sflag:s10] =	ssyncset.done $0x0  }
0x69: {  	s29 =	sadd.s32 $0x200, s20;
	[sflag:s10] =	ssyncadd.s32 $0xFFFFF830  }
0x6a: {  	[tilespmem:s14], [sflag:$0x1] =	stream.indirect.gather [hbm4b:s3+s8], $0x10, s29, s8, $0xb8;
	[tilespmem:$0x5280] =	vst v63  }
0x6b: {  	_ =	swait.ge [sflag:s10], $0x7D0  }
0x6c: {  	[sflag:s10] =	ssyncset.done $0x0  }
0x6d: {  	s30 =	sadd.s32 $0x280, s20;
	[sflag:s10] =	ssyncadd.s32 $0xFFFFF830  }
0x6e: {  	[tilespmem:s15], [sflag:$0x1] =	stream.indirect.gather [hbm4b:s3+s8], $0x10, s30, s8, $0xb8;
	[tilespmem:$0x5280] =	vst v63  }
0x6f: {  	_ =	swait.ge [sflag:s10], $0x7D0  }
0x70: {  	[sflag:s10] =	ssyncset.done $0x0  }
0x71: {  	s31 =	sadd.s32 $0x300, s20;
	[sflag:s10] =	ssyncadd.s32 $0xFFFFF830  }
0x72: {  	[tilespmem:s16], [sflag:$0x1] =	stream.indirect.gather [hbm4b:s3+s8], $0x10, s31, s8, $0xb8;
	[tilespmem:$0x5280] =	vst v63  }
0x73: {  	_ =	swait.ge [sflag:s10], $0x7D0  }
0x74: {  	[sflag:s10] =	ssyncset.done $0x0  }
0x75: {  	s20 =	sadd.s32 $0x380, s20;
	[sflag:s10] =	ssyncadd.s32 $0xFFFFF830  }
0x76: {  	[tilespmem:s17], [sflag:$0x1] =	stream.indirect.gather [hbm4b:s3+s8], $0x10, s20, s8, $0xb8;
	[tilespmem:$0x5280] =	vst v63  }
0x77: {  	s18 =	sadd.s32 $0x1, s18;
	_ =	swait.ge [sflag:s10], $0x7D0  }
0x78: {  	p0 =	sne.s32 s18, s5;
	[sflag:s10] =	ssyncset.done $0x0  }
.Ltmp1:
0x79: {  	[sflag:s10] =	ssyncadd.s32 $0xFFFFF830;
	(pc) =	sbr.rel @p0 .LBB2_1-.Ltmp1, $4  }
0x7a: {  	[hbm4b:s19+s2] =	stream.linear.scatter [tilespmem:s9], [sflag:$0x2], $0x3E80, $0x38;
	[tilespmem:$0x5280] =	vst v63  }
0x7b: {  	_ =	swait.ge [sflag:s7], $0x3E80  }
0x7c: {  	[sflag:s7] =	ssyncset.done $0x0  }
0x7d: {  	[sflag:s7] =	ssyncadd.s32 $0xFFFFC180  }
0x7e: {  	_ =	sfence.sel $0x180000  }
0x7f: {  	[bflag:$0x0] =	sbarrier.arrive $0xFFFF  }
0x80: {  	p0 =	sne.s32 s0, $0x0;
	_ =	strace $0x9000004D  }
0x81: {  	s0 =	sadd.s32 @!p0 $0x100000, s1;
	[bflag:$0x2] =	sbarrier.arrive $0xFFFF  }
0x82: {  	[sflag:s0] =	ssyncadd.tile.s32 @!p0 $0x1;
	_ =	shalt  }
.Lfunc_end2:
_tile_overlayer_lowered:
.L_overlay_start_2:
0x83: {  	(tag) =	ssettag $0x2  }
0x84: {  	s0 =	rddreg [dreg:$0x0];
	s2 =	stileid.u32  }
0x85: {  	s1 =	rddreg [dreg:$0x1];
	p0 =	sne.s32 s2, $0x0  }
0x86: {  	s3 =	rddreg [dreg:$0x2];
	[bflag:$0x3] =	sbarrier.arrive $0xFFFF;
	s2 =	simm.s32 @!p0 $0x1C02  }
0x87: {  	[timem:s3], [sflag:s2] =	dma.local @!p0 [hbm:s0], s1  }
0x88: {  	s0 =	simm.s32 @!p0 $0x2  }
0x89: {  	_ =	swait.ge @!p0 [sflag:s0], s1  }
0x8a: {  	s1 =	ssub.s32 @!p0 $0x0, s1;
	[sflag:s0] =	ssyncset.done @!p0 $0x0  }
0x8b: {  	[sflag:s0] =	ssyncadd.s32 @!p0 s1  }
0x8c: {  	[bflag:$0x3] =	sbarrier.arrive $0xFFFF  }
0x8d: {  	_ =	shalt  }

// kernel: kernel.23.cloned.1.call-start
scs
__scs_entry_jumppad:
0x0: {  	(pc) =	sbr.rel $0x88, $3  }
0x1: {  	(tag) =	ssettag $0x0;
	lr =	simm.s32 $0x1  }
0x2: {  	[smem:$0x3F87] =	sst lr;
	_ =	strace $0xD0000000  }
0x3: {  	_ = 	snop  }
0x4: {  	_ = 	snop  }
0x5: {  	_ = 	snop  }
0x6: {  	_ = 	snop  }
0x7: {  	_ = 	snop  }
__scs_overlays_trampoline_lowered:
0x8: {  	[smem:$0x3F96] =	sst s0  }
0x9: {  	[smem:$0x3F97] =	sst s1  }
0xa: {  	[smem:$0x3F98] =	sst s2  }
0xb: {  	[smem:$0x3F99] =	sst s3  }
0xc: {  	[smem:$0x3F9A] =	sst s4  }
0xd: {  	[smem:$0x3F9B] =	sst s5  }
0xe: {  	[smem:$0x3F9C] =	sst s6  }
0xf: {  	[smem:$0x3F9D] =	sst s7  }
0x10: {  	[smem:$0x3F9E] =	sst s8  }
0x11: {  	[smem:$0x3F9F] =	sst s9;
	s0 =	simm.s32 @!p0 $0x0  }
0x12: {  	s1 =	sld [smem:$0x3F85];
	s0 =	simm.s32 @p0 $0x1  }
0x13: {  	[smem:$0x3FA0] =	sst s0;
	s0 =	simm.s32 @!p1 $0x0  }
0x14: {  	s2 =	sld [smem:$0x3F84];
	s0 =	simm.s32 @p1 $0x1  }
0x15: {  	[smem:$0x3FA1] =	sst s0;
	s0 =	simm.s32 @!p2 $0x0  }
0x16: {  	s3 =	sld [smem:$0x3FDB];
	s0 =	simm.s32 @p2 $0x1  }
0x17: {  	s4 =	simm.s32 $0x1BF5;
	[smem:$0x3FA3] =	sst s0  }
0x18: {  	s0 =	sld [smem:$0x3F86];
	_ =	swait.ge [sflag:s4], $0x0  }
0x19: {  	s7 =	sld [smem:$0x3F87]  }
0x1a: {  	s8 =	sadd.s32 $0xFFFFE003, lr  }
0x1b: {  	s9 =	sadd.s32 $0xFFFFFEF7, lr;
	s5 =	simm.s32 $0xFFFFFFFF;
	p2 =	slt.u32 s8, $0xFFFFF086  }
0x1c: {  	p1 =	slt.u32 s9, $0xF7A;
	s5 =	simm.s32 @!p2 $0x0  }
0x1d: {  	s5 =	simm.s32 @p1 $0x1;
	p0 =	seq.s32 s7, s2  }
0x1e: {  	s7 =	smul.u32 @!p0 $0xF7A, s2;
	p2 =	seq.s32 @!p0 s5, $0x0  }
0x1f: {  	s9 =	smul.u32 $0xF7A, s1;
	s8 =	simm.s32 @!p0 $0x1BF5;
	p2 =	por !p2, p0  }
0x20: {  	[sflag:s8] =	ssyncset.s32 @!p0 $0xFFFFF086;
	s6 =	sadd.s32 @!p0 s3, s7;
	s7 =	simm.s32 @!p0 $0x108  }
0x21: {  	s3 =	sadd.s32 s3, s9;
	s6 =	sadd.s32 @!p0 $0x88, s6;
	s7 =	simm.s32 @p2 $0x1082  }
0x22: {  	[simem:s7], [sflag:s8] =	dma.local @!p0 [hbm:s6], $0xF7A  }
0x23: {  	s9 =	sor.u32 $0xD0000000, s2;
	s6 =	simm.s32 $0x108;
	_ =	swait.ge @!p0 [sflag:s8], $0x0  }
0x24: {  	s3 =	sadd.s32 $0x88, s3;
	s6 =	simm.s32 @!p1 $0x1082;
	[sflag:s4] =	ssyncset.s32 $0xFFFFF086  }
0x25: {  	[simem:s6], [sflag:s4] =	dma.local [hbm:s3], $0xF7A  }
0x26: {  	[smem:$0x3F87] =	sst s1;
	(tag) =	ssettag s2;
	_ =	strace s9  }
0x27: {  	s1 =	sld [smem:$0x3F97]  }
0x28: {  	s2 =	sld [smem:$0x3F98]  }
0x29: {  	s4 =	sld [smem:$0x3F9A]  }
0x2a: {  	p0 =	seq.s32 s5, $0x0;
	s5 =	sld [smem:$0x3F9B]  }
0x2b: {  	s6 =	sld [smem:$0x3F9C]  }
0x2c: {  	s7 =	sld [smem:$0x3F9D]  }
0x2d: {  	s3 =	simm.s32 $0x108;
	s8 =	sld [smem:$0x3F9E]  }
0x2e: {  	s3 =	simm.s32 @!p0 $0x1082;
	s9 =	sld [smem:$0x3F9F]  }
0x2f: {  	lr =	sadd.s32 s0, s3;
	s0 =	sld [smem:$0x3F96]  }
0x30: {  	s3 =	sld [smem:$0x3F99]  }
0x31: {  	[smem:$0x3FA2] =	sst s10  }
0x32: {  	s10 =	sld [smem:$0x3FA0];
	_ =	sdelay $0x3  }
0x33: {  	p0 =	seq.s32 s10, $0x1;
	s10 =	sld [smem:$0x3FA2];
	_ =	sdelay $0x3  }
0x34: {  	[smem:$0x3FA2] =	sst s10  }
0x35: {  	s10 =	sld [smem:$0x3FA1];
	_ =	sdelay $0x3  }
0x36: {  	p1 =	seq.s32 s10, $0x1;
	s10 =	sld [smem:$0x3FA2];
	_ =	sdelay $0x3  }
0x37: {  	[smem:$0x3FA2] =	sst s10  }
0x38: {  	s10 =	sld [smem:$0x3FA3]  }
0x39: {  	_ = 	snop;
	(pc) =	sbr.ind lr, $3  }
0x3a: {  	_ = 	snop  }
0x3b: {  	_ = 	snop  }
0x3c: {  	p2 =	seq.s32 s10, $0x1;
	s10 =	sld [smem:$0x3FA2]  }
0x3d: {  	_ =	shalt  }
0x3e: {  	_ =	shalt  }
0x3f: {  	_ =	shalt  }
0x40: {  	_ =	shalt  }
0x41: {  	_ =	shalt  }
0x42: {  	_ =	shalt  }
0x43: {  	_ =	shalt  }
0x44: {  	_ =	shalt  }
0x45: {  	_ =	shalt  }
0x46: {  	_ =	shalt  }
0x47: {  	_ =	shalt  }
0x48: {  	_ =	shalt  }
0x49: {  	_ =	shalt  }
0x4a: {  	_ =	shalt  }
0x4b: {  	_ =	shalt  }
0x4c: {  	_ =	shalt  }
0x4d: {  	_ =	shalt  }
0x4e: {  	_ =	shalt  }
0x4f: {  	_ =	shalt  }
0x50: {  	_ =	shalt  }
0x51: {  	_ =	shalt  }
0x52: {  	_ =	shalt  }
0x53: {  	_ =	shalt  }
0x54: {  	_ =	shalt  }
0x55: {  	_ =	shalt  }
0x56: {  	_ =	shalt  }
0x57: {  	_ =	shalt  }
0x58: {  	_ =	shalt  }
0x59: {  	_ =	shalt  }
0x5a: {  	_ =	shalt  }
0x5b: {  	_ =	shalt  }
0x5c: {  	_ =	shalt  }
0x5d: {  	_ =	shalt  }
0x5e: {  	_ =	shalt  }
0x5f: {  	_ =	shalt  }
0x60: {  	_ =	shalt  }
0x61: {  	_ =	shalt  }
0x62: {  	_ =	shalt  }
0x63: {  	_ =	shalt  }
0x64: {  	_ =	shalt  }
0x65: {  	_ =	shalt  }
0x66: {  	_ =	shalt  }
0x67: {  	_ =	shalt  }
0x68: {  	_ =	shalt  }
0x69: {  	_ =	shalt  }
0x6a: {  	_ =	shalt  }
0x6b: {  	_ =	shalt  }
0x6c: {  	_ =	shalt  }
0x6d: {  	_ =	shalt  }
0x6e: {  	_ =	shalt  }
0x6f: {  	_ =	shalt  }
0x70: {  	_ =	shalt  }
0x71: {  	_ =	shalt  }
0x72: {  	_ =	shalt  }
0x73: {  	_ =	shalt  }
0x74: {  	_ =	shalt  }
0x75: {  	_ =	shalt  }
0x76: {  	_ =	shalt  }
0x77: {  	_ =	shalt  }
0x78: {  	_ =	shalt  }
0x79: {  	_ =	shalt  }
0x7a: {  	_ =	shalt  }
0x7b: {  	_ =	shalt  }
0x7c: {  	_ =	shalt  }
0x7d: {  	_ =	shalt  }
0x7e: {  	_ =	shalt  }
0x7f: {  	_ =	shalt  }
0x80: {  	_ =	shalt  }
0x81: {  	_ =	shalt  }
0x82: {  	_ =	shalt  }
0x83: {  	_ =	shalt  }
0x84: {  	_ =	shalt  }
0x85: {  	_ =	shalt  }
0x86: {  	_ =	shalt  }
0x87: {  	_ =	shalt  }
.Lfunc_end0:
.L_simem_size_0:
called_computation.3_lowered:
.L_overlay_start_0:
0x88: {  	s2 =	sld [smem:$0x3FD9]  }
0x89: {  	s3 =	sld [smem:$0x3FFE];
	_ =	sdelay $0x1  }
0x8a: {  	s1 =	srdreg.scid  }
0x8b: {  	s0 =	sand.u32 $0x1, s1  }
0x8c: {  	s16 =	sshll.u32 s0, $0xA;
	s2 =	sadd.s32 s3, s2  }
0x8d: {  	s2 =	sadd.s32 s2, s16  }
0x8e: {  	[smem:$0x3FAE] =	sst s2  }
0x8f: {  	_ = 	snop  }
0x90: {  	(tm) =	ssettm $0x1  }
0x91: {  	s17 =	sld [smem:$0x3FFB];
	_ =	sdelay $0x3  }
0x92: {  	_ =	strace s17  }
0x93: {  	s2 =	sld [smem:$0x3FFC];
	_ =	sdelay $0x3  }
0x94: {  	_ =	strace s2  }
0x95: {  	s2 =	sld [smem:$0x3FFD];
	_ =	sdelay $0x3  }
0x96: {  	_ =	strace s2  }
0x97: {  	_ =	strace $0x8FFFFFFF  }
0x98: {  	s18 =	sld [smem:$0x3FDB];
	_ =	sdelay $0x1  }
0x99: {  	s19 =	simm.s32 $_scs_section_size  }
0x9a: {  	s4 =	simm.s32 $_size__tile_overlayer_lowered;
	s5 =	simm.s32 $_tile_overlayer_lowered  }
0x9b: {  	s22 =	simm.s32 $0x1BFF;
	s21 =	sshll.u32 s5, $0x1;
	s2 =	sadd.s32 s19, s18  }
0x9c: {  	s6 =	simm.s32 $0x0;
	s20 =	sshll.u32 s4, $0x1;
	s4 =	sadd.s32 s21, s2  }
0x9d: {  	[timem:s6], [sflag:s22] =	dma.local [hbm:s4], s20  }
0x9e: {  	_ =	swait.ge [sflag:s22], s20  }
0x9f: {  	s3 =	ssub.s32 $0x0, s20;
	[sflag:s22] =	ssyncset.done $0x0  }
0xa0: {  	[sflag:s22] =	ssyncadd.s32 s3;
	_ =	sdelay $0x1  }
0xa1: {  	s23 =	simm.s32 $0x1B8B  }
0xa2: {  	_ =	swait.ge [sflag:s23], $0x1  }
0xa3: {  	[sflag:s23] =	ssyncset.done $0x0  }
0xa4: {  	s25 =	simm.s32 $0x1B8E;
	s24 =	sld [smem:$0x3FFE];
	[sflag:s23] =	ssyncadd.s32 $0xFFFFFFFF  }
0xa5: {  	s26 =	simm.s32 $execute0_lowered;
	[smem:$0x3FD2] =	sst s25  }
0xa6: {  	s4 =	sshll.u32 s26, $0x1;
	_ =	strace $0x8000004F;
	[dreg:$0x1] =	wrdreg $0xFFFFFFFF  }
0xa7: {  	s28 =	simm.s32 $_size_execute0_lowered;
	s2 =	sadd.s32 s2, s4;
	[dreg:$0x0] =	wrdreg $0x0  }
0xa8: {  	s4 =	sshll.u32 s28, $0x1;
	[dreg:$0x2] =	wrdreg s2  }
0xa9: {  	[dreg:$0x3] =	wrdreg s4  }
0xaa: {  	[dreg:$0x4] =	wrdreg $0xC0  }
0xab: {  	_ =	task [dreg:s6], $0x5FFFF  }
0xac: {  	[dreg:$0x1] =	wrdreg $0xFFFFFFFF  }
0xad: {  	[dreg:$0x0] =	wrdreg $0x60  }
0xae: {  	[dreg:$0x2] =	wrdreg s24  }
0xaf: {  	[dreg:$0x3] =	wrdreg $0x14C800  }
0xb0: {  	[dreg:$0x4] =	wrdreg $0x9  }
0xb1: {  	_ =	task.clear_ibuf [dreg:s6], $0x5FFFF;
	_ =	strace $0x9000004F  }
0xb2: {  	s29 =	simm.s32 $0x9;
	_ =	strace $0x80000051  }
0xb3: {  	_ =	swait.ge [sflag:s29], $0x1  }
0xb4: {  	[sflag:s29] =	ssyncadd.s32 $0xFFFFFFFF  }
0xb5: {  	_ =	strace $0x90000051  }
0xb6: {  	_ =	sfence  }
0xb7: {  	s30 =	sld [smem:$0x0];
	_ =	sdelay $0x2  }
0xb8: {  	s31 =	sshll.u32 s1, $0xD;
	s1 =	sshrl.u32 s1, $0x2  }
0xb9: {  	s3 =	sand.u32 $0x4000, s31;
	s1 =	sadd.s32 s1, s30  }
0xba: {  	s0 =	sor.u32 s3, s0;
	s1 =	sshll.u32 s1, $0x11  }
0xbb: {  	s0 =	sor.u32 s1, s0  }
0xbc: {  	s0 =	sadd.s32 $0x8F2B, s0  }
0xbd: {  	[sflag:s0] =	ssyncadd.remote.s32 $0x1  }
0xbe: {  	_ =	sfence.sel $0xFFFF  }
0xbf: {  	[dreg:$0x0] =	wrdreg $0xFFFFFFFF;
	(pc) =	sbr.abs _section_cstart, $3  }
0xc0: {  	[dreg:$0x1] =	wrdreg $0xFFFFFFFF  }
0xc1: {  	_ =	task.clear_ibuf [dreg:s6], $0x2FFFF;
	_ =	strace $0x9FFFFFFF  }
0xc2: {  	(tm) =	ssettm $0x7FFFFFFF  }
0xc3: {  	_ =	shalt  }
tec
execute0_lowered:
.L_overlay_start_1:
0x0: {  	(tag) =	ssettag $0x1  }
0x1: {  	s1 =	srdreg.scid;
	s5 =	rddreg [dreg:$0x0]  }
0x2: {  	s0 =	stileid.u32;
	s2 =	rddreg [dreg:$0x1]  }
0x3: {  	s3 =	simm.s32 $0x0;
	s11 =	simm.s32 $0x1400;
	s9 =	smul.u32 $0x2710, s0  }
0x4: {  	s4 =	sand.u32 $0x1, s1;
	s29 =	sshll.u32 s0, $0x1;
	s30 =	smul.u32 $0x9C40, s0  }
0x5: {  	s1 =	rddreg [dreg:$0x2];
	s6 =	sor.u32 s4, s29;
	s8 =	smul.u32 $0x27100, s4  }
0x6: {  	s12 =	simm.s32 $0x0;
	[smem:$0x7FF] =	sst s3;
	s7 =	smul.u32 $0x2710, s6  }
0x7: {  	_ =	strace $0x80000050;
	s4 =	ssub.s32 $0x2, s4;
	s6 =	smul.u32 $0x280, s6  }
0x8: {  	s10 =	sshrl.u32 s4, $0x1;
	s31 =	sshrl.u32 s30, $0x2;
	s8 =	sadd.s32 s9, s8  }
0x9: {  	s10 =	ssub.s32 s4, s10;
	s4 =	sadd.s32 s31, s2;
	s9 =	simm.s32 $0x1  }
0xa: {  	s7 =	sadd.s32 s7, s5;
	s6 =	sadd.s32 s6, s5;
	s8 =	sshrl.u32 s8, $0x3  }
0xb: {  	s8 =	sadd.s32 s8, s5;
	s5 =	sadd.s32 $0x347C00, s6;
	s6 =	sadd.s32 $0x3A800, s7  }
0xc: {  	v0 =	vimm.f32 $0.0e+00;
	s7 =	sadd.s32 $0x4800, s8;
	s8 =	smax.u32 s10, $0x1;
	s10 =	simm.s32 $0x7D  }
.LBB2_1:
0xd: {  	s13 =	simm.s32 $0x40;
	s14 =	simm.s32 $0x0  }
.LBB2_2:
0xe: {  	p0 =	sne.s32 s13, $0x9C00;
	[tilespmem:s14+$0x1400] =	vst v0;
	s14 =	smov.u32 s13;
	s13 =	sadd.s32 $0x40, s13  }
.Ltmp0:
0xf: {  	(pc) =	sbr.rel @p0 .LBB2_2-.Ltmp0, $2  }
0x10: {  	_ =	sdelay $0x2  }
0x11: {  	s14 =	sshra.s32 s14, $0x2  }
0x12: {  	[tilespmem:s14+$0x1400] =	vst v0;
	s13 =	simm.s32 $0x1400  }
0x13: {  	[spmem:s4] =	stream.linear.scatter [tilespmem:s13], [sflag:$0x1], $0x2710, $0x38;
	[tilespmem:$0x17390] =	vst v63  }
0x14: {  	_ =	swait.ge [sflag:s9], $0x2710  }
0x15: {  	[sflag:s9] =	ssyncset.done $0x0  }
0x16: {  	[sflag:s9] =	ssyncadd.s32 $0xFFFFD8F0  }
0x17: {  	s30 =	simm.s32 $0x0;
	[bflag:$0x0] =	sbarrier.arrive $0xFFFF  }
0x18: {  	[tilespmem:s30], [sflag:$0x1] =	stream.linear.gather [hbm4b:s5+s30], $0x1400, $0x38;
	[tilespmem:$0x17390] =	vst v63  }
0x19: {  	_ =	swait.ge [sflag:s9], $0x1400  }
0x1a: {  	[sflag:s9] =	ssyncset.done $0x0  }
0x1b: {  	[sflag:s9] =	ssyncadd.s32 $0xFFFFEC00  }
0x1c: {  	[tilespmem:s13], [sflag:$0x1] =	stream.linear.gather [hbm4b:s6+s30], $0x13880, $0x38;
	[tilespmem:$0x17390] =	vst v63  }
0x1d: {  	_ =	swait.ge [sflag:s9], $0x13880  }
0x1e: {  	[sflag:s9] =	ssyncset.done $0x0  }
0x1f: {  	s31 =	simm.s32 $0x0;
	[sflag:s9] =	ssyncadd.s32 $0xFFFEC780  }
0x20: {  	[spmem:s2] =	stream.indirect.scatter.add.f32 [tilespmem:s13], [sflag:$0x1], $0x10, s31, s10, $0xb8;
	[tilespmem:$0x17390] =	vst v63  }
0x21: {  	_ =	swait.ge [sflag:s9], $0x7D0  }
0x22: {  	s14 =	simm.s32 $0x200;
	[sflag:s9] =	ssyncset.done $0x0  }
.LBB2_4:
0x23: {  	s15 =	sshra.s32 s14, $0x2  }
0x24: {  	[sflag:s9] =	ssyncadd.s32 $0xFFFFF830;
	s13 =	sadd.s32 $0x7D0, s13;
	p0 =	sne.s32 s14, $0x4E00  }
0x25: {  	[spmem:s2] =	stream.indirect.scatter.add.f32 [tilespmem:s13], [sflag:$0x1], $0x10, s15, s10, $0xb8;
	[tilespmem:$0x17390] =	vst v63  }
.Ltmp1:
0x26: {  	_ = 	snop;
	(pc) =	sbr.rel @p0 .LBB2_4-.Ltmp1, $4  }
0x27: {  	_ = 	snop  }
0x28: {  	s14 =	sadd.s32 $0x200, s14  }
0x29: {  	_ =	swait.ge [sflag:s9], $0x7D0  }
0x2a: {  	[sflag:s9] =	ssyncset.done $0x0  }
0x2b: {  	[sflag:s9] =	ssyncadd.s32 $0xFFFFF830  }
0x2c: {  	[bflag:$0x0] =	sbarrier.arrive $0xFFFF  }
0x2d: {  	[tilespmem:s11], [sflag:$0x1] =	stream.linear.gather [spmem:s4], $0x2710, $0x38;
	[tilespmem:$0x17390] =	vst v63  }
0x2e: {  	s12 =	sadd.s32 $0x1, s12;
	_ =	swait.ge [sflag:s9], $0x2710  }
0x2f: {  	p0 =	sne.s32 s12, s8;
	[sflag:s9] =	ssyncset.done $0x0  }
.Ltmp2:
0x30: {  	[sflag:s9] =	ssyncadd.s32 $0xFFFFD8F0;
	(pc) =	sbr.rel @p0 .LBB2_1-.Ltmp2, $4  }
0x31: {  	[hbm4b:s7+s3] =	stream.linear.scatter [tilespmem:s11], [sflag:$0x1], $0x2710, $0x38;
	[tilespmem:$0x17390] =	vst v63  }
0x32: {  	_ =	swait.ge [sflag:s9], $0x2710  }
0x33: {  	[sflag:s9] =	ssyncset.done $0x0  }
0x34: {  	[sflag:s9] =	ssyncadd.s32 $0xFFFFD8F0  }
0x35: {  	_ =	sfence.sel $0x180000  }
0x36: {  	[bflag:$0x0] =	sbarrier.arrive $0xFFFF  }
0x37: {  	p0 =	sne.s32 s0, $0x0;
	_ =	strace $0x90000050  }
0x38: {  	s0 =	sadd.s32 @!p0 $0x100000, s1;
	[bflag:$0x2] =	sbarrier.arrive $0xFFFF  }
0x39: {  	[sflag:s0] =	ssyncadd.tile.s32 @!p0 $0x1;
	_ =	shalt  }
.Lfunc_end2:
_tile_overlayer_lowered:
.L_overlay_start_2:
0x3a: {  	(tag) =	ssettag $0x2  }
0x3b: {  	s0 =	rddreg [dreg:$0x0];
	s2 =	stileid.u32  }
0x3c: {  	s1 =	rddreg [dreg:$0x1];
	p0 =	sne.s32 s2, $0x0  }
0x3d: {  	s3 =	rddreg [dreg:$0x2];
	[bflag:$0x3] =	sbarrier.arrive $0xFFFF;
	s2 =	simm.s32 @!p0 $0x1C01  }
0x3e: {  	[timem:s3], [sflag:s2] =	dma.local @!p0 [hbm:s0], s1  }
0x3f: {  	s0 =	simm.s32 @!p0 $0x1  }
0x40: {  	_ =	swait.ge @!p0 [sflag:s0], s1  }
0x41: {  	s1 =	ssub.s32 @!p0 $0x0, s1;
	[sflag:s0] =	ssyncset.done @!p0 $0x0  }
0x42: {  	[sflag:s0] =	ssyncadd.s32 @!p0 s1  }
0x43: {  	[bflag:$0x3] =	sbarrier.arrive $0xFFFF  }
0x44: {  	_ =	shalt  }

// kernel: kernel.26.cloned.1.call-start
scs
__scs_entry_jumppad:
0x0: {  	(pc) =	sbr.rel $0x88, $3  }
0x1: {  	(tag) =	ssettag $0x0;
	lr =	simm.s32 $0x1  }
0x2: {  	[smem:$0x3F87] =	sst lr;
	_ =	strace $0xD0000000  }
0x3: {  	_ = 	snop  }
0x4: {  	_ = 	snop  }
0x5: {  	_ = 	snop  }
0x6: {  	_ = 	snop  }
0x7: {  	_ = 	snop  }
__scs_overlays_trampoline_lowered:
0x8: {  	[smem:$0x3F96] =	sst s0  }
0x9: {  	[smem:$0x3F97] =	sst s1  }
0xa: {  	[smem:$0x3F98] =	sst s2  }
0xb: {  	[smem:$0x3F99] =	sst s3  }
0xc: {  	[smem:$0x3F9A] =	sst s4  }
0xd: {  	[smem:$0x3F9B] =	sst s5  }
0xe: {  	[smem:$0x3F9C] =	sst s6  }
0xf: {  	[smem:$0x3F9D] =	sst s7  }
0x10: {  	[smem:$0x3F9E] =	sst s8  }
0x11: {  	[smem:$0x3F9F] =	sst s9;
	s0 =	simm.s32 @!p0 $0x0  }
0x12: {  	s1 =	sld [smem:$0x3F85];
	s0 =	simm.s32 @p0 $0x1  }
0x13: {  	[smem:$0x3FA0] =	sst s0;
	s0 =	simm.s32 @!p1 $0x0  }
0x14: {  	s2 =	sld [smem:$0x3F84];
	s0 =	simm.s32 @p1 $0x1  }
0x15: {  	[smem:$0x3FA1] =	sst s0;
	s0 =	simm.s32 @!p2 $0x0  }
0x16: {  	s3 =	sld [smem:$0x3FDB];
	s0 =	simm.s32 @p2 $0x1  }
0x17: {  	s4 =	simm.s32 $0x1BF5;
	[smem:$0x3FA3] =	sst s0  }
0x18: {  	s0 =	sld [smem:$0x3F86];
	_ =	swait.ge [sflag:s4], $0x0  }
0x19: {  	s7 =	sld [smem:$0x3F87]  }
0x1a: {  	s8 =	sadd.s32 $0xFFFFE003, lr  }
0x1b: {  	s9 =	sadd.s32 $0xFFFFFEF7, lr;
	s5 =	simm.s32 $0xFFFFFFFF;
	p2 =	slt.u32 s8, $0xFFFFF086  }
0x1c: {  	p1 =	slt.u32 s9, $0xF7A;
	s5 =	simm.s32 @!p2 $0x0  }
0x1d: {  	s5 =	simm.s32 @p1 $0x1;
	p0 =	seq.s32 s7, s2  }
0x1e: {  	s7 =	smul.u32 @!p0 $0xF7A, s2;
	p2 =	seq.s32 @!p0 s5, $0x0  }
0x1f: {  	s9 =	smul.u32 $0xF7A, s1;
	s8 =	simm.s32 @!p0 $0x1BF5;
	p2 =	por !p2, p0  }
0x20: {  	[sflag:s8] =	ssyncset.s32 @!p0 $0xFFFFF086;
	s6 =	sadd.s32 @!p0 s3, s7;
	s7 =	simm.s32 @!p0 $0x108  }
0x21: {  	s3 =	sadd.s32 s3, s9;
	s6 =	sadd.s32 @!p0 $0x88, s6;
	s7 =	simm.s32 @p2 $0x1082  }
0x22: {  	[simem:s7], [sflag:s8] =	dma.local @!p0 [hbm:s6], $0xF7A  }
0x23: {  	s9 =	sor.u32 $0xD0000000, s2;
	s6 =	simm.s32 $0x108;
	_ =	swait.ge @!p0 [sflag:s8], $0x0  }
0x24: {  	s3 =	sadd.s32 $0x88, s3;
	s6 =	simm.s32 @!p1 $0x1082;
	[sflag:s4] =	ssyncset.s32 $0xFFFFF086  }
0x25: {  	[simem:s6], [sflag:s4] =	dma.local [hbm:s3], $0xF7A  }
0x26: {  	[smem:$0x3F87] =	sst s1;
	(tag) =	ssettag s2;
	_ =	strace s9  }
0x27: {  	s1 =	sld [smem:$0x3F97]  }
0x28: {  	s2 =	sld [smem:$0x3F98]  }
0x29: {  	s4 =	sld [smem:$0x3F9A]  }
0x2a: {  	p0 =	seq.s32 s5, $0x0;
	s5 =	sld [smem:$0x3F9B]  }
0x2b: {  	s6 =	sld [smem:$0x3F9C]  }
0x2c: {  	s7 =	sld [smem:$0x3F9D]  }
0x2d: {  	s3 =	simm.s32 $0x108;
	s8 =	sld [smem:$0x3F9E]  }
0x2e: {  	s3 =	simm.s32 @!p0 $0x1082;
	s9 =	sld [smem:$0x3F9F]  }
0x2f: {  	lr =	sadd.s32 s0, s3;
	s0 =	sld [smem:$0x3F96]  }
0x30: {  	s3 =	sld [smem:$0x3F99]  }
0x31: {  	[smem:$0x3FA2] =	sst s10  }
0x32: {  	s10 =	sld [smem:$0x3FA0];
	_ =	sdelay $0x3  }
0x33: {  	p0 =	seq.s32 s10, $0x1;
	s10 =	sld [smem:$0x3FA2];
	_ =	sdelay $0x3  }
0x34: {  	[smem:$0x3FA2] =	sst s10  }
0x35: {  	s10 =	sld [smem:$0x3FA1];
	_ =	sdelay $0x3  }
0x36: {  	p1 =	seq.s32 s10, $0x1;
	s10 =	sld [smem:$0x3FA2];
	_ =	sdelay $0x3  }
0x37: {  	[smem:$0x3FA2] =	sst s10  }
0x38: {  	s10 =	sld [smem:$0x3FA3]  }
0x39: {  	_ = 	snop;
	(pc) =	sbr.ind lr, $3  }
0x3a: {  	_ = 	snop  }
0x3b: {  	_ = 	snop  }
0x3c: {  	p2 =	seq.s32 s10, $0x1;
	s10 =	sld [smem:$0x3FA2]  }
0x3d: {  	_ =	shalt  }
0x3e: {  	_ =	shalt  }
0x3f: {  	_ =	shalt  }
0x40: {  	_ =	shalt  }
0x41: {  	_ =	shalt  }
0x42: {  	_ =	shalt  }
0x43: {  	_ =	shalt  }
0x44: {  	_ =	shalt  }
0x45: {  	_ =	shalt  }
0x46: {  	_ =	shalt  }
0x47: {  	_ =	shalt  }
0x48: {  	_ =	shalt  }
0x49: {  	_ =	shalt  }
0x4a: {  	_ =	shalt  }
0x4b: {  	_ =	shalt  }
0x4c: {  	_ =	shalt  }
0x4d: {  	_ =	shalt  }
0x4e: {  	_ =	shalt  }
0x4f: {  	_ =	shalt  }
0x50: {  	_ =	shalt  }
0x51: {  	_ =	shalt  }
0x52: {  	_ =	shalt  }
0x53: {  	_ =	shalt  }
0x54: {  	_ =	shalt  }
0x55: {  	_ =	shalt  }
0x56: {  	_ =	shalt  }
0x57: {  	_ =	shalt  }
0x58: {  	_ =	shalt  }
0x59: {  	_ =	shalt  }
0x5a: {  	_ =	shalt  }
0x5b: {  	_ =	shalt  }
0x5c: {  	_ =	shalt  }
0x5d: {  	_ =	shalt  }
0x5e: {  	_ =	shalt  }
0x5f: {  	_ =	shalt  }
0x60: {  	_ =	shalt  }
0x61: {  	_ =	shalt  }
0x62: {  	_ =	shalt  }
0x63: {  	_ =	shalt  }
0x64: {  	_ =	shalt  }
0x65: {  	_ =	shalt  }
0x66: {  	_ =	shalt  }
0x67: {  	_ =	shalt  }
0x68: {  	_ =	shalt  }
0x69: {  	_ =	shalt  }
0x6a: {  	_ =	shalt  }
0x6b: {  	_ =	shalt  }
0x6c: {  	_ =	shalt  }
0x6d: {  	_ =	shalt  }
0x6e: {  	_ =	shalt  }
0x6f: {  	_ =	shalt  }
0x70: {  	_ =	shalt  }
0x71: {  	_ =	shalt  }
0x72: {  	_ =	shalt  }
0x73: {  	_ =	shalt  }
0x74: {  	_ =	shalt  }
0x75: {  	_ =	shalt  }
0x76: {  	_ =	shalt  }
0x77: {  	_ =	shalt  }
0x78: {  	_ =	shalt  }
0x79: {  	_ =	shalt  }
0x7a: {  	_ =	shalt  }
0x7b: {  	_ =	shalt  }
0x7c: {  	_ =	shalt  }
0x7d: {  	_ =	shalt  }
0x7e: {  	_ =	shalt  }
0x7f: {  	_ =	shalt  }
0x80: {  	_ =	shalt  }
0x81: {  	_ =	shalt  }
0x82: {  	_ =	shalt  }
0x83: {  	_ =	shalt  }
0x84: {  	_ =	shalt  }
0x85: {  	_ =	shalt  }
0x86: {  	_ =	shalt  }
0x87: {  	_ =	shalt  }
.Lfunc_end0:
.L_simem_size_0:
called_computation.4_lowered:
.L_overlay_start_0:
0x88: {  	s2 =	sld [smem:$0x3FD9]  }
0x89: {  	s3 =	sld [smem:$0x3FFE];
	_ =	sdelay $0x1  }
0x8a: {  	s1 =	srdreg.scid  }
0x8b: {  	s0 =	sand.u32 $0x1, s1  }
0x8c: {  	s16 =	sshll.u32 s0, $0xA;
	s2 =	sadd.s32 s3, s2  }
0x8d: {  	s2 =	sadd.s32 s2, s16  }
0x8e: {  	[smem:$0x3FAE] =	sst s2  }
0x8f: {  	_ = 	snop  }
0x90: {  	(tm) =	ssettm $0x1  }
0x91: {  	s17 =	sld [smem:$0x3FFB];
	_ =	sdelay $0x3  }
0x92: {  	_ =	strace s17  }
0x93: {  	s2 =	sld [smem:$0x3FFC];
	_ =	sdelay $0x3  }
0x94: {  	_ =	strace s2  }
0x95: {  	s2 =	sld [smem:$0x3FFD];
	_ =	sdelay $0x3  }
0x96: {  	_ =	strace s2  }
0x97: {  	_ =	strace $0x8FFFFFFF  }
0x98: {  	s18 =	sld [smem:$0x3FDB];
	_ =	sdelay $0x1  }
0x99: {  	s19 =	simm.s32 $_scs_section_size  }
0x9a: {  	s4 =	simm.s32 $_size__tile_overlayer_lowered;
	s5 =	simm.s32 $_tile_overlayer_lowered  }
0x9b: {  	s22 =	simm.s32 $0x1BFF;
	s21 =	sshll.u32 s5, $0x1;
	s2 =	sadd.s32 s19, s18  }
0x9c: {  	s6 =	simm.s32 $0x0;
	s20 =	sshll.u32 s4, $0x1;
	s4 =	sadd.s32 s21, s2  }
0x9d: {  	[timem:s6], [sflag:s22] =	dma.local [hbm:s4], s20  }
0x9e: {  	_ =	swait.ge [sflag:s22], s20  }
0x9f: {  	s3 =	ssub.s32 $0x0, s20;
	[sflag:s22] =	ssyncset.done $0x0  }
0xa0: {  	[sflag:s22] =	ssyncadd.s32 s3;
	_ =	sdelay $0x1  }
0xa1: {  	s23 =	simm.s32 $0x1B8B  }
0xa2: {  	_ =	swait.ge [sflag:s23], $0x1  }
0xa3: {  	[sflag:s23] =	ssyncset.done $0x0  }
0xa4: {  	s25 =	simm.s32 $0x1B8E;
	s24 =	sld [smem:$0x3FFE];
	[sflag:s23] =	ssyncadd.s32 $0xFFFFFFFF  }
0xa5: {  	s26 =	simm.s32 $execute0_lowered;
	[smem:$0x3FD2] =	sst s25  }
0xa6: {  	s4 =	sshll.u32 s26, $0x1;
	_ =	strace $0x80000052;
	[dreg:$0x1] =	wrdreg $0xFFFFFFFF  }
0xa7: {  	s28 =	simm.s32 $_size_execute0_lowered;
	s2 =	sadd.s32 s2, s4;
	[dreg:$0x0] =	wrdreg $0x0  }
0xa8: {  	s4 =	sshll.u32 s28, $0x1;
	[dreg:$0x2] =	wrdreg s2  }
0xa9: {  	[dreg:$0x3] =	wrdreg s4  }
0xaa: {  	[dreg:$0x4] =	wrdreg $0xC0  }
0xab: {  	_ =	task [dreg:s6], $0x5FFFF  }
0xac: {  	[dreg:$0x1] =	wrdreg $0xFFFFFFFF  }
0xad: {  	[dreg:$0x0] =	wrdreg $0x60  }
0xae: {  	[dreg:$0x2] =	wrdreg s24  }
0xaf: {  	[dreg:$0x3] =	wrdreg $0x9  }
0xb0: {  	_ =	task.clear_ibuf [dreg:s6], $0x4FFFF;
	_ =	strace $0x90000052  }
0xb1: {  	s29 =	simm.s32 $0x9;
	_ =	strace $0x80000054  }
0xb2: {  	_ =	swait.ge [sflag:s29], $0x1  }
0xb3: {  	[sflag:s29] =	ssyncadd.s32 $0xFFFFFFFF  }
0xb4: {  	_ =	strace $0x90000054  }
0xb5: {  	_ =	sfence  }
0xb6: {  	s30 =	sld [smem:$0x0];
	_ =	sdelay $0x2  }
0xb7: {  	s31 =	sshll.u32 s1, $0xD;
	s1 =	sshrl.u32 s1, $0x2  }
0xb8: {  	s3 =	sand.u32 $0x4000, s31;
	s1 =	sadd.s32 s1, s30  }
0xb9: {  	s0 =	sor.u32 s3, s0;
	s1 =	sshll.u32 s1, $0x11  }
0xba: {  	s0 =	sor.u32 s1, s0  }
0xbb: {  	s0 =	sadd.s32 $0x8F2B, s0  }
0xbc: {  	[sflag:s0] =	ssyncadd.remote.s32 $0x1  }
0xbd: {  	_ =	sfence.sel $0xFFFF  }
0xbe: {  	[dreg:$0x0] =	wrdreg $0xFFFFFFFF;
	(pc) =	sbr.abs _section_cstart, $3  }
0xbf: {  	[dreg:$0x1] =	wrdreg $0xFFFFFFFF  }
0xc0: {  	_ =	task.clear_ibuf [dreg:s6], $0x2FFFF;
	_ =	strace $0x9FFFFFFF  }
0xc1: {  	(tm) =	ssettm $0x7FFFFFFF  }
tec
execute0_lowered:
.L_overlay_start_1:
0x0: {  	(tag) =	ssettag $0x1  }
0x1: {  	s1 =	srdreg.scid;
	s0 =	stileid.u32  }
0x2: {  	s4 =	rddreg [dreg:$0x0];
	s2 =	simm.s32 $0x0;
	s10 =	simm.s32 $0x1  }
0x3: {  	s11 =	simm.s32 $0x1BD0;
	s12 =	simm.s32 $0x23A0;
	s13 =	simm.s32 $0x2B70  }
0x4: {  	s14 =	simm.s32 $0x3340;
	s15 =	simm.s32 $0x3B10;
	s16 =	simm.s32 $0x42E0  }
0x5: {  	s17 =	simm.s32 $0x4AB0;
	s3 =	sand.u32 $0x1, s1;
	s1 =	rddreg [dreg:$0x1]  }
0x6: {  	s18 =	simm.s32 $0x0;
	s30 =	sshll.u32 s0, $0x1;
	[smem:$0x7FF] =	sst s2  }
0x7: {  	s6 =	smul.u32 $0x4E20, s0;
	s5 =	sor.u32 s3, s30;
	_ =	strace $0x80000053  }
0x8: {  	s7 =	ssub.s32 $0x2, s3;
	s8 =	smul.u32 $0x2710, s3;
	s3 =	sadd.s32 $0x4800, s4  }
0x9: {  	s5 =	smul.u32 $0x280, s5;
	s6 =	sadd.s32 s6, s4;
	s9 =	sshrl.u32 s7, $0x1  }
0xa: {  	s31 =	ssub.s32 s7, s9;
	s6 =	sadd.s32 s8, s6;
	s7 =	simm.s32 $0x2  }
0xb: {  	s8 =	simm.s32 $0x7D;
	s9 =	simm.s32 $0x1400;
	s4 =	sadd.s32 s5, s4  }
0xc: {  	s5 =	smax.u32 s31, $0x1;
	s6 =	sadd.s32 $0x3A800, s6;
	s4 =	sadd.s32 $0x35800, s4  }
.LBB2_1:
0xd: {  	[tilespmem:s2], [sflag:$0x2] =	stream.linear.gather [hbm4b:s4+s2], $0x1400, $0x38;
	[tilespmem:$0x5280] =	vst v63  }
0xe: {  	_ =	swait.ge [sflag:s7], $0x1400  }
0xf: {  	[sflag:s7] =	ssyncset.done $0x0  }
0x10: {  	s19 =	simm.s32 $0x0;
	[sflag:s7] =	ssyncadd.s32 $0xFFFFEC00  }
0x11: {  	[tilespmem:s9], [sflag:$0x1] =	stream.indirect.gather [hbm4b:s3+s8], $0x10, s19, s8, $0xb8;
	[tilespmem:$0x5280] =	vst v63  }
0x12: {  	_ =	swait.ge [sflag:s10], $0x7D0  }
0x13: {  	[sflag:s10] =	ssyncset.done $0x0  }
0x14: {  	s24 =	simm.s32 $0x80;
	[sflag:s10] =	ssyncadd.s32 $0xFFFFF830  }
0x15: {  	[tilespmem:s11], [sflag:$0x1] =	stream.indirect.gather [hbm4b:s3+s8], $0x10, s24, s8, $0xb8;
	[tilespmem:$0x5280] =	vst v63  }
0x16: {  	_ =	swait.ge [sflag:s10], $0x7D0  }
0x17: {  	[sflag:s10] =	ssyncset.done $0x0  }
0x18: {  	s25 =	simm.s32 $0x100;
	[sflag:s10] =	ssyncadd.s32 $0xFFFFF830  }
0x19: {  	[tilespmem:s12], [sflag:$0x1] =	stream.indirect.gather [hbm4b:s3+s8], $0x10, s25, s8, $0xb8;
	[tilespmem:$0x5280] =	vst v63  }
0x1a: {  	_ =	swait.ge [sflag:s10], $0x7D0  }
0x1b: {  	[sflag:s10] =	ssyncset.done $0x0  }
0x1c: {  	s26 =	simm.s32 $0x180;
	[sflag:s10] =	ssyncadd.s32 $0xFFFFF830  }
0x1d: {  	[tilespmem:s13], [sflag:$0x1] =	stream.indirect.gather [hbm4b:s3+s8], $0x10, s26, s8, $0xb8;
	[tilespmem:$0x5280] =	vst v63  }
0x1e: {  	_ =	swait.ge [sflag:s10], $0x7D0  }
0x1f: {  	[sflag:s10] =	ssyncset.done $0x0  }
0x20: {  	s28 =	simm.s32 $0x200;
	[sflag:s10] =	ssyncadd.s32 $0xFFFFF830  }
0x21: {  	[tilespmem:s14], [sflag:$0x1] =	stream.indirect.gather [hbm4b:s3+s8], $0x10, s28, s8, $0xb8;
	[tilespmem:$0x5280] =	vst v63  }
0x22: {  	_ =	swait.ge [sflag:s10], $0x7D0  }
0x23: {  	[sflag:s10] =	ssyncset.done $0x0  }
0x24: {  	s29 =	simm.s32 $0x280;
	[sflag:s10] =	ssyncadd.s32 $0xFFFFF830  }
0x25: {  	[tilespmem:s15], [sflag:$0x1] =	stream.indirect.gather [hbm4b:s3+s8], $0x10, s29, s8, $0xb8;
	[tilespmem:$0x5280] =	vst v63  }
0x26: {  	_ =	swait.ge [sflag:s10], $0x7D0  }
0x27: {  	[sflag:s10] =	ssyncset.done $0x0  }
0x28: {  	s30 =	simm.s32 $0x300;
	[sflag:s10] =	ssyncadd.s32 $0xFFFFF830  }
0x29: {  	[tilespmem:s16], [sflag:$0x1] =	stream.indirect.gather [hbm4b:s3+s8], $0x10, s30, s8, $0xb8;
	[tilespmem:$0x5280] =	vst v63  }
0x2a: {  	_ =	swait.ge [sflag:s10], $0x7D0  }
0x2b: {  	[sflag:s10] =	ssyncset.done $0x0  }
0x2c: {  	s31 =	simm.s32 $0x380;
	[sflag:s10] =	ssyncadd.s32 $0xFFFFF830  }
0x2d: {  	[tilespmem:s17], [sflag:$0x1] =	stream.indirect.gather [hbm4b:s3+s8], $0x10, s31, s8, $0xb8;
	[tilespmem:$0x5280] =	vst v63  }
0x2e: {  	_ =	swait.ge [sflag:s10], $0x7D0  }
0x2f: {  	[sflag:s10] =	ssyncset.done $0x0  }
0x30: {  	[sflag:s10] =	ssyncadd.s32 $0xFFFFF830  }
0x31: {  	[hbm4b:s6+s2] =	stream.linear.scatter [tilespmem:s9], [sflag:$0x2], $0x3E80, $0x38;
	[tilespmem:$0x5280] =	vst v63  }
0x32: {  	s20 =	simm.s32 $0x1000;
	_ =	swait.ge [sflag:s7], $0x3E80  }
0x33: {  	s23 =	simm.s32 $0x2000;
	s19 =	sadd.s32 $0x7D0, s6;
	[sflag:s7] =	ssyncset.done $0x0  }
.LBB2_2:
0x34: {  	s22 =	sshra.s32 s20, $0x2  }
0x35: {  	[sflag:s7] =	ssyncadd.s32 $0xFFFFC180;
	s20 =	smov.u32 s23;
	s21 =	sadd.s32 $0x1000, s23  }
0x36: {  	[tilespmem:s9], [sflag:$0x1] =	stream.indirect.gather [hbm4b:s3+s8], $0x10, s22, s8, $0xb8;
	[tilespmem:$0x5280] =	vst v63  }
0x37: {  	p0 =	sne.s32 s23, $0x4000;
	_ =	swait.ge [sflag:s10], $0x7D0  }
0x38: {  	[sflag:s10] =	ssyncset.done $0x0  }
0x39: {  	s23 =	sadd.s32 $0x80, s22;
	[sflag:s10] =	ssyncadd.s32 $0xFFFFF830  }
0x3a: {  	[tilespmem:s11], [sflag:$0x1] =	stream.indirect.gather [hbm4b:s3+s8], $0x10, s23, s8, $0xb8;
	[tilespmem:$0x5280] =	vst v63  }
0x3b: {  	_ =	swait.ge [sflag:s10], $0x7D0  }
0x3c: {  	[sflag:s10] =	ssyncset.done $0x0  }
0x3d: {  	s23 =	sadd.s32 $0x100, s22;
	[sflag:s10] =	ssyncadd.s32 $0xFFFFF830  }
0x3e: {  	[tilespmem:s12], [sflag:$0x1] =	stream.indirect.gather [hbm4b:s3+s8], $0x10, s23, s8, $0xb8;
	[tilespmem:$0x5280] =	vst v63  }
0x3f: {  	_ =	swait.ge [sflag:s10], $0x7D0  }
0x40: {  	[sflag:s10] =	ssyncset.done $0x0  }
0x41: {  	s23 =	sadd.s32 $0x180, s22;
	[sflag:s10] =	ssyncadd.s32 $0xFFFFF830  }
0x42: {  	[tilespmem:s13], [sflag:$0x1] =	stream.indirect.gather [hbm4b:s3+s8], $0x10, s23, s8, $0xb8;
	[tilespmem:$0x5280] =	vst v63  }
0x43: {  	_ =	swait.ge [sflag:s10], $0x7D0  }
0x44: {  	[sflag:s10] =	ssyncset.done $0x0  }
0x45: {  	s23 =	sadd.s32 $0x200, s22;
	[sflag:s10] =	ssyncadd.s32 $0xFFFFF830  }
0x46: {  	[tilespmem:s14], [sflag:$0x1] =	stream.indirect.gather [hbm4b:s3+s8], $0x10, s23, s8, $0xb8;
	[tilespmem:$0x5280] =	vst v63  }
0x47: {  	_ =	swait.ge [sflag:s10], $0x7D0  }
0x48: {  	[sflag:s10] =	ssyncset.done $0x0  }
0x49: {  	s23 =	sadd.s32 $0x280, s22;
	[sflag:s10] =	ssyncadd.s32 $0xFFFFF830  }
0x4a: {  	[tilespmem:s15], [sflag:$0x1] =	stream.indirect.gather [hbm4b:s3+s8], $0x10, s23, s8, $0xb8;
	[tilespmem:$0x5280] =	vst v63  }
0x4b: {  	_ =	swait.ge [sflag:s10], $0x7D0  }
0x4c: {  	[sflag:s10] =	ssyncset.done $0x0  }
0x4d: {  	s23 =	sadd.s32 $0x300, s22;
	[sflag:s10] =	ssyncadd.s32 $0xFFFFF830  }
0x4e: {  	[tilespmem:s16], [sflag:$0x1] =	stream.indirect.gather [hbm4b:s3+s8], $0x10, s23, s8, $0xb8;
	[tilespmem:$0x5280] =	vst v63  }
0x4f: {  	_ =	swait.ge [sflag:s10], $0x7D0  }
0x50: {  	[sflag:s10] =	ssyncset.done $0x0  }
0x51: {  	s22 =	sadd.s32 $0x380, s22;
	[sflag:s10] =	ssyncadd.s32 $0xFFFFF830  }
0x52: {  	[tilespmem:s17], [sflag:$0x1] =	stream.indirect.gather [hbm4b:s3+s8], $0x10, s22, s8, $0xb8;
	[tilespmem:$0x5280] =	vst v63  }
0x53: {  	_ =	swait.ge [sflag:s10], $0x7D0  }
.Ltmp0:
0x54: {  	[sflag:s10] =	ssyncset.done $0x0;
	(pc) =	sbr.rel @p0 .LBB2_2-.Ltmp0, $4  }
0x55: {  	[sflag:s10] =	ssyncadd.s32 $0xFFFFF830  }
0x56: {  	[hbm4b:s19+s2] =	stream.linear.scatter [tilespmem:s9], [sflag:$0x2], $0x3E80, $0x38;
	[tilespmem:$0x5280] =	vst v63  }
0x57: {  	_ =	swait.ge [sflag:s7], $0x3E80  }
0x58: {  	s23 =	smov.u32 s21;
	s19 =	sadd.s32 $0x7D0, s19;
	[sflag:s7] =	ssyncset.done $0x0  }
0x59: {  	s20 =	sshra.s32 s20, $0x2;
	[sflag:s7] =	ssyncadd.s32 $0xFFFFC180  }
0x5a: {  	[tilespmem:s9], [sflag:$0x1] =	stream.indirect.gather [hbm4b:s3+s8], $0x10, s20, s8, $0xb8;
	[tilespmem:$0x5280] =	vst v63  }
0x5b: {  	_ =	swait.ge [sflag:s10], $0x7D0  }
0x5c: {  	[sflag:s10] =	ssyncset.done $0x0  }
0x5d: {  	s21 =	sadd.s32 $0x80, s20;
	[sflag:s10] =	ssyncadd.s32 $0xFFFFF830  }
0x5e: {  	[tilespmem:s11], [sflag:$0x1] =	stream.indirect.gather [hbm4b:s3+s8], $0x10, s21, s8, $0xb8;
	[tilespmem:$0x5280] =	vst v63  }
0x5f: {  	_ =	swait.ge [sflag:s10], $0x7D0  }
0x60: {  	[sflag:s10] =	ssyncset.done $0x0  }
0x61: {  	s26 =	sadd.s32 $0x100, s20;
	[sflag:s10] =	ssyncadd.s32 $0xFFFFF830  }
0x62: {  	[tilespmem:s12], [sflag:$0x1] =	stream.indirect.gather [hbm4b:s3+s8], $0x10, s26, s8, $0xb8;
	[tilespmem:$0x5280] =	vst v63  }
0x63: {  	_ =	swait.ge [sflag:s10], $0x7D0  }
0x64: {  	[sflag:s10] =	ssyncset.done $0x0  }
0x65: {  	s28 =	sadd.s32 $0x180, s20;
	[sflag:s10] =	ssyncadd.s32 $0xFFFFF830  }
0x66: {  	[tilespmem:s13], [sflag:$0x1] =	stream.indirect.gather [hbm4b:s3+s8], $0x10, s28, s8, $0xb8;
	[tilespmem:$0x5280] =	vst v63  }
0x67: {  	_ =	swait.ge [sflag:s10], $0x7D0  }
0x68: {  	[sflag:s10] =	ssyncset.done $0x0  }
0x69: {  	s29 =	sadd.s32 $0x200, s20;
	[sflag:s10] =	ssyncadd.s32 $0xFFFFF830  }
0x6a: {  	[tilespmem:s14], [sflag:$0x1] =	stream.indirect.gather [hbm4b:s3+s8], $0x10, s29, s8, $0xb8;
	[tilespmem:$0x5280] =	vst v63  }
0x6b: {  	_ =	swait.ge [sflag:s10], $0x7D0  }
0x6c: {  	[sflag:s10] =	ssyncset.done $0x0  }
0x6d: {  	s30 =	sadd.s32 $0x280, s20;
	[sflag:s10] =	ssyncadd.s32 $0xFFFFF830  }
0x6e: {  	[tilespmem:s15], [sflag:$0x1] =	stream.indirect.gather [hbm4b:s3+s8], $0x10, s30, s8, $0xb8;
	[tilespmem:$0x5280] =	vst v63  }
0x6f: {  	_ =	swait.ge [sflag:s10], $0x7D0  }
0x70: {  	[sflag:s10] =	ssyncset.done $0x0  }
0x71: {  	s31 =	sadd.s32 $0x300, s20;
	[sflag:s10] =	ssyncadd.s32 $0xFFFFF830  }
0x72: {  	[tilespmem:s16], [sflag:$0x1] =	stream.indirect.gather [hbm4b:s3+s8], $0x10, s31, s8, $0xb8;
	[tilespmem:$0x5280] =	vst v63  }
0x73: {  	_ =	swait.ge [sflag:s10], $0x7D0  }
0x74: {  	[sflag:s10] =	ssyncset.done $0x0  }
0x75: {  	s20 =	sadd.s32 $0x380, s20;
	[sflag:s10] =	ssyncadd.s32 $0xFFFFF830  }
0x76: {  	[tilespmem:s17], [sflag:$0x1] =	stream.indirect.gather [hbm4b:s3+s8], $0x10, s20, s8, $0xb8;
	[tilespmem:$0x5280] =	vst v63  }
0x77: {  	s18 =	sadd.s32 $0x1, s18;
	_ =	swait.ge [sflag:s10], $0x7D0  }
0x78: {  	p0 =	sne.s32 s18, s5;
	[sflag:s10] =	ssyncset.done $0x0  }
.Ltmp1:
0x79: {  	[sflag:s10] =	ssyncadd.s32 $0xFFFFF830;
	(pc) =	sbr.rel @p0 .LBB2_1-.Ltmp1, $4  }
0x7a: {  	[hbm4b:s19+s2] =	stream.linear.scatter [tilespmem:s9], [sflag:$0x2], $0x3E80, $0x38;
	[tilespmem:$0x5280] =	vst v63  }
0x7b: {  	_ =	swait.ge [sflag:s7], $0x3E80  }
0x7c: {  	[sflag:s7] =	ssyncset.done $0x0  }
0x7d: {  	[sflag:s7] =	ssyncadd.s32 $0xFFFFC180  }
0x7e: {  	_ =	sfence.sel $0x180000  }
0x7f: {  	[bflag:$0x0] =	sbarrier.arrive $0xFFFF  }
0x80: {  	p0 =	sne.s32 s0, $0x0;
	_ =	strace $0x90000053  }
0x81: {  	s0 =	sadd.s32 @!p0 $0x100000, s1;
	[bflag:$0x2] =	sbarrier.arrive $0xFFFF  }
0x82: {  	[sflag:s0] =	ssyncadd.tile.s32 @!p0 $0x1;
	_ =	shalt  }
.Lfunc_end2:
_tile_overlayer_lowered:
.L_overlay_start_2:
0x83: {  	(tag) =	ssettag $0x2  }
0x84: {  	s0 =	rddreg [dreg:$0x0];
	s2 =	stileid.u32  }
0x85: {  	s1 =	rddreg [dreg:$0x1];
	p0 =	sne.s32 s2, $0x0  }
0x86: {  	s3 =	rddreg [dreg:$0x2];
	[bflag:$0x3] =	sbarrier.arrive $0xFFFF;
	s2 =	simm.s32 @!p0 $0x1C02  }
0x87: {  	[timem:s3], [sflag:s2] =	dma.local @!p0 [hbm:s0], s1  }
0x88: {  	s0 =	simm.s32 @!p0 $0x2  }
0x89: {  	_ =	swait.ge @!p0 [sflag:s0], s1  }
0x8a: {  	s1 =	ssub.s32 @!p0 $0x0, s1;
	[sflag:s0] =	ssyncset.done @!p0 $0x0  }
0x8b: {  	[sflag:s0] =	ssyncadd.s32 @!p0 s1  }
0x8c: {  	[bflag:$0x3] =	sbarrier.arrive $0xFFFF  }
0x8d: {  	_ =	shalt  }

// kernel: kernel.29.cloned.1.call-start
scs
__scs_entry_jumppad:
0x0: {  	(pc) =	sbr.rel $0x88, $3  }
0x1: {  	(tag) =	ssettag $0x0;
	lr =	simm.s32 $0x1  }
0x2: {  	[smem:$0x3F87] =	sst lr;
	_ =	strace $0xD0000000  }
0x3: {  	_ = 	snop  }
0x4: {  	_ = 	snop  }
0x5: {  	_ = 	snop  }
0x6: {  	_ = 	snop  }
0x7: {  	_ = 	snop  }
__scs_overlays_trampoline_lowered:
0x8: {  	[smem:$0x3F96] =	sst s0  }
0x9: {  	[smem:$0x3F97] =	sst s1  }
0xa: {  	[smem:$0x3F98] =	sst s2  }
0xb: {  	[smem:$0x3F99] =	sst s3  }
0xc: {  	[smem:$0x3F9A] =	sst s4  }
0xd: {  	[smem:$0x3F9B] =	sst s5  }
0xe: {  	[smem:$0x3F9C] =	sst s6  }
0xf: {  	[smem:$0x3F9D] =	sst s7  }
0x10: {  	[smem:$0x3F9E] =	sst s8  }
0x11: {  	[smem:$0x3F9F] =	sst s9;
	s0 =	simm.s32 @!p0 $0x0  }
0x12: {  	s1 =	sld [smem:$0x3F85];
	s0 =	simm.s32 @p0 $0x1  }
0x13: {  	[smem:$0x3FA0] =	sst s0;
	s0 =	simm.s32 @!p1 $0x0  }
0x14: {  	s2 =	sld [smem:$0x3F84];
	s0 =	simm.s32 @p1 $0x1  }
0x15: {  	[smem:$0x3FA1] =	sst s0;
	s0 =	simm.s32 @!p2 $0x0  }
0x16: {  	s3 =	sld [smem:$0x3FDB];
	s0 =	simm.s32 @p2 $0x1  }
0x17: {  	s4 =	simm.s32 $0x1BF5;
	[smem:$0x3FA3] =	sst s0  }
0x18: {  	s0 =	sld [smem:$0x3F86];
	_ =	swait.ge [sflag:s4], $0x0  }
0x19: {  	s7 =	sld [smem:$0x3F87]  }
0x1a: {  	s8 =	sadd.s32 $0xFFFFE003, lr  }
0x1b: {  	s9 =	sadd.s32 $0xFFFFFEF7, lr;
	s5 =	simm.s32 $0xFFFFFFFF;
	p2 =	slt.u32 s8, $0xFFFFF086  }
0x1c: {  	p1 =	slt.u32 s9, $0xF7A;
	s5 =	simm.s32 @!p2 $0x0  }
0x1d: {  	s5 =	simm.s32 @p1 $0x1;
	p0 =	seq.s32 s7, s2  }
0x1e: {  	s7 =	smul.u32 @!p0 $0xF7A, s2;
	p2 =	seq.s32 @!p0 s5, $0x0  }
0x1f: {  	s9 =	smul.u32 $0xF7A, s1;
	s8 =	simm.s32 @!p0 $0x1BF5;
	p2 =	por !p2, p0  }
0x20: {  	[sflag:s8] =	ssyncset.s32 @!p0 $0xFFFFF086;
	s6 =	sadd.s32 @!p0 s3, s7;
	s7 =	simm.s32 @!p0 $0x108  }
0x21: {  	s3 =	sadd.s32 s3, s9;
	s6 =	sadd.s32 @!p0 $0x88, s6;
	s7 =	simm.s32 @p2 $0x1082  }
0x22: {  	[simem:s7], [sflag:s8] =	dma.local @!p0 [hbm:s6], $0xF7A  }
0x23: {  	s9 =	sor.u32 $0xD0000000, s2;
	s6 =	simm.s32 $0x108;
	_ =	swait.ge @!p0 [sflag:s8], $0x0  }
0x24: {  	s3 =	sadd.s32 $0x88, s3;
	s6 =	simm.s32 @!p1 $0x1082;
	[sflag:s4] =	ssyncset.s32 $0xFFFFF086  }
0x25: {  	[simem:s6], [sflag:s4] =	dma.local [hbm:s3], $0xF7A  }
0x26: {  	[smem:$0x3F87] =	sst s1;
	(tag) =	ssettag s2;
	_ =	strace s9  }
0x27: {  	s1 =	sld [smem:$0x3F97]  }
0x28: {  	s2 =	sld [smem:$0x3F98]  }
0x29: {  	s4 =	sld [smem:$0x3F9A]  }
0x2a: {  	p0 =	seq.s32 s5, $0x0;
	s5 =	sld [smem:$0x3F9B]  }
0x2b: {  	s6 =	sld [smem:$0x3F9C]  }
0x2c: {  	s7 =	sld [smem:$0x3F9D]  }
0x2d: {  	s3 =	simm.s32 $0x108;
	s8 =	sld [smem:$0x3F9E]  }
0x2e: {  	s3 =	simm.s32 @!p0 $0x1082;
	s9 =	sld [smem:$0x3F9F]  }
0x2f: {  	lr =	sadd.s32 s0, s3;
	s0 =	sld [smem:$0x3F96]  }
0x30: {  	s3 =	sld [smem:$0x3F99]  }
0x31: {  	[smem:$0x3FA2] =	sst s10  }
0x32: {  	s10 =	sld [smem:$0x3FA0];
	_ =	sdelay $0x3  }
0x33: {  	p0 =	seq.s32 s10, $0x1;
	s10 =	sld [smem:$0x3FA2];
	_ =	sdelay $0x3  }
0x34: {  	[smem:$0x3FA2] =	sst s10  }
0x35: {  	s10 =	sld [smem:$0x3FA1];
	_ =	sdelay $0x3  }
0x36: {  	p1 =	seq.s32 s10, $0x1;
	s10 =	sld [smem:$0x3FA2];
	_ =	sdelay $0x3  }
0x37: {  	[smem:$0x3FA2] =	sst s10  }
0x38: {  	s10 =	sld [smem:$0x3FA3]  }
0x39: {  	_ = 	snop;
	(pc) =	sbr.ind lr, $3  }
0x3a: {  	_ = 	snop  }
0x3b: {  	_ = 	snop  }
0x3c: {  	p2 =	seq.s32 s10, $0x1;
	s10 =	sld [smem:$0x3FA2]  }
0x3d: {  	_ =	shalt  }
0x3e: {  	_ =	shalt  }
0x3f: {  	_ =	shalt  }
0x40: {  	_ =	shalt  }
0x41: {  	_ =	shalt  }
0x42: {  	_ =	shalt  }
0x43: {  	_ =	shalt  }
0x44: {  	_ =	shalt  }
0x45: {  	_ =	shalt  }
0x46: {  	_ =	shalt  }
0x47: {  	_ =	shalt  }
0x48: {  	_ =	shalt  }
0x49: {  	_ =	shalt  }
0x4a: {  	_ =	shalt  }
0x4b: {  	_ =	shalt  }
0x4c: {  	_ =	shalt  }
0x4d: {  	_ =	shalt  }
0x4e: {  	_ =	shalt  }
0x4f: {  	_ =	shalt  }
0x50: {  	_ =	shalt  }
0x51: {  	_ =	shalt  }
0x52: {  	_ =	shalt  }
0x53: {  	_ =	shalt  }
0x54: {  	_ =	shalt  }
0x55: {  	_ =	shalt  }
0x56: {  	_ =	shalt  }
0x57: {  	_ =	shalt  }
0x58: {  	_ =	shalt  }
0x59: {  	_ =	shalt  }
0x5a: {  	_ =	shalt  }
0x5b: {  	_ =	shalt  }
0x5c: {  	_ =	shalt  }
0x5d: {  	_ =	shalt  }
0x5e: {  	_ =	shalt  }
0x5f: {  	_ =	shalt  }
0x60: {  	_ =	shalt  }
0x61: {  	_ =	shalt  }
0x62: {  	_ =	shalt  }
0x63: {  	_ =	shalt  }
0x64: {  	_ =	shalt  }
0x65: {  	_ =	shalt  }
0x66: {  	_ =	shalt  }
0x67: {  	_ =	shalt  }
0x68: {  	_ =	shalt  }
0x69: {  	_ =	shalt  }
0x6a: {  	_ =	shalt  }
0x6b: {  	_ =	shalt  }
0x6c: {  	_ =	shalt  }
0x6d: {  	_ =	shalt  }
0x6e: {  	_ =	shalt  }
0x6f: {  	_ =	shalt  }
0x70: {  	_ =	shalt  }
0x71: {  	_ =	shalt  }
0x72: {  	_ =	shalt  }
0x73: {  	_ =	shalt  }
0x74: {  	_ =	shalt  }
0x75: {  	_ =	shalt  }
0x76: {  	_ =	shalt  }
0x77: {  	_ =	shalt  }
0x78: {  	_ =	shalt  }
0x79: {  	_ =	shalt  }
0x7a: {  	_ =	shalt  }
0x7b: {  	_ =	shalt  }
0x7c: {  	_ =	shalt  }
0x7d: {  	_ =	shalt  }
0x7e: {  	_ =	shalt  }
0x7f: {  	_ =	shalt  }
0x80: {  	_ =	shalt  }
0x81: {  	_ =	shalt  }
0x82: {  	_ =	shalt  }
0x83: {  	_ =	shalt  }
0x84: {  	_ =	shalt  }
0x85: {  	_ =	shalt  }
0x86: {  	_ =	shalt  }
0x87: {  	_ =	shalt  }
.Lfunc_end0:
.L_simem_size_0:
called_computation.5_lowered:
.L_overlay_start_0:
0x88: {  	s2 =	sld [smem:$0x3FD9]  }
0x89: {  	s3 =	sld [smem:$0x3FFE];
	_ =	sdelay $0x1  }
0x8a: {  	s1 =	srdreg.scid  }
0x8b: {  	s0 =	sand.u32 $0x1, s1  }
0x8c: {  	s16 =	sshll.u32 s0, $0xA;
	s2 =	sadd.s32 s3, s2  }
0x8d: {  	s2 =	sadd.s32 s2, s16  }
0x8e: {  	[smem:$0x3FAE] =	sst s2  }
0x8f: {  	_ = 	snop  }
0x90: {  	(tm) =	ssettm $0x1  }
0x91: {  	s17 =	sld [smem:$0x3FFB];
	_ =	sdelay $0x3  }
0x92: {  	_ =	strace s17  }
0x93: {  	s2 =	sld [smem:$0x3FFC];
	_ =	sdelay $0x3  }
0x94: {  	_ =	strace s2  }
0x95: {  	s2 =	sld [smem:$0x3FFD];
	_ =	sdelay $0x3  }
0x96: {  	_ =	strace s2  }
0x97: {  	_ =	strace $0x8FFFFFFF  }
0x98: {  	s18 =	sld [smem:$0x3FDB];
	_ =	sdelay $0x1  }
0x99: {  	s19 =	simm.s32 $_scs_section_size  }
0x9a: {  	s4 =	simm.s32 $_size__tile_overlayer_lowered;
	s5 =	simm.s32 $_tile_overlayer_lowered  }
0x9b: {  	s22 =	simm.s32 $0x1BFF;
	s21 =	sshll.u32 s5, $0x1;
	s2 =	sadd.s32 s19, s18  }
0x9c: {  	s6 =	simm.s32 $0x0;
	s20 =	sshll.u32 s4, $0x1;
	s4 =	sadd.s32 s21, s2  }
0x9d: {  	[timem:s6], [sflag:s22] =	dma.local [hbm:s4], s20  }
0x9e: {  	_ =	swait.ge [sflag:s22], s20  }
0x9f: {  	s3 =	ssub.s32 $0x0, s20;
	[sflag:s22] =	ssyncset.done $0x0  }
0xa0: {  	[sflag:s22] =	ssyncadd.s32 s3;
	_ =	sdelay $0x1  }
0xa1: {  	s23 =	simm.s32 $0x1B8B  }
0xa2: {  	_ =	swait.ge [sflag:s23], $0x1  }
0xa3: {  	[sflag:s23] =	ssyncset.done $0x0  }
0xa4: {  	s25 =	simm.s32 $0x1B8E;
	s24 =	sld [smem:$0x3FFE];
	[sflag:s23] =	ssyncadd.s32 $0xFFFFFFFF  }
0xa5: {  	s26 =	simm.s32 $execute0_lowered;
	[smem:$0x3FD2] =	sst s25  }
0xa6: {  	s4 =	sshll.u32 s26, $0x1;
	_ =	strace $0x80000055;
	[dreg:$0x1] =	wrdreg $0xFFFFFFFF  }
0xa7: {  	s28 =	simm.s32 $_size_execute0_lowered;
	s2 =	sadd.s32 s2, s4;
	[dreg:$0x0] =	wrdreg $0x0  }
0xa8: {  	s4 =	sshll.u32 s28, $0x1;
	[dreg:$0x2] =	wrdreg s2  }
0xa9: {  	[dreg:$0x3] =	wrdreg s4  }
0xaa: {  	[dreg:$0x4] =	wrdreg $0xC0  }
0xab: {  	_ =	task [dreg:s6], $0x5FFFF  }
0xac: {  	[dreg:$0x1] =	wrdreg $0xFFFFFFFF  }
0xad: {  	[dreg:$0x0] =	wrdreg $0x60  }
0xae: {  	[dreg:$0x2] =	wrdreg s24  }
0xaf: {  	[dreg:$0x3] =	wrdreg $0x14C800  }
0xb0: {  	[dreg:$0x4] =	wrdreg $0x9  }
0xb1: {  	_ =	task.clear_ibuf [dreg:s6], $0x5FFFF;
	_ =	strace $0x90000055  }
0xb2: {  	s29 =	simm.s32 $0x9;
	_ =	strace $0x80000057  }
0xb3: {  	_ =	swait.ge [sflag:s29], $0x1  }
0xb4: {  	[sflag:s29] =	ssyncadd.s32 $0xFFFFFFFF  }
0xb5: {  	_ =	strace $0x90000057  }
0xb6: {  	_ =	sfence  }
0xb7: {  	s30 =	sld [smem:$0x0];
	_ =	sdelay $0x2  }
0xb8: {  	s31 =	sshll.u32 s1, $0xD;
	s1 =	sshrl.u32 s1, $0x2  }
0xb9: {  	s3 =	sand.u32 $0x4000, s31;
	s1 =	sadd.s32 s1, s30  }
0xba: {  	s0 =	sor.u32 s3, s0;
	s1 =	sshll.u32 s1, $0x11  }
0xbb: {  	s0 =	sor.u32 s1, s0  }
0xbc: {  	s0 =	sadd.s32 $0x8F2B, s0  }
0xbd: {  	[sflag:s0] =	ssyncadd.remote.s32 $0x1  }
0xbe: {  	_ =	sfence.sel $0xFFFF  }
0xbf: {  	[dreg:$0x0] =	wrdreg $0xFFFFFFFF;
	(pc) =	sbr.abs _section_cstart, $3  }
0xc0: {  	[dreg:$0x1] =	wrdreg $0xFFFFFFFF  }
0xc1: {  	_ =	task.clear_ibuf [dreg:s6], $0x2FFFF;
	_ =	strace $0x9FFFFFFF  }
0xc2: {  	(tm) =	ssettm $0x7FFFFFFF  }
0xc3: {  	_ =	shalt  }
tec
execute0_lowered:
.L_overlay_start_1:
0x0: {  	(tag) =	ssettag $0x1  }
0x1: {  	s1 =	srdreg.scid;
	s5 =	rddreg [dreg:$0x0]  }
0x2: {  	s0 =	stileid.u32;
	s2 =	rddreg [dreg:$0x1]  }
0x3: {  	s3 =	simm.s32 $0x0;
	s11 =	simm.s32 $0x1400;
	s9 =	smul.u32 $0x2710, s0  }
0x4: {  	s4 =	sand.u32 $0x1, s1;
	s29 =	sshll.u32 s0, $0x1;
	s30 =	smul.u32 $0x9C40, s0  }
0x5: {  	s1 =	rddreg [dreg:$0x2];
	s6 =	sor.u32 s4, s29;
	s8 =	smul.u32 $0x27100, s4  }
0x6: {  	s12 =	simm.s32 $0x0;
	[smem:$0x7FF] =	sst s3;
	s7 =	smul.u32 $0x2710, s6  }
0x7: {  	_ =	strace $0x80000056;
	s4 =	ssub.s32 $0x2, s4;
	s6 =	smul.u32 $0x280, s6  }
0x8: {  	s10 =	sshrl.u32 s4, $0x1;
	s31 =	sshrl.u32 s30, $0x2;
	s8 =	sadd.s32 s9, s8  }
0x9: {  	s10 =	ssub.s32 s4, s10;
	s4 =	sadd.s32 s31, s2;
	s9 =	simm.s32 $0x1  }
0xa: {  	s7 =	sadd.s32 s7, s5;
	s6 =	sadd.s32 s6, s5;
	s8 =	sshrl.u32 s8, $0x3  }
0xb: {  	s8 =	sadd.s32 s8, s5;
	s5 =	sadd.s32 $0x347C00, s6;
	s6 =	sadd.s32 $0x34CC00, s7  }
0xc: {  	v0 =	vimm.f32 $0.0e+00;
	s7 =	sadd.s32 $0x4800, s8;
	s8 =	smax.u32 s10, $0x1;
	s10 =	simm.s32 $0x7D  }
.LBB2_1:
0xd: {  	s13 =	simm.s32 $0x40;
	s14 =	simm.s32 $0x0  }
.LBB2_2:
0xe: {  	p0 =	sne.s32 s13, $0x9C00;
	[tilespmem:s14+$0x1400] =	vst v0;
	s14 =	smov.u32 s13;
	s13 =	sadd.s32 $0x40, s13  }
.Ltmp0:
0xf: {  	(pc) =	sbr.rel @p0 .LBB2_2-.Ltmp0, $2  }
0x10: {  	_ =	sdelay $0x2  }
0x11: {  	s14 =	sshra.s32 s14, $0x2  }
0x12: {  	[tilespmem:s14+$0x1400] =	vst v0;
	s13 =	simm.s32 $0x1400  }
0x13: {  	[spmem:s4] =	stream.linear.scatter [tilespmem:s13], [sflag:$0x1], $0x2710, $0x38;
	[tilespmem:$0x17390] =	vst v63  }
0x14: {  	_ =	swait.ge [sflag:s9], $0x2710  }
0x15: {  	[sflag:s9] =	ssyncset.done $0x0  }
0x16: {  	[sflag:s9] =	ssyncadd.s32 $0xFFFFD8F0  }
0x17: {  	s30 =	simm.s32 $0x0;
	[bflag:$0x0] =	sbarrier.arrive $0xFFFF  }
0x18: {  	[tilespmem:s30], [sflag:$0x1] =	stream.linear.gather [hbm4b:s5+s30], $0x1400, $0x38;
	[tilespmem:$0x17390] =	vst v63  }
0x19: {  	_ =	swait.ge [sflag:s9], $0x1400  }
0x1a: {  	[sflag:s9] =	ssyncset.done $0x0  }
0x1b: {  	[sflag:s9] =	ssyncadd.s32 $0xFFFFEC00  }
0x1c: {  	[tilespmem:s13], [sflag:$0x1] =	stream.linear.gather [hbm4b:s6+s30], $0x13880, $0x38;
	[tilespmem:$0x17390] =	vst v63  }
0x1d: {  	_ =	swait.ge [sflag:s9], $0x13880  }
0x1e: {  	[sflag:s9] =	ssyncset.done $0x0  }
0x1f: {  	s31 =	simm.s32 $0x0;
	[sflag:s9] =	ssyncadd.s32 $0xFFFEC780  }
0x20: {  	[spmem:s2] =	stream.indirect.scatter.add.f32 [tilespmem:s13], [sflag:$0x1], $0x10, s31, s10, $0xb8;
	[tilespmem:$0x17390] =	vst v63  }
0x21: {  	_ =	swait.ge [sflag:s9], $0x7D0  }
0x22: {  	s14 =	simm.s32 $0x200;
	[sflag:s9] =	ssyncset.done $0x0  }
.LBB2_4:
0x23: {  	s15 =	sshra.s32 s14, $0x2  }
0x24: {  	[sflag:s9] =	ssyncadd.s32 $0xFFFFF830;
	s13 =	sadd.s32 $0x7D0, s13;
	p0 =	sne.s32 s14, $0x4E00  }
0x25: {  	[spmem:s2] =	stream.indirect.scatter.add.f32 [tilespmem:s13], [sflag:$0x1], $0x10, s15, s10, $0xb8;
	[tilespmem:$0x17390] =	vst v63  }
.Ltmp1:
0x26: {  	_ = 	snop;
	(pc) =	sbr.rel @p0 .LBB2_4-.Ltmp1, $4  }
0x27: {  	_ = 	snop  }
0x28: {  	s14 =	sadd.s32 $0x200, s14  }
0x29: {  	_ =	swait.ge [sflag:s9], $0x7D0  }
0x2a: {  	[sflag:s9] =	ssyncset.done $0x0  }
0x2b: {  	[sflag:s9] =	ssyncadd.s32 $0xFFFFF830  }
0x2c: {  	[bflag:$0x0] =	sbarrier.arrive $0xFFFF  }
0x2d: {  	[tilespmem:s11], [sflag:$0x1] =	stream.linear.gather [spmem:s4], $0x2710, $0x38;
	[tilespmem:$0x17390] =	vst v63  }
0x2e: {  	s12 =	sadd.s32 $0x1, s12;
	_ =	swait.ge [sflag:s9], $0x2710  }
0x2f: {  	p0 =	sne.s32 s12, s8;
	[sflag:s9] =	ssyncset.done $0x0  }
.Ltmp2:
0x30: {  	[sflag:s9] =	ssyncadd.s32 $0xFFFFD8F0;
	(pc) =	sbr.rel @p0 .LBB2_1-.Ltmp2, $4  }
0x31: {  	[hbm4b:s7+s3] =	stream.linear.scatter [tilespmem:s11], [sflag:$0x1], $0x2710, $0x38;
	[tilespmem:$0x17390] =	vst v63  }
0x32: {  	_ =	swait.ge [sflag:s9], $0x2710  }
0x33: {  	[sflag:s9] =	ssyncset.done $0x0  }
0x34: {  	[sflag:s9] =	ssyncadd.s32 $0xFFFFD8F0  }
0x35: {  	_ =	sfence.sel $0x180000  }
0x36: {  	[bflag:$0x0] =	sbarrier.arrive $0xFFFF  }
0x37: {  	p0 =	sne.s32 s0, $0x0;
	_ =	strace $0x90000056  }
0x38: {  	s0 =	sadd.s32 @!p0 $0x100000, s1;
	[bflag:$0x2] =	sbarrier.arrive $0xFFFF  }
0x39: {  	[sflag:s0] =	ssyncadd.tile.s32 @!p0 $0x1;
	_ =	shalt  }
.Lfunc_end2:
_tile_overlayer_lowered:
.L_overlay_start_2:
0x3a: {  	(tag) =	ssettag $0x2  }
0x3b: {  	s0 =	rddreg [dreg:$0x0];
	s2 =	stileid.u32  }
0x3c: {  	s1 =	rddreg [dreg:$0x1];
	p0 =	sne.s32 s2, $0x0  }
0x3d: {  	s3 =	rddreg [dreg:$0x2];
	[bflag:$0x3] =	sbarrier.arrive $0xFFFF;
	s2 =	simm.s32 @!p0 $0x1C01  }
0x3e: {  	[timem:s3], [sflag:s2] =	dma.local @!p0 [hbm:s0], s1  }
0x3f: {  	s0 =	simm.s32 @!p0 $0x1  }
0x40: {  	_ =	swait.ge @!p0 [sflag:s0], s1  }
0x41: {  	s1 =	ssub.s32 @!p0 $0x0, s1;
	[sflag:s0] =	ssyncset.done @!p0 $0x0  }
0x42: {  	[sflag:s0] =	ssyncadd.s32 @!p0 s1  }
0x43: {  	[bflag:$0x3] =	sbarrier.arrive $0xFFFF  }
0x44: {  	_ =	shalt  }

</sc_bundles>
